<compile_context>
chip_gen: v7x
topology: tpu7x:2x2x1
jax: 0.10.2.dev20260603
libtpu: 0.0.44.dev20260713+nightly
codegen_flags: <defaults>
</compile_context>

<pallas_src>
import jax
import jax.numpy as jnp
from jax import lax
from jax.experimental import pallas as pl
from jax.experimental.pallas import tpu as pltpu
from jax.experimental.pallas import tpu_sc as plsc

B = 4096
T = 200
D = 64
VOCAB = 1000000

NC = 2
NS = 16
TR = T // 8
CB = B // 128


def _sc_body(tok_hbm, table_hbm, pos_hbm, out_hbm,
             pos_v, idx2, grow2, sbuf2, gsem0, gsem1, osem0, osem1):
    wid = lax.axis_index("s") * NC + lax.axis_index("c")
    gsems = (gsem0, gsem1)
    osems = (osem0, osem1)

    pltpu.sync_copy(pos_hbm, pos_v)

    iotas = [lax.iota(jnp.int32, 16) + 16 * q for q in range(4)]

    def start_gather(t, slot):
        tr = lax.shift_right_logical(t, 3)
        s = lax.bitwise_and(t, 7)
        pltpu.sync_copy(tok_hbm.at[tr, wid, s], idx2.at[slot])
        pltpu.make_async_copy(
            table_hbm.at[idx2.at[slot]], grow2.at[slot], gsems[slot]
        ).start()

    def wait_gather(slot):
        pltpu.make_async_copy(
            table_hbm.at[idx2.at[slot]], grow2.at[slot], gsems[slot]
        ).wait()

    def out_copy(t, r, slot):
        return pltpu.make_async_copy(
            sbuf2.at[slot, pl.ds(8 * r, 8), pl.ds(0, 128)],
            out_hbm.at[t, r, wid],
            osems[slot],
        )

    start_gather(0, 0)

    def gbody(g, carry):
        for b in range(2):
            t = 2 * g + b
            nt = t + 1

            @pl.when(nt < T)
            def _():
                start_gather(nt, 1 - b)

            wait_gather(b)

            @pl.when(t >= 2)
            def _():
                for r in range(8):
                    out_copy(t - 2, r, b).wait()

            pvec = [pos_v[t, pl.ds(16 * q, 16)] for q in range(4)]
            sb = sbuf2.at[b]

            @plsc.parallel_loop(0, 128, 1, unroll=16)
            def _(j):
                jf = jnp.full((16,), 0, jnp.int32) + j
                for q in range(4):
                    val = grow2[b, j, pl.ds(16 * q, 16)] + pvec[q]
                    plsc.store_scatter(sb, [iotas[q], jf], val)

            for r in range(8):
                out_copy(t, r, b).start()
        return carry

    lax.fori_loop(0, T // 2, gbody, 0)
    for b, t in ((0, T - 2), (1, T - 1)):
        for r in range(8):
            out_copy(t, r, b).wait()


@jax.jit
def _sc_lookup(tok5, emb_weight, pos):
    mesh = plsc.VectorSubcoreMesh(core_axis_name="c", subcore_axis_name="s")
    fn = pl.kernel(
        _sc_body,
        out_type=jax.ShapeDtypeStruct((T, 8, CB, 8, 128), jnp.float32),
        mesh=mesh,
        scratch_types=[
            pltpu.VMEM((T, D), jnp.float32),
            pltpu.VMEM((2, 128), jnp.int32),
            pltpu.VMEM((2, 128, D), jnp.float32),
            pltpu.VMEM((2, D, 133), jnp.float32),
            pltpu.SemaphoreType.DMA,
            pltpu.SemaphoreType.DMA,
            pltpu.SemaphoreType.DMA,
            pltpu.SemaphoreType.DMA,
        ],
        compiler_params=pltpu.CompilerParams(
            use_tc_tiling_on_sc=False, needs_layout_passes=False
        ),
    )
    return fn(tok5, emb_weight, pos)


def kernel(tokens, emb_weight, pos):
    tok5 = (tokens.astype(jnp.int32)
            .reshape(CB, 128, TR, 8).transpose(2, 0, 3, 1))
    out5 = _sc_lookup(tok5, emb_weight, pos)
    return out5.transpose(2, 4, 0, 1, 3).reshape(B, T, D)

# --- scband reference (transcript-rebuilt; emitter-appended) ---
"""Pipeline reference for scband-text-sensor-45999099740171 (READ-ONLY COPY).

The authoritative reference and input builder live on the scoring server;
editing this copy changes nothing except your own understanding.
"""

import jax, jax.numpy as jnp
import numpy as np

VOCAB = 1000000
D_MODEL = 64
CTX_LEN = 200
B = 4096
T = 200

def setup_inputs(seed: int = 0) -> dict:
    key = jax.random.key(seed)
    k_tok, k_emb, k_pos = jax.random.split(key, 3)
    tokens = jax.random.randint(k_tok, (B, T), 0, VOCAB, dtype=jnp.int64 if jax.config.jax_enable_x64 else jnp.int32)
    emb_weight = jax.random.normal(k_emb, (VOCAB, D_MODEL), dtype=jnp.float32)
    pos = jax.random.normal(k_pos, (CTX_LEN, D_MODEL), dtype=jnp.float32) / (D_MODEL ** 0.5)
    return {"tokens": tokens, "emb_weight": emb_weight, "pos": pos}

def reference(tokens, emb_weight, pos):
    # tokens: [B, T]; emb_weight: [VOCAB, D]; pos: [CTX_LEN, D]
    Tcur = tokens.shape[1]
    x = jnp.take(emb_weight, tokens, axis=0) + pos[:Tcur]
    # Original returns (x, emb_module); module handle is a weight-tying artifact,
    # the tensor output is x.
    return x

if __name__ == "__main__":
    import jax
    _d = setup_inputs()
    print(jax.jit(kernel)(*tuple(_d.values())))

</pallas_src>

<mosaic_0001>
#map = affine_map<(d0, d1) -> (0, 0, 0, 0)>
#map1 = affine_map<(d0, d1) -> (0, 0)>
#map2 = affine_map<(d0, d1) -> (0, 0, 0, 0, 0)>
module attributes {stable_mosaic.version = 14 : i64} {
  func.func @_sc_body(%arg0: i32, %arg1: i32, %arg2: memref<25x32x8x128xi32, #tpu.memory_space<hbm>>, %arg3: memref<1000000x64xf32, #tpu.memory_space<hbm>>, %arg4: memref<200x64xf32, #tpu.memory_space<hbm>>, %arg5: memref<200x8x32x8x128xf32, #tpu.memory_space<hbm>>, %arg6: memref<200x64xf32, #tpu.memory_space<vmem>>, %arg7: memref<2x128xi32, #tpu.memory_space<vmem>>, %arg8: memref<2x128x64xf32, #tpu.memory_space<vmem>>, %arg9: memref<2x64x133xf32, #tpu.memory_space<vmem>>, %arg10: memref<!tpu.dma_semaphore, #tpu.memory_space<semaphore_mem>>, %arg11: memref<!tpu.dma_semaphore, #tpu.memory_space<semaphore_mem>>, %arg12: memref<!tpu.dma_semaphore, #tpu.memory_space<semaphore_mem>>, %arg13: memref<!tpu.dma_semaphore, #tpu.memory_space<semaphore_mem>>) attributes {dimension_semantics = [#tpu.dimension_semantics<core_parallel>, #tpu.dimension_semantics<subcore_parallel>], iteration_bounds = array<i64: 2, 16>, scalar_prefetch = 0 : i64, scratch_operands = 8 : i64, tpu.core_type = #tpu.core_type<sc_vector_subcore>, window_params = [{transform_indices = #map}, {transform_indices = #map1}, {transform_indices = #map1}, {transform_indices = #map2}]} {
    %mul3A = arith.constant 2 : i32
    %mul3A_0 = arith.muli %arg1, %mul3A : i32
    %add3A = arith.addi %mul3A_0, %arg0 : i32
    "tpu.region"() ({
      %run_scoped3A_339 = tpu.sem_alloc : memref<!tpu.dma_semaphore, #tpu.memory_space<semaphore_mem>>
      tpu.enqueue_dma source(%arg4 : memref<200x64xf32, #tpu.memory_space<hbm>>) target(%arg6 : memref<200x64xf32, #tpu.memory_space<vmem>>) target_semaphore(%run_scoped3A_339 : memref<!tpu.dma_semaphore, #tpu.memory_space<semaphore_mem>>)
      tpu.wait_dma2 semaphore(%run_scoped3A_339 : memref<!tpu.dma_semaphore, #tpu.memory_space<semaphore_mem>>) src(%arg4 : memref<200x64xf32, #tpu.memory_space<hbm>>) dst(%arg6 : memref<200x64xf32, #tpu.memory_space<vmem>>)
      tpu.yield
    }) : () -> ()
    %iota3A = tpu.iota {dimensions = array<i32: 0>} : vector<16xi32>
    %add3A_1 = arith.constant 0 : i32
    %add3A_2 = vector.broadcast %add3A_1 : i32 to vector<16xi32>
    %add3A_3 = arith.addi %iota3A, %add3A_2 : vector<16xi32>
    %iota3A_4 = tpu.iota {dimensions = array<i32: 0>} : vector<16xi32>
    %add3A_5 = arith.constant 16 : i32
    %add3A_6 = vector.broadcast %add3A_5 : i32 to vector<16xi32>
    %add3A_7 = arith.addi %iota3A_4, %add3A_6 : vector<16xi32>
    %iota3A_8 = tpu.iota {dimensions = array<i32: 0>} : vector<16xi32>
    %add3A_9 = arith.constant 32 : i32
    %add3A_10 = vector.broadcast %add3A_9 : i32 to vector<16xi32>
    %add3A_11 = arith.addi %iota3A_8, %add3A_10 : vector<16xi32>
    %iota3A_12 = tpu.iota {dimensions = array<i32: 0>} : vector<16xi32>
    %add3A_13 = arith.constant 48 : i32
    %add3A_14 = vector.broadcast %add3A_13 : i32 to vector<16xi32>
    %add3A_15 = arith.addi %iota3A_12, %add3A_14 : vector<16xi32>
    %shift_right_logical3A = arith.constant 0 : i32
    %shift_right_logical3A_16 = arith.constant 3 : i32
    %shift_right_logical3A_17 = arith.shrui %shift_right_logical3A, %shift_right_logical3A_16 : i32
    %and3A = arith.constant 0 : i32
    %and3A_18 = arith.constant 7 : i32
    %and3A_19 = arith.andi %and3A, %and3A_18 : i32
    %run_scoped3A = arith.constant 0 : i32
    "tpu.region"() ({
      %run_scoped3A_339 = tpu.sem_alloc : memref<!tpu.dma_semaphore, #tpu.memory_space<semaphore_mem>>
      %dma_start3A_340 = arith.constant 0 : i32
      %dma_start3A_341 = tpu.memref_slice %arg7[%run_scoped3A, %dma_start3A_340] : memref<2x128xi32, #tpu.memory_space<vmem>> -> memref<1x128xi32, #tpu.memory_space<vmem>>
      %dma_start3A_342 = tpu.memref_squeeze %dma_start3A_341 : memref<1x128xi32, #tpu.memory_space<vmem>> -> memref<128xi32, #tpu.memory_space<vmem>>
      %dma_start3A_343 = arith.constant 0 : i32
      %dma_start3A_344 = tpu.memref_slice %arg2[%shift_right_logical3A_17, %add3A, %and3A_19, %dma_start3A_343] : memref<25x32x8x128xi32, #tpu.memory_space<hbm>> -> memref<1x1x1x128xi32, #tpu.memory_space<hbm>>
      %dma_start3A_345 = tpu.memref_squeeze %dma_start3A_344 : memref<1x1x1x128xi32, #tpu.memory_space<hbm>> -> memref<128xi32, #tpu.memory_space<hbm>>
      %dma_start3A_346 = arith.constant 0 : i32
      %dma_start3A_347 = tpu.memref_slice %arg7[%run_scoped3A, %dma_start3A_346] : memref<2x128xi32, #tpu.memory_space<vmem>> -> memref<1x128xi32, #tpu.memory_space<vmem>>
      %dma_start3A_348 = tpu.memref_squeeze %dma_start3A_347 : memref<1x128xi32, #tpu.memory_space<vmem>> -> memref<128xi32, #tpu.memory_space<vmem>>
      %dma_start3A_349 = arith.constant 0 : i32
      %dma_start3A_350 = tpu.memref_slice %arg2[%shift_right_logical3A_17, %add3A, %and3A_19, %dma_start3A_349] : memref<25x32x8x128xi32, #tpu.memory_space<hbm>> -> memref<1x1x1x128xi32, #tpu.memory_space<hbm>>
      %dma_start3A_351 = tpu.memref_squeeze %dma_start3A_350 : memref<1x1x1x128xi32, #tpu.memory_space<hbm>> -> memref<128xi32, #tpu.memory_space<hbm>>
      tpu.enqueue_dma source(%dma_start3A_351 : memref<128xi32, #tpu.memory_space<hbm>>) target(%dma_start3A_348 : memref<128xi32, #tpu.memory_space<vmem>>) target_semaphore(%run_scoped3A_339 : memref<!tpu.dma_semaphore, #tpu.memory_space<semaphore_mem>>)
      %dma_wait3A_352 = arith.constant 0 : i32
      %dma_wait3A_353 = tpu.memref_slice %arg7[%run_scoped3A, %dma_wait3A_352] : memref<2x128xi32, #tpu.memory_space<vmem>> -> memref<1x128xi32, #tpu.memory_space<vmem>>
      %dma_wait3A_354 = tpu.memref_squeeze %dma_wait3A_353 : memref<1x128xi32, #tpu.memory_space<vmem>> -> memref<128xi32, #tpu.memory_space<vmem>>
      %dma_wait3A_355 = arith.constant 0 : i32
      %dma_wait3A_356 = tpu.memref_slice %arg2[%shift_right_logical3A_17, %add3A, %and3A_19, %dma_wait3A_355] : memref<25x32x8x128xi32, #tpu.memory_space<hbm>> -> memref<1x1x1x128xi32, #tpu.memory_space<hbm>>
      %dma_wait3A_357 = tpu.memref_squeeze %dma_wait3A_356 : memref<1x1x1x128xi32, #tpu.memory_space<hbm>> -> memref<128xi32, #tpu.memory_space<hbm>>
      %dma_wait3A_358 = arith.constant 0 : i32
      %dma_wait3A_359 = tpu.memref_slice %arg7[%run_scoped3A, %dma_wait3A_358] : memref<2x128xi32, #tpu.memory_space<vmem>> -> memref<1x128xi32, #tpu.memory_space<vmem>>
      %dma_wait3A_360 = tpu.memref_squeeze %dma_wait3A_359 : memref<1x128xi32, #tpu.memory_space<vmem>> -> memref<128xi32, #tpu.memory_space<vmem>>
      %dma_wait3A_361 = arith.constant 0 : i32
      %dma_wait3A_362 = tpu.memref_slice %arg2[%shift_right_logical3A_17, %add3A, %and3A_19, %dma_wait3A_361] : memref<25x32x8x128xi32, #tpu.memory_space<hbm>> -> memref<1x1x1x128xi32, #tpu.memory_space<hbm>>
      %dma_wait3A_363 = tpu.memref_squeeze %dma_wait3A_362 : memref<1x1x1x128xi32, #tpu.memory_space<hbm>> -> memref<128xi32, #tpu.memory_space<hbm>>
      tpu.wait_dma2 semaphore(%run_scoped3A_339 : memref<!tpu.dma_semaphore, #tpu.memory_space<semaphore_mem>>) src(%dma_wait3A_363 : memref<128xi32, #tpu.memory_space<hbm>>) dst(%dma_wait3A_360 : memref<128xi32, #tpu.memory_space<vmem>>)
      tpu.yield
    }) : () -> ()
    %dma_start3A = arith.constant 0 : i32
    %dma_start3A_20 = arith.constant 0 : i32
    %dma_start3A_21 = arith.constant 0 : i32
    %dma_start3A_22 = arith.constant 0 : i32
    %dma_start3A_23 = tpu.memref_slice %arg8[%dma_start3A_20, %dma_start3A_21, %dma_start3A_22] : memref<2x128x64xf32, #tpu.memory_space<vmem>> -> memref<1x128x64xf32, #tpu.memory_space<vmem>>
    %dma_start3A_24 = tpu.memref_squeeze %dma_start3A_23 : memref<1x128x64xf32, #tpu.memory_space<vmem>> -> memref<128x64xf32, #tpu.memory_space<vmem>>
    %dma_start3A_25 = arith.constant 0 : i32
    %dma_start3A_26 = tpu.memref_slice %arg7[%dma_start3A, %dma_start3A_25] : memref<2x128xi32, #tpu.memory_space<vmem>> -> memref<1x128xi32, #tpu.memory_space<vmem>>
    %dma_start3A_27 = tpu.memref_squeeze %dma_start3A_26 : memref<1x128xi32, #tpu.memory_space<vmem>> -> memref<128xi32, #tpu.memory_space<vmem>>
    %dma_start3A_28 = arith.constant 0 : i32
    %dma_start3A_29 = arith.constant 0 : i32
    %dma_start3A_30 = tpu.memref_slice %arg3[%dma_start3A_28, %dma_start3A_29] : memref<1000000x64xf32, #tpu.memory_space<hbm>> -> memref<1000000x64xf32, #tpu.memory_space<hbm>>
    tpu.enqueue_indirect_dma source(%dma_start3A_30 : memref<1000000x64xf32, #tpu.memory_space<hbm>>) target(%dma_start3A_24 : memref<128x64xf32, #tpu.memory_space<vmem>>) offsets(%dma_start3A_27 : memref<128xi32, #tpu.memory_space<vmem>>) semaphore(%arg10 : memref<!tpu.dma_semaphore, #tpu.memory_space<semaphore_mem>>)
    %scan3A = arith.constant 0 : i32
    %scan3A_31 = arith.constant 0 : i32
    %scan3A_32 = arith.constant 100 : i32
    %scan3A_33 = arith.addi %scan3A_31, %scan3A_32 : i32
    %scan3A_34 = arith.constant 1 : i32
    scf.for %scan3A_339 = %scan3A_31 to %scan3A_33 step %scan3A_34  : i32 {
      %mul3A_340 = arith.constant 2 : i32
      %mul3A_341 = arith.muli %mul3A_340, %scan3A_339 : i32
      %add3A_342 = arith.constant 0 : i32
      %add3A_343 = arith.addi %mul3A_341, %add3A_342 : i32
      %add3A_344 = arith.constant 1 : i32
      %add3A_345 = arith.addi %add3A_343, %add3A_344 : i32
      %lt3A = arith.constant 200 : i32
      %lt3A_346 = arith.cmpi slt, %add3A_345, %lt3A : i32
      %convert_element_type3A = arith.extui %lt3A_346 : i1 to i32
      %cond3A = arith.constant 0 : i32
      %cond3A_347 = arith.cmpi ne, %convert_element_type3A, %cond3A : i32
      scf.if %cond3A_347 {
        %shift_right_logical3A_710 = arith.constant 3 : i32
        %shift_right_logical3A_711 = arith.shrui %add3A_345, %shift_right_logical3A_710 : i32
        %and3A_712 = arith.constant 7 : i32
        %and3A_713 = arith.andi %add3A_345, %and3A_712 : i32
        %run_scoped3A_714 = arith.constant 1 : i32
        "tpu.region"() ({
          %run_scoped3A_727 = tpu.sem_alloc : memref<!tpu.dma_semaphore, #tpu.memory_space<semaphore_mem>>
          %dma_start3A_728 = arith.constant 0 : i32
          %dma_start3A_729 = tpu.memref_slice %arg7[%run_scoped3A_714, %dma_start3A_728] : memref<2x128xi32, #tpu.memory_space<vmem>> -> memref<1x128xi32, #tpu.memory_space<vmem>>
          %dma_start3A_730 = tpu.memref_squeeze %dma_start3A_729 : memref<1x128xi32, #tpu.memory_space<vmem>> -> memref<128xi32, #tpu.memory_space<vmem>>
          %dma_start3A_731 = arith.constant 0 : i32
          %dma_start3A_732 = tpu.memref_slice %arg2[%shift_right_logical3A_711, %add3A, %and3A_713, %dma_start3A_731] : memref<25x32x8x128xi32, #tpu.memory_space<hbm>> -> memref<1x1x1x128xi32, #tpu.memory_space<hbm>>
          %dma_start3A_733 = tpu.memref_squeeze %dma_start3A_732 : memref<1x1x1x128xi32, #tpu.memory_space<hbm>> -> memref<128xi32, #tpu.memory_space<hbm>>
          %dma_start3A_734 = arith.constant 0 : i32
          %dma_start3A_735 = tpu.memref_slice %arg7[%run_scoped3A_714, %dma_start3A_734] : memref<2x128xi32, #tpu.memory_space<vmem>> -> memref<1x128xi32, #tpu.memory_space<vmem>>
          %dma_start3A_736 = tpu.memref_squeeze %dma_start3A_735 : memref<1x128xi32, #tpu.memory_space<vmem>> -> memref<128xi32, #tpu.memory_space<vmem>>
          %dma_start3A_737 = arith.constant 0 : i32
          %dma_start3A_738 = tpu.memref_slice %arg2[%shift_right_logical3A_711, %add3A, %and3A_713, %dma_start3A_737] : memref<25x32x8x128xi32, #tpu.memory_space<hbm>> -> memref<1x1x1x128xi32, #tpu.memory_space<hbm>>
          %dma_start3A_739 = tpu.memref_squeeze %dma_start3A_738 : memref<1x1x1x128xi32, #tpu.memory_space<hbm>> -> memref<128xi32, #tpu.memory_space<hbm>>
          tpu.enqueue_dma source(%dma_start3A_739 : memref<128xi32, #tpu.memory_space<hbm>>) target(%dma_start3A_736 : memref<128xi32, #tpu.memory_space<vmem>>) target_semaphore(%run_scoped3A_727 : memref<!tpu.dma_semaphore, #tpu.memory_space<semaphore_mem>>)
          %dma_wait3A_740 = arith.constant 0 : i32
          %dma_wait3A_741 = tpu.memref_slice %arg7[%run_scoped3A_714, %dma_wait3A_740] : memref<2x128xi32, #tpu.memory_space<vmem>> -> memref<1x128xi32, #tpu.memory_space<vmem>>
          %dma_wait3A_742 = tpu.memref_squeeze %dma_wait3A_741 : memref<1x128xi32, #tpu.memory_space<vmem>> -> memref<128xi32, #tpu.memory_space<vmem>>
          %dma_wait3A_743 = arith.constant 0 : i32
          %dma_wait3A_744 = tpu.memref_slice %arg2[%shift_right_logical3A_711, %add3A, %and3A_713, %dma_wait3A_743] : memref<25x32x8x128xi32, #tpu.memory_space<hbm>> -> memref<1x1x1x128xi32, #tpu.memory_space<hbm>>
          %dma_wait3A_745 = tpu.memref_squeeze %dma_wait3A_744 : memref<1x1x1x128xi32, #tpu.memory_space<hbm>> -> memref<128xi32, #tpu.memory_space<hbm>>
          %dma_wait3A_746 = arith.constant 0 : i32
          %dma_wait3A_747 = tpu.memref_slice %arg7[%run_scoped3A_714, %dma_wait3A_746] : memref<2x128xi32, #tpu.memory_space<vmem>> -> memref<1x128xi32, #tpu.memory_space<vmem>>
          %dma_wait3A_748 = tpu.memref_squeeze %dma_wait3A_747 : memref<1x128xi32, #tpu.memory_space<vmem>> -> memref<128xi32, #tpu.memory_space<vmem>>
          %dma_wait3A_749 = arith.constant 0 : i32
          %dma_wait3A_750 = tpu.memref_slice %arg2[%shift_right_logical3A_711, %add3A, %and3A_713, %dma_wait3A_749] : memref<25x32x8x128xi32, #tpu.memory_space<hbm>> -> memref<1x1x1x128xi32, #tpu.memory_space<hbm>>
          %dma_wait3A_751 = tpu.memref_squeeze %dma_wait3A_750 : memref<1x1x1x128xi32, #tpu.memory_space<hbm>> -> memref<128xi32, #tpu.memory_space<hbm>>
          tpu.wait_dma2 semaphore(%run_scoped3A_727 : memref<!tpu.dma_semaphore, #tpu.memory_space<semaphore_mem>>) src(%dma_wait3A_751 : memref<128xi32, #tpu.memory_space<hbm>>) dst(%dma_wait3A_748 : memref<128xi32, #tpu.memory_space<vmem>>)
          tpu.yield
        }) : () -> ()
        %dma_start3A_715 = arith.constant 1 : i32
        %dma_start3A_716 = arith.constant 1 : i32
        %dma_start3A_717 = arith.constant 0 : i32
        %dma_start3A_718 = arith.constant 0 : i32
        %dma_start3A_719 = tpu.memref_slice %arg8[%dma_start3A_716, %dma_start3A_717, %dma_start3A_718] : memref<2x128x64xf32, #tpu.memory_space<vmem>> -> memref<1x128x64xf32, #tpu.memory_space<vmem>>
        %dma_start3A_720 = tpu.memref_squeeze %dma_start3A_719 : memref<1x128x64xf32, #tpu.memory_space<vmem>> -> memref<128x64xf32, #tpu.memory_space<vmem>>
        %dma_start3A_721 = arith.constant 0 : i32
        %dma_start3A_722 = tpu.memref_slice %arg7[%dma_start3A_715, %dma_start3A_721] : memref<2x128xi32, #tpu.memory_space<vmem>> -> memref<1x128xi32, #tpu.memory_space<vmem>>
        %dma_start3A_723 = tpu.memref_squeeze %dma_start3A_722 : memref<1x128xi32, #tpu.memory_space<vmem>> -> memref<128xi32, #tpu.memory_space<vmem>>
        %dma_start3A_724 = arith.constant 0 : i32
        %dma_start3A_725 = arith.constant 0 : i32
        %dma_start3A_726 = tpu.memref_slice %arg3[%dma_start3A_724, %dma_start3A_725] : memref<1000000x64xf32, #tpu.memory_space<hbm>> -> memref<1000000x64xf32, #tpu.memory_space<hbm>>
        tpu.enqueue_indirect_dma source(%dma_start3A_726 : memref<1000000x64xf32, #tpu.memory_space<hbm>>) target(%dma_start3A_720 : memref<128x64xf32, #tpu.memory_space<vmem>>) offsets(%dma_start3A_723 : memref<128xi32, #tpu.memory_space<vmem>>) semaphore(%arg11 : memref<!tpu.dma_semaphore, #tpu.memory_space<semaphore_mem>>)
      } else {
      }
      %dma_wait3A_348 = arith.constant 0 : i32
      %dma_wait3A_349 = arith.constant 0 : i32
      %dma_wait3A_350 = arith.constant 0 : i32
      %dma_wait3A_351 = arith.constant 0 : i32
      %dma_wait3A_352 = tpu.memref_slice %arg8[%dma_wait3A_349, %dma_wait3A_350, %dma_wait3A_351] : memref<2x128x64xf32, #tpu.memory_space<vmem>> -> memref<1x128x64xf32, #tpu.memory_space<vmem>>
      %dma_wait3A_353 = tpu.memref_squeeze %dma_wait3A_352 : memref<1x128x64xf32, #tpu.memory_space<vmem>> -> memref<128x64xf32, #tpu.memory_space<vmem>>
      %dma_wait3A_354 = arith.constant 0 : i32
      %dma_wait3A_355 = tpu.memref_slice %arg7[%dma_wait3A_348, %dma_wait3A_354] : memref<2x128xi32, #tpu.memory_space<vmem>> -> memref<1x128xi32, #tpu.memory_space<vmem>>
      %dma_wait3A_356 = tpu.memref_squeeze %dma_wait3A_355 : memref<1x128xi32, #tpu.memory_space<vmem>> -> memref<128xi32, #tpu.memory_space<vmem>>
      %dma_wait3A_357 = arith.constant 0 : i32
      %dma_wait3A_358 = arith.constant 0 : i32
      %dma_wait3A_359 = tpu.memref_slice %arg3[%dma_wait3A_357, %dma_wait3A_358] : memref<1000000x64xf32, #tpu.memory_space<hbm>> -> memref<1000000x64xf32, #tpu.memory_space<hbm>>
      tpu.wait_indirect_dma semaphore(%arg10 : memref<!tpu.dma_semaphore, #tpu.memory_space<semaphore_mem>>) src(%dma_wait3A_359 : memref<1000000x64xf32, #tpu.memory_space<hbm>>) dst(%dma_wait3A_353 : memref<128x64xf32, #tpu.memory_space<vmem>>)
      %ge3A = arith.constant 2 : i32
      %ge3A_360 = arith.cmpi sge, %add3A_343, %ge3A : i32
      %convert_element_type3A_361 = arith.extui %ge3A_360 : i1 to i32
      %cond3A_362 = arith.constant 0 : i32
      %cond3A_363 = arith.cmpi ne, %convert_element_type3A_361, %cond3A_362 : i32
      scf.if %cond3A_363 {
        %sub3A = arith.constant 2 : i32
        %sub3A_710 = arith.subi %add3A_343, %sub3A : i32
        %dma_wait3A_711 = arith.constant 0 : i32
        %dma_wait3A_712 = arith.constant 0 : i32
        %dma_wait3A_713 = arith.constant 0 : i32
        %dma_wait3A_714 = arith.constant 0 : i32
        %dma_wait3A_715 = tpu.memref_slice %arg9[%dma_wait3A_711, %dma_wait3A_713, %dma_wait3A_714] : memref<2x64x133xf32, #tpu.memory_space<vmem>> -> memref<1x8x128xf32, #tpu.memory_space<vmem>>
        %dma_wait3A_716 = tpu.memref_squeeze %dma_wait3A_715 : memref<1x8x128xf32, #tpu.memory_space<vmem>> -> memref<8x128xf32, #tpu.memory_space<vmem>>
        %dma_wait3A_717 = arith.constant 0 : i32
        %dma_wait3A_718 = arith.constant 0 : i32
        %dma_wait3A_719 = tpu.memref_slice %arg5[%sub3A_710, %dma_wait3A_712, %add3A, %dma_wait3A_717, %dma_wait3A_718] : memref<200x8x32x8x128xf32, #tpu.memory_space<hbm>> -> memref<1x1x1x8x128xf32, #tpu.memory_space<hbm>>
        %dma_wait3A_720 = tpu.memref_squeeze %dma_wait3A_719 : memref<1x1x1x8x128xf32, #tpu.memory_space<hbm>> -> memref<8x128xf32, #tpu.memory_space<hbm>>
        %dma_wait3A_721 = arith.constant 0 : i32
        %dma_wait3A_722 = arith.constant 0 : i32
        %dma_wait3A_723 = tpu.memref_slice %arg5[%sub3A_710, %dma_wait3A_712, %add3A, %dma_wait3A_721, %dma_wait3A_722] : memref<200x8x32x8x128xf32, #tpu.memory_space<hbm>> -> memref<1x1x1x8x128xf32, #tpu.memory_space<hbm>>
        %dma_wait3A_724 = tpu.memref_squeeze %dma_wait3A_723 : memref<1x1x1x8x128xf32, #tpu.memory_space<hbm>> -> memref<8x128xf32, #tpu.memory_space<hbm>>
        %dma_wait3A_725 = arith.constant 0 : i32
        %dma_wait3A_726 = arith.constant 0 : i32
        %dma_wait3A_727 = tpu.memref_slice %arg9[%dma_wait3A_711, %dma_wait3A_725, %dma_wait3A_726] : memref<2x64x133xf32, #tpu.memory_space<vmem>> -> memref<1x8x128xf32, #tpu.memory_space<vmem>>
        %dma_wait3A_728 = tpu.memref_squeeze %dma_wait3A_727 : memref<1x8x128xf32, #tpu.memory_space<vmem>> -> memref<8x128xf32, #tpu.memory_space<vmem>>
        tpu.wait_dma2 semaphore(%arg12 : memref<!tpu.dma_semaphore, #tpu.memory_space<semaphore_mem>>) src(%dma_wait3A_728 : memref<8x128xf32, #tpu.memory_space<vmem>>) dst(%dma_wait3A_724 : memref<8x128xf32, #tpu.memory_space<hbm>>)
        %sub3A_729 = arith.constant 2 : i32
        %sub3A_730 = arith.subi %add3A_343, %sub3A_729 : i32
        %dma_wait3A_731 = arith.constant 0 : i32
        %dma_wait3A_732 = arith.constant 1 : i32
        %dma_wait3A_733 = arith.constant 8 : i32
        %dma_wait3A_734 = arith.constant 0 : i32
        %dma_wait3A_735 = tpu.memref_slice %arg9[%dma_wait3A_731, %dma_wait3A_733, %dma_wait3A_734] : memref<2x64x133xf32, #tpu.memory_space<vmem>> -> memref<1x8x128xf32, #tpu.memory_space<vmem>>
        %dma_wait3A_736 = tpu.memref_squeeze %dma_wait3A_735 : memref<1x8x128xf32, #tpu.memory_space<vmem>> -> memref<8x128xf32, #tpu.memory_space<vmem>>
        %dma_wait3A_737 = arith.constant 0 : i32
        %dma_wait3A_738 = arith.constant 0 : i32
        %dma_wait3A_739 = tpu.memref_slice %arg5[%sub3A_730, %dma_wait3A_732, %add3A, %dma_wait3A_737, %dma_wait3A_738] : memref<200x8x32x8x128xf32, #tpu.memory_space<hbm>> -> memref<1x1x1x8x128xf32, #tpu.memory_space<hbm>>
        %dma_wait3A_740 = tpu.memref_squeeze %dma_wait3A_739 : memref<1x1x1x8x128xf32, #tpu.memory_space<hbm>> -> memref<8x128xf32, #tpu.memory_space<hbm>>
        %dma_wait3A_741 = arith.constant 0 : i32
        %dma_wait3A_742 = arith.constant 0 : i32
        %dma_wait3A_743 = tpu.memref_slice %arg5[%sub3A_730, %dma_wait3A_732, %add3A, %dma_wait3A_741, %dma_wait3A_742] : memref<200x8x32x8x128xf32, #tpu.memory_space<hbm>> -> memref<1x1x1x8x128xf32, #tpu.memory_space<hbm>>
        %dma_wait3A_744 = tpu.memref_squeeze %dma_wait3A_743 : memref<1x1x1x8x128xf32, #tpu.memory_space<hbm>> -> memref<8x128xf32, #tpu.memory_space<hbm>>
        %dma_wait3A_745 = arith.constant 8 : i32
        %dma_wait3A_746 = arith.constant 0 : i32
        %dma_wait3A_747 = tpu.memref_slice %arg9[%dma_wait3A_731, %dma_wait3A_745, %dma_wait3A_746] : memref<2x64x133xf32, #tpu.memory_space<vmem>> -> memref<1x8x128xf32, #tpu.memory_space<vmem>>
        %dma_wait3A_748 = tpu.memref_squeeze %dma_wait3A_747 : memref<1x8x128xf32, #tpu.memory_space<vmem>> -> memref<8x128xf32, #tpu.memory_space<vmem>>
        tpu.wait_dma2 semaphore(%arg12 : memref<!tpu.dma_semaphore, #tpu.memory_space<semaphore_mem>>) src(%dma_wait3A_748 : memref<8x128xf32, #tpu.memory_space<vmem>>) dst(%dma_wait3A_744 : memref<8x128xf32, #tpu.memory_space<hbm>>)
        %sub3A_749 = arith.constant 2 : i32
        %sub3A_750 = arith.subi %add3A_343, %sub3A_749 : i32
        %dma_wait3A_751 = arith.constant 0 : i32
        %dma_wait3A_752 = arith.constant 2 : i32
        %dma_wait3A_753 = arith.constant 16 : i32
        %dma_wait3A_754 = arith.constant 0 : i32
        %dma_wait3A_755 = tpu.memref_slice %arg9[%dma_wait3A_751, %dma_wait3A_753, %dma_wait3A_754] : memref<2x64x133xf32, #tpu.memory_space<vmem>> -> memref<1x8x128xf32, #tpu.memory_space<vmem>>
        %dma_wait3A_756 = tpu.memref_squeeze %dma_wait3A_755 : memref<1x8x128xf32, #tpu.memory_space<vmem>> -> memref<8x128xf32, #tpu.memory_space<vmem>>
        %dma_wait3A_757 = arith.constant 0 : i32
        %dma_wait3A_758 = arith.constant 0 : i32
        %dma_wait3A_759 = tpu.memref_slice %arg5[%sub3A_750, %dma_wait3A_752, %add3A, %dma_wait3A_757, %dma_wait3A_758] : memref<200x8x32x8x128xf32, #tpu.memory_space<hbm>> -> memref<1x1x1x8x128xf32, #tpu.memory_space<hbm>>
        %dma_wait3A_760 = tpu.memref_squeeze %dma_wait3A_759 : memref<1x1x1x8x128xf32, #tpu.memory_space<hbm>> -> memref<8x128xf32, #tpu.memory_space<hbm>>
        %dma_wait3A_761 = arith.constant 0 : i32
        %dma_wait3A_762 = arith.constant 0 : i32
        %dma_wait3A_763 = tpu.memref_slice %arg5[%sub3A_750, %dma_wait3A_752, %add3A, %dma_wait3A_761, %dma_wait3A_762] : memref<200x8x32x8x128xf32, #tpu.memory_space<hbm>> -> memref<1x1x1x8x128xf32, #tpu.memory_space<hbm>>
        %dma_wait3A_764 = tpu.memref_squeeze %dma_wait3A_763 : memref<1x1x1x8x128xf32, #tpu.memory_space<hbm>> -> memref<8x128xf32, #tpu.memory_space<hbm>>
        %dma_wait3A_765 = arith.constant 16 : i32
        %dma_wait3A_766 = arith.constant 0 : i32
        %dma_wait3A_767 = tpu.memref_slice %arg9[%dma_wait3A_751, %dma_wait3A_765, %dma_wait3A_766] : memref<2x64x133xf32, #tpu.memory_space<vmem>> -> memref<1x8x128xf32, #tpu.memory_space<vmem>>
        %dma_wait3A_768 = tpu.memref_squeeze %dma_wait3A_767 : memref<1x8x128xf32, #tpu.memory_space<vmem>> -> memref<8x128xf32, #tpu.memory_space<vmem>>
        tpu.wait_dma2 semaphore(%arg12 : memref<!tpu.dma_semaphore, #tpu.memory_space<semaphore_mem>>) src(%dma_wait3A_768 : memref<8x128xf32, #tpu.memory_space<vmem>>) dst(%dma_wait3A_764 : memref<8x128xf32, #tpu.memory_space<hbm>>)
        %sub3A_769 = arith.constant 2 : i32
        %sub3A_770 = arith.subi %add3A_343, %sub3A_769 : i32
        %dma_wait3A_771 = arith.constant 0 : i32
        %dma_wait3A_772 = arith.constant 3 : i32
        %dma_wait3A_773 = arith.constant 24 : i32
        %dma_wait3A_774 = arith.constant 0 : i32
        %dma_wait3A_775 = tpu.memref_slice %arg9[%dma_wait3A_771, %dma_wait3A_773, %dma_wait3A_774] : memref<2x64x133xf32, #tpu.memory_space<vmem>> -> memref<1x8x128xf32, #tpu.memory_space<vmem>>
        %dma_wait3A_776 = tpu.memref_squeeze %dma_wait3A_775 : memref<1x8x128xf32, #tpu.memory_space<vmem>> -> memref<8x128xf32, #tpu.memory_space<vmem>>
        %dma_wait3A_777 = arith.constant 0 : i32
        %dma_wait3A_778 = arith.constant 0 : i32
        %dma_wait3A_779 = tpu.memref_slice %arg5[%sub3A_770, %dma_wait3A_772, %add3A, %dma_wait3A_777, %dma_wait3A_778] : memref<200x8x32x8x128xf32, #tpu.memory_space<hbm>> -> memref<1x1x1x8x128xf32, #tpu.memory_space<hbm>>
        %dma_wait3A_780 = tpu.memref_squeeze %dma_wait3A_779 : memref<1x1x1x8x128xf32, #tpu.memory_space<hbm>> -> memref<8x128xf32, #tpu.memory_space<hbm>>
        %dma_wait3A_781 = arith.constant 0 : i32
        %dma_wait3A_782 = arith.constant 0 : i32
        %dma_wait3A_783 = tpu.memref_slice %arg5[%sub3A_770, %dma_wait3A_772, %add3A, %dma_wait3A_781, %dma_wait3A_782] : memref<200x8x32x8x128xf32, #tpu.memory_space<hbm>> -> memref<1x1x1x8x128xf32, #tpu.memory_space<hbm>>
        %dma_wait3A_784 = tpu.memref_squeeze %dma_wait3A_783 : memref<1x1x1x8x128xf32, #tpu.memory_space<hbm>> -> memref<8x128xf32, #tpu.memory_space<hbm>>
        %dma_wait3A_785 = arith.constant 24 : i32
        %dma_wait3A_786 = arith.constant 0 : i32
        %dma_wait3A_787 = tpu.memref_slice %arg9[%dma_wait3A_771, %dma_wait3A_785, %dma_wait3A_786] : memref<2x64x133xf32, #tpu.memory_space<vmem>> -> memref<1x8x128xf32, #tpu.memory_space<vmem>>
        %dma_wait3A_788 = tpu.memref_squeeze %dma_wait3A_787 : memref<1x8x128xf32, #tpu.memory_space<vmem>> -> memref<8x128xf32, #tpu.memory_space<vmem>>
        tpu.wait_dma2 semaphore(%arg12 : memref<!tpu.dma_semaphore, #tpu.memory_space<semaphore_mem>>) src(%dma_wait3A_788 : memref<8x128xf32, #tpu.memory_space<vmem>>) dst(%dma_wait3A_784 : memref<8x128xf32, #tpu.memory_space<hbm>>)
        %sub3A_789 = arith.constant 2 : i32
        %sub3A_790 = arith.subi %add3A_343, %sub3A_789 : i32
        %dma_wait3A_791 = arith.constant 0 : i32
        %dma_wait3A_792 = arith.constant 4 : i32
        %dma_wait3A_793 = arith.constant 32 : i32
        %dma_wait3A_794 = arith.constant 0 : i32
        %dma_wait3A_795 = tpu.memref_slice %arg9[%dma_wait3A_791, %dma_wait3A_793, %dma_wait3A_794] : memref<2x64x133xf32, #tpu.memory_space<vmem>> -> memref<1x8x128xf32, #tpu.memory_space<vmem>>
        %dma_wait3A_796 = tpu.memref_squeeze %dma_wait3A_795 : memref<1x8x128xf32, #tpu.memory_space<vmem>> -> memref<8x128xf32, #tpu.memory_space<vmem>>
        %dma_wait3A_797 = arith.constant 0 : i32
        %dma_wait3A_798 = arith.constant 0 : i32
        %dma_wait3A_799 = tpu.memref_slice %arg5[%sub3A_790, %dma_wait3A_792, %add3A, %dma_wait3A_797, %dma_wait3A_798] : memref<200x8x32x8x128xf32, #tpu.memory_space<hbm>> -> memref<1x1x1x8x128xf32, #tpu.memory_space<hbm>>
        %dma_wait3A_800 = tpu.memref_squeeze %dma_wait3A_799 : memref<1x1x1x8x128xf32, #tpu.memory_space<hbm>> -> memref<8x128xf32, #tpu.memory_space<hbm>>
        %dma_wait3A_801 = arith.constant 0 : i32
        %dma_wait3A_802 = arith.constant 0 : i32
        %dma_wait3A_803 = tpu.memref_slice %arg5[%sub3A_790, %dma_wait3A_792, %add3A, %dma_wait3A_801, %dma_wait3A_802] : memref<200x8x32x8x128xf32, #tpu.memory_space<hbm>> -> memref<1x1x1x8x128xf32, #tpu.memory_space<hbm>>
        %dma_wait3A_804 = tpu.memref_squeeze %dma_wait3A_803 : memref<1x1x1x8x128xf32, #tpu.memory_space<hbm>> -> memref<8x128xf32, #tpu.memory_space<hbm>>
        %dma_wait3A_805 = arith.constant 32 : i32
        %dma_wait3A_806 = arith.constant 0 : i32
        %dma_wait3A_807 = tpu.memref_slice %arg9[%dma_wait3A_791, %dma_wait3A_805, %dma_wait3A_806] : memref<2x64x133xf32, #tpu.memory_space<vmem>> -> memref<1x8x128xf32, #tpu.memory_space<vmem>>
        %dma_wait3A_808 = tpu.memref_squeeze %dma_wait3A_807 : memref<1x8x128xf32, #tpu.memory_space<vmem>> -> memref<8x128xf32, #tpu.memory_space<vmem>>
        tpu.wait_dma2 semaphore(%arg12 : memref<!tpu.dma_semaphore, #tpu.memory_space<semaphore_mem>>) src(%dma_wait3A_808 : memref<8x128xf32, #tpu.memory_space<vmem>>) dst(%dma_wait3A_804 : memref<8x128xf32, #tpu.memory_space<hbm>>)
        %sub3A_809 = arith.constant 2 : i32
        %sub3A_810 = arith.subi %add3A_343, %sub3A_809 : i32
        %dma_wait3A_811 = arith.constant 0 : i32
        %dma_wait3A_812 = arith.constant 5 : i32
        %dma_wait3A_813 = arith.constant 40 : i32
        %dma_wait3A_814 = arith.constant 0 : i32
        %dma_wait3A_815 = tpu.memref_slice %arg9[%dma_wait3A_811, %dma_wait3A_813, %dma_wait3A_814] : memref<2x64x133xf32, #tpu.memory_space<vmem>> -> memref<1x8x128xf32, #tpu.memory_space<vmem>>
        %dma_wait3A_816 = tpu.memref_squeeze %dma_wait3A_815 : memref<1x8x128xf32, #tpu.memory_space<vmem>> -> memref<8x128xf32, #tpu.memory_space<vmem>>
        %dma_wait3A_817 = arith.constant 0 : i32
        %dma_wait3A_818 = arith.constant 0 : i32
        %dma_wait3A_819 = tpu.memref_slice %arg5[%sub3A_810, %dma_wait3A_812, %add3A, %dma_wait3A_817, %dma_wait3A_818] : memref<200x8x32x8x128xf32, #tpu.memory_space<hbm>> -> memref<1x1x1x8x128xf32, #tpu.memory_space<hbm>>
        %dma_wait3A_820 = tpu.memref_squeeze %dma_wait3A_819 : memref<1x1x1x8x128xf32, #tpu.memory_space<hbm>> -> memref<8x128xf32, #tpu.memory_space<hbm>>
        %dma_wait3A_821 = arith.constant 0 : i32
        %dma_wait3A_822 = arith.constant 0 : i32
        %dma_wait3A_823 = tpu.memref_slice %arg5[%sub3A_810, %dma_wait3A_812, %add3A, %dma_wait3A_821, %dma_wait3A_822] : memref<200x8x32x8x128xf32, #tpu.memory_space<hbm>> -> memref<1x1x1x8x128xf32, #tpu.memory_space<hbm>>
        %dma_wait3A_824 = tpu.memref_squeeze %dma_wait3A_823 : memref<1x1x1x8x128xf32, #tpu.memory_space<hbm>> -> memref<8x128xf32, #tpu.memory_space<hbm>>
        %dma_wait3A_825 = arith.constant 40 : i32
        %dma_wait3A_826 = arith.constant 0 : i32
        %dma_wait3A_827 = tpu.memref_slice %arg9[%dma_wait3A_811, %dma_wait3A_825, %dma_wait3A_826] : memref<2x64x133xf32, #tpu.memory_space<vmem>> -> memref<1x8x128xf32, #tpu.memory_space<vmem>>
        %dma_wait3A_828 = tpu.memref_squeeze %dma_wait3A_827 : memref<1x8x128xf32, #tpu.memory_space<vmem>> -> memref<8x128xf32, #tpu.memory_space<vmem>>
        tpu.wait_dma2 semaphore(%arg12 : memref<!tpu.dma_semaphore, #tpu.memory_space<semaphore_mem>>) src(%dma_wait3A_828 : memref<8x128xf32, #tpu.memory_space<vmem>>) dst(%dma_wait3A_824 : memref<8x128xf32, #tpu.memory_space<hbm>>)
        %sub3A_829 = arith.constant 2 : i32
        %sub3A_830 = arith.subi %add3A_343, %sub3A_829 : i32
        %dma_wait3A_831 = arith.constant 0 : i32
        %dma_wait3A_832 = arith.constant 6 : i32
        %dma_wait3A_833 = arith.constant 48 : i32
        %dma_wait3A_834 = arith.constant 0 : i32
        %dma_wait3A_835 = tpu.memref_slice %arg9[%dma_wait3A_831, %dma_wait3A_833, %dma_wait3A_834] : memref<2x64x133xf32, #tpu.memory_space<vmem>> -> memref<1x8x128xf32, #tpu.memory_space<vmem>>
        %dma_wait3A_836 = tpu.memref_squeeze %dma_wait3A_835 : memref<1x8x128xf32, #tpu.memory_space<vmem>> -> memref<8x128xf32, #tpu.memory_space<vmem>>
        %dma_wait3A_837 = arith.constant 0 : i32
        %dma_wait3A_838 = arith.constant 0 : i32
        %dma_wait3A_839 = tpu.memref_slice %arg5[%sub3A_830, %dma_wait3A_832, %add3A, %dma_wait3A_837, %dma_wait3A_838] : memref<200x8x32x8x128xf32, #tpu.memory_space<hbm>> -> memref<1x1x1x8x128xf32, #tpu.memory_space<hbm>>
        %dma_wait3A_840 = tpu.memref_squeeze %dma_wait3A_839 : memref<1x1x1x8x128xf32, #tpu.memory_space<hbm>> -> memref<8x128xf32, #tpu.memory_space<hbm>>
        %dma_wait3A_841 = arith.constant 0 : i32
        %dma_wait3A_842 = arith.constant 0 : i32
        %dma_wait3A_843 = tpu.memref_slice %arg5[%sub3A_830, %dma_wait3A_832, %add3A, %dma_wait3A_841, %dma_wait3A_842] : memref<200x8x32x8x128xf32, #tpu.memory_space<hbm>> -> memref<1x1x1x8x128xf32, #tpu.memory_space<hbm>>
        %dma_wait3A_844 = tpu.memref_squeeze %dma_wait3A_843 : memref<1x1x1x8x128xf32, #tpu.memory_space<hbm>> -> memref<8x128xf32, #tpu.memory_space<hbm>>
        %dma_wait3A_845 = arith.constant 48 : i32
        %dma_wait3A_846 = arith.constant 0 : i32
        %dma_wait3A_847 = tpu.memref_slice %arg9[%dma_wait3A_831, %dma_wait3A_845, %dma_wait3A_846] : memref<2x64x133xf32, #tpu.memory_space<vmem>> -> memref<1x8x128xf32, #tpu.memory_space<vmem>>
        %dma_wait3A_848 = tpu.memref_squeeze %dma_wait3A_847 : memref<1x8x128xf32, #tpu.memory_space<vmem>> -> memref<8x128xf32, #tpu.memory_space<vmem>>
        tpu.wait_dma2 semaphore(%arg12 : memref<!tpu.dma_semaphore, #tpu.memory_space<semaphore_mem>>) src(%dma_wait3A_848 : memref<8x128xf32, #tpu.memory_space<vmem>>) dst(%dma_wait3A_844 : memref<8x128xf32, #tpu.memory_space<hbm>>)
        %sub3A_849 = arith.constant 2 : i32
        %sub3A_850 = arith.subi %add3A_343, %sub3A_849 : i32
        %dma_wait3A_851 = arith.constant 0 : i32
        %dma_wait3A_852 = arith.constant 7 : i32
        %dma_wait3A_853 = arith.constant 56 : i32
        %dma_wait3A_854 = arith.constant 0 : i32
        %dma_wait3A_855 = tpu.memref_slice %arg9[%dma_wait3A_851, %dma_wait3A_853, %dma_wait3A_854] : memref<2x64x133xf32, #tpu.memory_space<vmem>> -> memref<1x8x128xf32, #tpu.memory_space<vmem>>
        %dma_wait3A_856 = tpu.memref_squeeze %dma_wait3A_855 : memref<1x8x128xf32, #tpu.memory_space<vmem>> -> memref<8x128xf32, #tpu.memory_space<vmem>>
        %dma_wait3A_857 = arith.constant 0 : i32
        %dma_wait3A_858 = arith.constant 0 : i32
        %dma_wait3A_859 = tpu.memref_slice %arg5[%sub3A_850, %dma_wait3A_852, %add3A, %dma_wait3A_857, %dma_wait3A_858] : memref<200x8x32x8x128xf32, #tpu.memory_space<hbm>> -> memref<1x1x1x8x128xf32, #tpu.memory_space<hbm>>
        %dma_wait3A_860 = tpu.memref_squeeze %dma_wait3A_859 : memref<1x1x1x8x128xf32, #tpu.memory_space<hbm>> -> memref<8x128xf32, #tpu.memory_space<hbm>>
        %dma_wait3A_861 = arith.constant 0 : i32
        %dma_wait3A_862 = arith.constant 0 : i32
        %dma_wait3A_863 = tpu.memref_slice %arg5[%sub3A_850, %dma_wait3A_852, %add3A, %dma_wait3A_861, %dma_wait3A_862] : memref<200x8x32x8x128xf32, #tpu.memory_space<hbm>> -> memref<1x1x1x8x128xf32, #tpu.memory_space<hbm>>
        %dma_wait3A_864 = tpu.memref_squeeze %dma_wait3A_863 : memref<1x1x1x8x128xf32, #tpu.memory_space<hbm>> -> memref<8x128xf32, #tpu.memory_space<hbm>>
        %dma_wait3A_865 = arith.constant 56 : i32
        %dma_wait3A_866 = arith.constant 0 : i32
        %dma_wait3A_867 = tpu.memref_slice %arg9[%dma_wait3A_851, %dma_wait3A_865, %dma_wait3A_866] : memref<2x64x133xf32, #tpu.memory_space<vmem>> -> memref<1x8x128xf32, #tpu.memory_space<vmem>>
        %dma_wait3A_868 = tpu.memref_squeeze %dma_wait3A_867 : memref<1x8x128xf32, #tpu.memory_space<vmem>> -> memref<8x128xf32, #tpu.memory_space<vmem>>
        tpu.wait_dma2 semaphore(%arg12 : memref<!tpu.dma_semaphore, #tpu.memory_space<semaphore_mem>>) src(%dma_wait3A_868 : memref<8x128xf32, #tpu.memory_space<vmem>>) dst(%dma_wait3A_864 : memref<8x128xf32, #tpu.memory_space<hbm>>)
      } else {
      }
      %get3A = arith.index_cast %add3A_343 : i32 to index
      %get3A_364 = arith.constant 0 : index
      %get3A_365 = tpu.vector_load %arg6[%get3A, %get3A_364] {strides = array<i32>} : memref<200x64xf32, #tpu.memory_space<vmem>>, vector<16xf32>,
      %get3A_366 = arith.index_cast %add3A_343 : i32 to index
      %get3A_367 = arith.constant 16 : index
      %get3A_368 = tpu.vector_load %arg6[%get3A_366, %get3A_367] {strides = array<i32>} : memref<200x64xf32, #tpu.memory_space<vmem>>, vector<16xf32>,
      %get3A_369 = arith.index_cast %add3A_343 : i32 to index
      %get3A_370 = arith.constant 32 : index
      %get3A_371 = tpu.vector_load %arg6[%get3A_369, %get3A_370] {strides = array<i32>} : memref<200x64xf32, #tpu.memory_space<vmem>>, vector<16xf32>,
      %get3A_372 = arith.index_cast %add3A_343 : i32 to index
      %get3A_373 = arith.constant 48 : index
      %get3A_374 = tpu.vector_load %arg6[%get3A_372, %get3A_373] {strides = array<i32>} : memref<200x64xf32, #tpu.memory_space<vmem>>, vector<16xf32>,
      %parallel_loop3A = arith.constant 0 : i32
      %parallel_loop3A_375 = arith.constant 128 : i32
      %parallel_loop3A_376 = arith.constant 1 : i32
      %parallel_loop3A_377 = arith.constant 0 : i32
      scf.for %parallel_loop3A_710 = %parallel_loop3A to %parallel_loop3A_375 step %parallel_loop3A_376  : i32 {
        %parallel_loop3A_711 = arith.constant 0 : i32
        %parallel_loop3A_712 = vector.broadcast %parallel_loop3A_711 : i32 to vector<16xi32>
        %parallel_loop3A_713 = vector.broadcast %parallel_loop3A_710 : i32 to vector<16xi32>
        %parallel_loop3A_714 = arith.addi %parallel_loop3A_712, %parallel_loop3A_713 : vector<16xi32>
        %parallel_loop3A_715 = arith.constant 0 : i32
        %parallel_loop3A_716 = arith.index_cast %parallel_loop3A_715 : i32 to index
        %parallel_loop3A_717 = arith.index_cast %parallel_loop3A_710 : i32 to index
        %parallel_loop3A_718 = arith.constant 0 : index
        %parallel_loop3A_719 = tpu.vector_load %arg8[%parallel_loop3A_716, %parallel_loop3A_717, %parallel_loop3A_718] {strides = array<i32>} : memref<2x128x64xf32, #tpu.memory_space<vmem>>, vector<16xf32>,
        %parallel_loop3A_720 = arith.addf %parallel_loop3A_719, %get3A_365 : vector<16xf32>
        %parallel_loop3A_721 = arith.constant 0 : i32
        %parallel_loop3A_722 = arith.constant 0 : i32
        %parallel_loop3A_723 = tpu.memref_slice %arg9[%parallel_loop3A_377, %parallel_loop3A_721, %parallel_loop3A_722] : memref<2x64x133xf32, #tpu.memory_space<vmem>> -> memref<1x64x133xf32, #tpu.memory_space<vmem>>
        %parallel_loop3A_724 = tpu.memref_squeeze %parallel_loop3A_723 : memref<1x64x133xf32, #tpu.memory_space<vmem>> -> memref<64x133xf32, #tpu.memory_space<vmem>>
        tpu.vector_store_idx %parallel_loop3A_724[%add3A_3, %parallel_loop3A_714], %parallel_loop3A_720 : memref<64x133xf32, #tpu.memory_space<vmem>>[vector<16xi32>, vector<16xi32>], vector<16xf32>,
        %parallel_loop3A_725 = arith.constant 0 : i32
        %parallel_loop3A_726 = arith.index_cast %parallel_loop3A_725 : i32 to index
        %parallel_loop3A_727 = arith.index_cast %parallel_loop3A_710 : i32 to index
        %parallel_loop3A_728 = arith.constant 16 : index
        %parallel_loop3A_729 = tpu.vector_load %arg8[%parallel_loop3A_726, %parallel_loop3A_727, %parallel_loop3A_728] {strides = array<i32>} : memref<2x128x64xf32, #tpu.memory_space<vmem>>, vector<16xf32>,
        %parallel_loop3A_730 = arith.addf %parallel_loop3A_729, %get3A_368 : vector<16xf32>
        %parallel_loop3A_731 = arith.constant 0 : i32
        %parallel_loop3A_732 = arith.constant 0 : i32
        %parallel_loop3A_733 = tpu.memref_slice %arg9[%parallel_loop3A_377, %parallel_loop3A_731, %parallel_loop3A_732] : memref<2x64x133xf32, #tpu.memory_space<vmem>> -> memref<1x64x133xf32, #tpu.memory_space<vmem>>
        %parallel_loop3A_734 = tpu.memref_squeeze %parallel_loop3A_733 : memref<1x64x133xf32, #tpu.memory_space<vmem>> -> memref<64x133xf32, #tpu.memory_space<vmem>>
        tpu.vector_store_idx %parallel_loop3A_734[%add3A_7, %parallel_loop3A_714], %parallel_loop3A_730 : memref<64x133xf32, #tpu.memory_space<vmem>>[vector<16xi32>, vector<16xi32>], vector<16xf32>,
        %parallel_loop3A_735 = arith.constant 0 : i32
        %parallel_loop3A_736 = arith.index_cast %parallel_loop3A_735 : i32 to index
        %parallel_loop3A_737 = arith.index_cast %parallel_loop3A_710 : i32 to index
        %parallel_loop3A_738 = arith.constant 32 : index
        %parallel_loop3A_739 = tpu.vector_load %arg8[%parallel_loop3A_736, %parallel_loop3A_737, %parallel_loop3A_738] {strides = array<i32>} : memref<2x128x64xf32, #tpu.memory_space<vmem>>, vector<16xf32>,
        %parallel_loop3A_740 = arith.addf %parallel_loop3A_739, %get3A_371 : vector<16xf32>
        %parallel_loop3A_741 = arith.constant 0 : i32
        %parallel_loop3A_742 = arith.constant 0 : i32
        %parallel_loop3A_743 = tpu.memref_slice %arg9[%parallel_loop3A_377, %parallel_loop3A_741, %parallel_loop3A_742] : memref<2x64x133xf32, #tpu.memory_space<vmem>> -> memref<1x64x133xf32, #tpu.memory_space<vmem>>
        %parallel_loop3A_744 = tpu.memref_squeeze %parallel_loop3A_743 : memref<1x64x133xf32, #tpu.memory_space<vmem>> -> memref<64x133xf32, #tpu.memory_space<vmem>>
        tpu.vector_store_idx %parallel_loop3A_744[%add3A_11, %parallel_loop3A_714], %parallel_loop3A_740 : memref<64x133xf32, #tpu.memory_space<vmem>>[vector<16xi32>, vector<16xi32>], vector<16xf32>,
        %parallel_loop3A_745 = arith.constant 0 : i32
        %parallel_loop3A_746 = arith.index_cast %parallel_loop3A_745 : i32 to index
        %parallel_loop3A_747 = arith.index_cast %parallel_loop3A_710 : i32 to index
        %parallel_loop3A_748 = arith.constant 48 : index
        %parallel_loop3A_749 = tpu.vector_load %arg8[%parallel_loop3A_746, %parallel_loop3A_747, %parallel_loop3A_748] {strides = array<i32>} : memref<2x128x64xf32, #tpu.memory_space<vmem>>, vector<16xf32>,
        %parallel_loop3A_750 = arith.addf %parallel_loop3A_749, %get3A_374 : vector<16xf32>
        %parallel_loop3A_751 = arith.constant 0 : i32
        %parallel_loop3A_752 = arith.constant 0 : i32
        %parallel_loop3A_753 = tpu.memref_slice %arg9[%parallel_loop3A_377, %parallel_loop3A_751, %parallel_loop3A_752] : memref<2x64x133xf32, #tpu.memory_space<vmem>> -> memref<1x64x133xf32, #tpu.memory_space<vmem>>
        %parallel_loop3A_754 = tpu.memref_squeeze %parallel_loop3A_753 : memref<1x64x133xf32, #tpu.memory_space<vmem>> -> memref<64x133xf32, #tpu.memory_space<vmem>>
        tpu.vector_store_idx %parallel_loop3A_754[%add3A_15, %parallel_loop3A_714], %parallel_loop3A_750 : memref<64x133xf32, #tpu.memory_space<vmem>>[vector<16xi32>, vector<16xi32>], vector<16xf32>,
      } {sc.loop_unroll_factor = 16 : i64, sc.parallel_access}
      %dma_start3A_378 = arith.constant 0 : i32
      %dma_start3A_379 = arith.constant 0 : i32
      %dma_start3A_380 = arith.constant 0 : i32
      %dma_start3A_381 = arith.constant 0 : i32
      %dma_start3A_382 = tpu.memref_slice %arg9[%dma_start3A_378, %dma_start3A_380, %dma_start3A_381] : memref<2x64x133xf32, #tpu.memory_space<vmem>> -> memref<1x8x128xf32, #tpu.memory_space<vmem>>
      %dma_start3A_383 = tpu.memref_squeeze %dma_start3A_382 : memref<1x8x128xf32, #tpu.memory_space<vmem>> -> memref<8x128xf32, #tpu.memory_space<vmem>>
      %dma_start3A_384 = arith.constant 0 : i32
      %dma_start3A_385 = arith.constant 0 : i32
      %dma_start3A_386 = tpu.memref_slice %arg5[%add3A_343, %dma_start3A_379, %add3A, %dma_start3A_384, %dma_start3A_385] : memref<200x8x32x8x128xf32, #tpu.memory_space<hbm>> -> memref<1x1x1x8x128xf32, #tpu.memory_space<hbm>>
      %dma_start3A_387 = tpu.memref_squeeze %dma_start3A_386 : memref<1x1x1x8x128xf32, #tpu.memory_space<hbm>> -> memref<8x128xf32, #tpu.memory_space<hbm>>
      %dma_start3A_388 = arith.constant 0 : i32
      %dma_start3A_389 = arith.constant 0 : i32
      %dma_start3A_390 = tpu.memref_slice %arg5[%add3A_343, %dma_start3A_379, %add3A, %dma_start3A_388, %dma_start3A_389] : memref<200x8x32x8x128xf32, #tpu.memory_space<hbm>> -> memref<1x1x1x8x128xf32, #tpu.memory_space<hbm>>
      %dma_start3A_391 = tpu.memref_squeeze %dma_start3A_390 : memref<1x1x1x8x128xf32, #tpu.memory_space<hbm>> -> memref<8x128xf32, #tpu.memory_space<hbm>>
      %dma_start3A_392 = arith.constant 0 : i32
      %dma_start3A_393 = arith.constant 0 : i32
      %dma_start3A_394 = tpu.memref_slice %arg9[%dma_start3A_378, %dma_start3A_392, %dma_start3A_393] : memref<2x64x133xf32, #tpu.memory_space<vmem>> -> memref<1x8x128xf32, #tpu.memory_space<vmem>>
      %dma_start3A_395 = tpu.memref_squeeze %dma_start3A_394 : memref<1x8x128xf32, #tpu.memory_space<vmem>> -> memref<8x128xf32, #tpu.memory_space<vmem>>
      tpu.enqueue_dma source(%dma_start3A_395 : memref<8x128xf32, #tpu.memory_space<vmem>>) target(%dma_start3A_391 : memref<8x128xf32, #tpu.memory_space<hbm>>) target_semaphore(%arg12 : memref<!tpu.dma_semaphore, #tpu.memory_space<semaphore_mem>>)
      %dma_start3A_396 = arith.constant 0 : i32
      %dma_start3A_397 = arith.constant 1 : i32
      %dma_start3A_398 = arith.constant 8 : i32
      %dma_start3A_399 = arith.constant 0 : i32
      %dma_start3A_400 = tpu.memref_slice %arg9[%dma_start3A_396, %dma_start3A_398, %dma_start3A_399] : memref<2x64x133xf32, #tpu.memory_space<vmem>> -> memref<1x8x128xf32, #tpu.memory_space<vmem>>
      %dma_start3A_401 = tpu.memref_squeeze %dma_start3A_400 : memref<1x8x128xf32, #tpu.memory_space<vmem>> -> memref<8x128xf32, #tpu.memory_space<vmem>>
      %dma_start3A_402 = arith.constant 0 : i32
      %dma_start3A_403 = arith.constant 0 : i32
      %dma_start3A_404 = tpu.memref_slice %arg5[%add3A_343, %dma_start3A_397, %add3A, %dma_start3A_402, %dma_start3A_403] : memref<200x8x32x8x128xf32, #tpu.memory_space<hbm>> -> memref<1x1x1x8x128xf32, #tpu.memory_space<hbm>>
      %dma_start3A_405 = tpu.memref_squeeze %dma_start3A_404 : memref<1x1x1x8x128xf32, #tpu.memory_space<hbm>> -> memref<8x128xf32, #tpu.memory_space<hbm>>
      %dma_start3A_406 = arith.constant 0 : i32
      %dma_start3A_407 = arith.constant 0 : i32
      %dma_start3A_408 = tpu.memref_slice %arg5[%add3A_343, %dma_start3A_397, %add3A, %dma_start3A_406, %dma_start3A_407] : memref<200x8x32x8x128xf32, #tpu.memory_space<hbm>> -> memref<1x1x1x8x128xf32, #tpu.memory_space<hbm>>
      %dma_start3A_409 = tpu.memref_squeeze %dma_start3A_408 : memref<1x1x1x8x128xf32, #tpu.memory_space<hbm>> -> memref<8x128xf32, #tpu.memory_space<hbm>>
      %dma_start3A_410 = arith.constant 8 : i32
      %dma_start3A_411 = arith.constant 0 : i32
      %dma_start3A_412 = tpu.memref_slice %arg9[%dma_start3A_396, %dma_start3A_410, %dma_start3A_411] : memref<2x64x133xf32, #tpu.memory_space<vmem>> -> memref<1x8x128xf32, #tpu.memory_space<vmem>>
      %dma_start3A_413 = tpu.memref_squeeze %dma_start3A_412 : memref<1x8x128xf32, #tpu.memory_space<vmem>> -> memref<8x128xf32, #tpu.memory_space<vmem>>
      tpu.enqueue_dma source(%dma_start3A_413 : memref<8x128xf32, #tpu.memory_space<vmem>>) target(%dma_start3A_409 : memref<8x128xf32, #tpu.memory_space<hbm>>) target_semaphore(%arg12 : memref<!tpu.dma_semaphore, #tpu.memory_space<semaphore_mem>>)
      %dma_start3A_414 = arith.constant 0 : i32
      %dma_start3A_415 = arith.constant 2 : i32
      %dma_start3A_416 = arith.constant 16 : i32
      %dma_start3A_417 = arith.constant 0 : i32
      %dma_start3A_418 = tpu.memref_slice %arg9[%dma_start3A_414, %dma_start3A_416, %dma_start3A_417] : memref<2x64x133xf32, #tpu.memory_space<vmem>> -> memref<1x8x128xf32, #tpu.memory_space<vmem>>
      %dma_start3A_419 = tpu.memref_squeeze %dma_start3A_418 : memref<1x8x128xf32, #tpu.memory_space<vmem>> -> memref<8x128xf32, #tpu.memory_space<vmem>>
      %dma_start3A_420 = arith.constant 0 : i32
      %dma_start3A_421 = arith.constant 0 : i32
      %dma_start3A_422 = tpu.memref_slice %arg5[%add3A_343, %dma_start3A_415, %add3A, %dma_start3A_420, %dma_start3A_421] : memref<200x8x32x8x128xf32, #tpu.memory_space<hbm>> -> memref<1x1x1x8x128xf32, #tpu.memory_space<hbm>>
      %dma_start3A_423 = tpu.memref_squeeze %dma_start3A_422 : memref<1x1x1x8x128xf32, #tpu.memory_space<hbm>> -> memref<8x128xf32, #tpu.memory_space<hbm>>
      %dma_start3A_424 = arith.constant 0 : i32
      %dma_start3A_425 = arith.constant 0 : i32
      %dma_start3A_426 = tpu.memref_slice %arg5[%add3A_343, %dma_start3A_415, %add3A, %dma_start3A_424, %dma_start3A_425] : memref<200x8x32x8x128xf32, #tpu.memory_space<hbm>> -> memref<1x1x1x8x128xf32, #tpu.memory_space<hbm>>
      %dma_start3A_427 = tpu.memref_squeeze %dma_start3A_426 : memref<1x1x1x8x128xf32, #tpu.memory_space<hbm>> -> memref<8x128xf32, #tpu.memory_space<hbm>>
      %dma_start3A_428 = arith.constant 16 : i32
      %dma_start3A_429 = arith.constant 0 : i32
      %dma_start3A_430 = tpu.memref_slice %arg9[%dma_start3A_414, %dma_start3A_428, %dma_start3A_429] : memref<2x64x133xf32, #tpu.memory_space<vmem>> -> memref<1x8x128xf32, #tpu.memory_space<vmem>>
      %dma_start3A_431 = tpu.memref_squeeze %dma_start3A_430 : memref<1x8x128xf32, #tpu.memory_space<vmem>> -> memref<8x128xf32, #tpu.memory_space<vmem>>
      tpu.enqueue_dma source(%dma_start3A_431 : memref<8x128xf32, #tpu.memory_space<vmem>>) target(%dma_start3A_427 : memref<8x128xf32, #tpu.memory_space<hbm>>) target_semaphore(%arg12 : memref<!tpu.dma_semaphore, #tpu.memory_space<semaphore_mem>>)
      %dma_start3A_432 = arith.constant 0 : i32
      %dma_start3A_433 = arith.constant 3 : i32
      %dma_start3A_434 = arith.constant 24 : i32
      %dma_start3A_435 = arith.constant 0 : i32
      %dma_start3A_436 = tpu.memref_slice %arg9[%dma_start3A_432, %dma_start3A_434, %dma_start3A_435] : memref<2x64x133xf32, #tpu.memory_space<vmem>> -> memref<1x8x128xf32, #tpu.memory_space<vmem>>
      %dma_start3A_437 = tpu.memref_squeeze %dma_start3A_436 : memref<1x8x128xf32, #tpu.memory_space<vmem>> -> memref<8x128xf32, #tpu.memory_space<vmem>>
      %dma_start3A_438 = arith.constant 0 : i32
      %dma_start3A_439 = arith.constant 0 : i32
      %dma_start3A_440 = tpu.memref_slice %arg5[%add3A_343, %dma_start3A_433, %add3A, %dma_start3A_438, %dma_start3A_439] : memref<200x8x32x8x128xf32, #tpu.memory_space<hbm>> -> memref<1x1x1x8x128xf32, #tpu.memory_space<hbm>>
      %dma_start3A_441 = tpu.memref_squeeze %dma_start3A_440 : memref<1x1x1x8x128xf32, #tpu.memory_space<hbm>> -> memref<8x128xf32, #tpu.memory_space<hbm>>
      %dma_start3A_442 = arith.constant 0 : i32
      %dma_start3A_443 = arith.constant 0 : i32
      %dma_start3A_444 = tpu.memref_slice %arg5[%add3A_343, %dma_start3A_433, %add3A, %dma_start3A_442, %dma_start3A_443] : memref<200x8x32x8x128xf32, #tpu.memory_space<hbm>> -> memref<1x1x1x8x128xf32, #tpu.memory_space<hbm>>
      %dma_start3A_445 = tpu.memref_squeeze %dma_start3A_444 : memref<1x1x1x8x128xf32, #tpu.memory_space<hbm>> -> memref<8x128xf32, #tpu.memory_space<hbm>>
      %dma_start3A_446 = arith.constant 24 : i32
      %dma_start3A_447 = arith.constant 0 : i32
      %dma_start3A_448 = tpu.memref_slice %arg9[%dma_start3A_432, %dma_start3A_446, %dma_start3A_447] : memref<2x64x133xf32, #tpu.memory_space<vmem>> -> memref<1x8x128xf32, #tpu.memory_space<vmem>>
      %dma_start3A_449 = tpu.memref_squeeze %dma_start3A_448 : memref<1x8x128xf32, #tpu.memory_space<vmem>> -> memref<8x128xf32, #tpu.memory_space<vmem>>
      tpu.enqueue_dma source(%dma_start3A_449 : memref<8x128xf32, #tpu.memory_space<vmem>>) target(%dma_start3A_445 : memref<8x128xf32, #tpu.memory_space<hbm>>) target_semaphore(%arg12 : memref<!tpu.dma_semaphore, #tpu.memory_space<semaphore_mem>>)
      %dma_start3A_450 = arith.constant 0 : i32
      %dma_start3A_451 = arith.constant 4 : i32
      %dma_start3A_452 = arith.constant 32 : i32
      %dma_start3A_453 = arith.constant 0 : i32
      %dma_start3A_454 = tpu.memref_slice %arg9[%dma_start3A_450, %dma_start3A_452, %dma_start3A_453] : memref<2x64x133xf32, #tpu.memory_space<vmem>> -> memref<1x8x128xf32, #tpu.memory_space<vmem>>
      %dma_start3A_455 = tpu.memref_squeeze %dma_start3A_454 : memref<1x8x128xf32, #tpu.memory_space<vmem>> -> memref<8x128xf32, #tpu.memory_space<vmem>>
      %dma_start3A_456 = arith.constant 0 : i32
      %dma_start3A_457 = arith.constant 0 : i32
      %dma_start3A_458 = tpu.memref_slice %arg5[%add3A_343, %dma_start3A_451, %add3A, %dma_start3A_456, %dma_start3A_457] : memref<200x8x32x8x128xf32, #tpu.memory_space<hbm>> -> memref<1x1x1x8x128xf32, #tpu.memory_space<hbm>>
      %dma_start3A_459 = tpu.memref_squeeze %dma_start3A_458 : memref<1x1x1x8x128xf32, #tpu.memory_space<hbm>> -> memref<8x128xf32, #tpu.memory_space<hbm>>
      %dma_start3A_460 = arith.constant 0 : i32
      %dma_start3A_461 = arith.constant 0 : i32
      %dma_start3A_462 = tpu.memref_slice %arg5[%add3A_343, %dma_start3A_451, %add3A, %dma_start3A_460, %dma_start3A_461] : memref<200x8x32x8x128xf32, #tpu.memory_space<hbm>> -> memref<1x1x1x8x128xf32, #tpu.memory_space<hbm>>
      %dma_start3A_463 = tpu.memref_squeeze %dma_start3A_462 : memref<1x1x1x8x128xf32, #tpu.memory_space<hbm>> -> memref<8x128xf32, #tpu.memory_space<hbm>>
      %dma_start3A_464 = arith.constant 32 : i32
      %dma_start3A_465 = arith.constant 0 : i32
      %dma_start3A_466 = tpu.memref_slice %arg9[%dma_start3A_450, %dma_start3A_464, %dma_start3A_465] : memref<2x64x133xf32, #tpu.memory_space<vmem>> -> memref<1x8x128xf32, #tpu.memory_space<vmem>>
      %dma_start3A_467 = tpu.memref_squeeze %dma_start3A_466 : memref<1x8x128xf32, #tpu.memory_space<vmem>> -> memref<8x128xf32, #tpu.memory_space<vmem>>
      tpu.enqueue_dma source(%dma_start3A_467 : memref<8x128xf32, #tpu.memory_space<vmem>>) target(%dma_start3A_463 : memref<8x128xf32, #tpu.memory_space<hbm>>) target_semaphore(%arg12 : memref<!tpu.dma_semaphore, #tpu.memory_space<semaphore_mem>>)
      %dma_start3A_468 = arith.constant 0 : i32
      %dma_start3A_469 = arith.constant 5 : i32
      %dma_start3A_470 = arith.constant 40 : i32
      %dma_start3A_471 = arith.constant 0 : i32
      %dma_start3A_472 = tpu.memref_slice %arg9[%dma_start3A_468, %dma_start3A_470, %dma_start3A_471] : memref<2x64x133xf32, #tpu.memory_space<vmem>> -> memref<1x8x128xf32, #tpu.memory_space<vmem>>
      %dma_start3A_473 = tpu.memref_squeeze %dma_start3A_472 : memref<1x8x128xf32, #tpu.memory_space<vmem>> -> memref<8x128xf32, #tpu.memory_space<vmem>>
      %dma_start3A_474 = arith.constant 0 : i32
      %dma_start3A_475 = arith.constant 0 : i32
      %dma_start3A_476 = tpu.memref_slice %arg5[%add3A_343, %dma_start3A_469, %add3A, %dma_start3A_474, %dma_start3A_475] : memref<200x8x32x8x128xf32, #tpu.memory_space<hbm>> -> memref<1x1x1x8x128xf32, #tpu.memory_space<hbm>>
      %dma_start3A_477 = tpu.memref_squeeze %dma_start3A_476 : memref<1x1x1x8x128xf32, #tpu.memory_space<hbm>> -> memref<8x128xf32, #tpu.memory_space<hbm>>
      %dma_start3A_478 = arith.constant 0 : i32
      %dma_start3A_479 = arith.constant 0 : i32
      %dma_start3A_480 = tpu.memref_slice %arg5[%add3A_343, %dma_start3A_469, %add3A, %dma_start3A_478, %dma_start3A_479] : memref<200x8x32x8x128xf32, #tpu.memory_space<hbm>> -> memref<1x1x1x8x128xf32, #tpu.memory_space<hbm>>
      %dma_start3A_481 = tpu.memref_squeeze %dma_start3A_480 : memref<1x1x1x8x128xf32, #tpu.memory_space<hbm>> -> memref<8x128xf32, #tpu.memory_space<hbm>>
      %dma_start3A_482 = arith.constant 40 : i32
      %dma_start3A_483 = arith.constant 0 : i32
      %dma_start3A_484 = tpu.memref_slice %arg9[%dma_start3A_468, %dma_start3A_482, %dma_start3A_483] : memref<2x64x133xf32, #tpu.memory_space<vmem>> -> memref<1x8x128xf32, #tpu.memory_space<vmem>>
      %dma_start3A_485 = tpu.memref_squeeze %dma_start3A_484 : memref<1x8x128xf32, #tpu.memory_space<vmem>> -> memref<8x128xf32, #tpu.memory_space<vmem>>
      tpu.enqueue_dma source(%dma_start3A_485 : memref<8x128xf32, #tpu.memory_space<vmem>>) target(%dma_start3A_481 : memref<8x128xf32, #tpu.memory_space<hbm>>) target_semaphore(%arg12 : memref<!tpu.dma_semaphore, #tpu.memory_space<semaphore_mem>>)
      %dma_start3A_486 = arith.constant 0 : i32
      %dma_start3A_487 = arith.constant 6 : i32
      %dma_start3A_488 = arith.constant 48 : i32
      %dma_start3A_489 = arith.constant 0 : i32
      %dma_start3A_490 = tpu.memref_slice %arg9[%dma_start3A_486, %dma_start3A_488, %dma_start3A_489] : memref<2x64x133xf32, #tpu.memory_space<vmem>> -> memref<1x8x128xf32, #tpu.memory_space<vmem>>
      %dma_start3A_491 = tpu.memref_squeeze %dma_start3A_490 : memref<1x8x128xf32, #tpu.memory_space<vmem>> -> memref<8x128xf32, #tpu.memory_space<vmem>>
      %dma_start3A_492 = arith.constant 0 : i32
      %dma_start3A_493 = arith.constant 0 : i32
      %dma_start3A_494 = tpu.memref_slice %arg5[%add3A_343, %dma_start3A_487, %add3A, %dma_start3A_492, %dma_start3A_493] : memref<200x8x32x8x128xf32, #tpu.memory_space<hbm>> -> memref<1x1x1x8x128xf32, #tpu.memory_space<hbm>>
      %dma_start3A_495 = tpu.memref_squeeze %dma_start3A_494 : memref<1x1x1x8x128xf32, #tpu.memory_space<hbm>> -> memref<8x128xf32, #tpu.memory_space<hbm>>
      %dma_start3A_496 = arith.constant 0 : i32
      %dma_start3A_497 = arith.constant 0 : i32
      %dma_start3A_498 = tpu.memref_slice %arg5[%add3A_343, %dma_start3A_487, %add3A, %dma_start3A_496, %dma_start3A_497] : memref<200x8x32x8x128xf32, #tpu.memory_space<hbm>> -> memref<1x1x1x8x128xf32, #tpu.memory_space<hbm>>
      %dma_start3A_499 = tpu.memref_squeeze %dma_start3A_498 : memref<1x1x1x8x128xf32, #tpu.memory_space<hbm>> -> memref<8x128xf32, #tpu.memory_space<hbm>>
      %dma_start3A_500 = arith.constant 48 : i32
      %dma_start3A_501 = arith.constant 0 : i32
      %dma_start3A_502 = tpu.memref_slice %arg9[%dma_start3A_486, %dma_start3A_500, %dma_start3A_501] : memref<2x64x133xf32, #tpu.memory_space<vmem>> -> memref<1x8x128xf32, #tpu.memory_space<vmem>>
      %dma_start3A_503 = tpu.memref_squeeze %dma_start3A_502 : memref<1x8x128xf32, #tpu.memory_space<vmem>> -> memref<8x128xf32, #tpu.memory_space<vmem>>
      tpu.enqueue_dma source(%dma_start3A_503 : memref<8x128xf32, #tpu.memory_space<vmem>>) target(%dma_start3A_499 : memref<8x128xf32, #tpu.memory_space<hbm>>) target_semaphore(%arg12 : memref<!tpu.dma_semaphore, #tpu.memory_space<semaphore_mem>>)
      %dma_start3A_504 = arith.constant 0 : i32
      %dma_start3A_505 = arith.constant 7 : i32
      %dma_start3A_506 = arith.constant 56 : i32
      %dma_start3A_507 = arith.constant 0 : i32
      %dma_start3A_508 = tpu.memref_slice %arg9[%dma_start3A_504, %dma_start3A_506, %dma_start3A_507] : memref<2x64x133xf32, #tpu.memory_space<vmem>> -> memref<1x8x128xf32, #tpu.memory_space<vmem>>
      %dma_start3A_509 = tpu.memref_squeeze %dma_start3A_508 : memref<1x8x128xf32, #tpu.memory_space<vmem>> -> memref<8x128xf32, #tpu.memory_space<vmem>>
      %dma_start3A_510 = arith.constant 0 : i32
      %dma_start3A_511 = arith.constant 0 : i32
      %dma_start3A_512 = tpu.memref_slice %arg5[%add3A_343, %dma_start3A_505, %add3A, %dma_start3A_510, %dma_start3A_511] : memref<200x8x32x8x128xf32, #tpu.memory_space<hbm>> -> memref<1x1x1x8x128xf32, #tpu.memory_space<hbm>>
      %dma_start3A_513 = tpu.memref_squeeze %dma_start3A_512 : memref<1x1x1x8x128xf32, #tpu.memory_space<hbm>> -> memref<8x128xf32, #tpu.memory_space<hbm>>
      %dma_start3A_514 = arith.constant 0 : i32
      %dma_start3A_515 = arith.constant 0 : i32
      %dma_start3A_516 = tpu.memref_slice %arg5[%add3A_343, %dma_start3A_505, %add3A, %dma_start3A_514, %dma_start3A_515] : memref<200x8x32x8x128xf32, #tpu.memory_space<hbm>> -> memref<1x1x1x8x128xf32, #tpu.memory_space<hbm>>
      %dma_start3A_517 = tpu.memref_squeeze %dma_start3A_516 : memref<1x1x1x8x128xf32, #tpu.memory_space<hbm>> -> memref<8x128xf32, #tpu.memory_space<hbm>>
      %dma_start3A_518 = arith.constant 56 : i32
      %dma_start3A_519 = arith.constant 0 : i32
      %dma_start3A_520 = tpu.memref_slice %arg9[%dma_start3A_504, %dma_start3A_518, %dma_start3A_519] : memref<2x64x133xf32, #tpu.memory_space<vmem>> -> memref<1x8x128xf32, #tpu.memory_space<vmem>>
      %dma_start3A_521 = tpu.memref_squeeze %dma_start3A_520 : memref<1x8x128xf32, #tpu.memory_space<vmem>> -> memref<8x128xf32, #tpu.memory_space<vmem>>
      tpu.enqueue_dma source(%dma_start3A_521 : memref<8x128xf32, #tpu.memory_space<vmem>>) target(%dma_start3A_517 : memref<8x128xf32, #tpu.memory_space<hbm>>) target_semaphore(%arg12 : memref<!tpu.dma_semaphore, #tpu.memory_space<semaphore_mem>>)
      %mul3A_522 = arith.constant 2 : i32
      %mul3A_523 = arith.muli %mul3A_522, %scan3A_339 : i32
      %add3A_524 = arith.constant 1 : i32
      %add3A_525 = arith.addi %mul3A_523, %add3A_524 : i32
      %add3A_526 = arith.constant 1 : i32
      %add3A_527 = arith.addi %add3A_525, %add3A_526 : i32
      %lt3A_528 = arith.constant 200 : i32
      %lt3A_529 = arith.cmpi slt, %add3A_527, %lt3A_528 : i32
      %convert_element_type3A_530 = arith.extui %lt3A_529 : i1 to i32
      %cond3A_531 = arith.constant 0 : i32
      %cond3A_532 = arith.cmpi ne, %convert_element_type3A_530, %cond3A_531 : i32
      scf.if %cond3A_532 {
        %shift_right_logical3A_710 = arith.constant 3 : i32
        %shift_right_logical3A_711 = arith.shrui %add3A_527, %shift_right_logical3A_710 : i32
        %and3A_712 = arith.constant 7 : i32
        %and3A_713 = arith.andi %add3A_527, %and3A_712 : i32
        %run_scoped3A_714 = arith.constant 0 : i32
        "tpu.region"() ({
          %run_scoped3A_727 = tpu.sem_alloc : memref<!tpu.dma_semaphore, #tpu.memory_space<semaphore_mem>>
          %dma_start3A_728 = arith.constant 0 : i32
          %dma_start3A_729 = tpu.memref_slice %arg7[%run_scoped3A_714, %dma_start3A_728] : memref<2x128xi32, #tpu.memory_space<vmem>> -> memref<1x128xi32, #tpu.memory_space<vmem>>
          %dma_start3A_730 = tpu.memref_squeeze %dma_start3A_729 : memref<1x128xi32, #tpu.memory_space<vmem>> -> memref<128xi32, #tpu.memory_space<vmem>>
          %dma_start3A_731 = arith.constant 0 : i32
          %dma_start3A_732 = tpu.memref_slice %arg2[%shift_right_logical3A_711, %add3A, %and3A_713, %dma_start3A_731] : memref<25x32x8x128xi32, #tpu.memory_space<hbm>> -> memref<1x1x1x128xi32, #tpu.memory_space<hbm>>
          %dma_start3A_733 = tpu.memref_squeeze %dma_start3A_732 : memref<1x1x1x128xi32, #tpu.memory_space<hbm>> -> memref<128xi32, #tpu.memory_space<hbm>>
          %dma_start3A_734 = arith.constant 0 : i32
          %dma_start3A_735 = tpu.memref_slice %arg7[%run_scoped3A_714, %dma_start3A_734] : memref<2x128xi32, #tpu.memory_space<vmem>> -> memref<1x128xi32, #tpu.memory_space<vmem>>
          %dma_start3A_736 = tpu.memref_squeeze %dma_start3A_735 : memref<1x128xi32, #tpu.memory_space<vmem>> -> memref<128xi32, #tpu.memory_space<vmem>>
          %dma_start3A_737 = arith.constant 0 : i32
          %dma_start3A_738 = tpu.memref_slice %arg2[%shift_right_logical3A_711, %add3A, %and3A_713, %dma_start3A_737] : memref<25x32x8x128xi32, #tpu.memory_space<hbm>> -> memref<1x1x1x128xi32, #tpu.memory_space<hbm>>
          %dma_start3A_739 = tpu.memref_squeeze %dma_start3A_738 : memref<1x1x1x128xi32, #tpu.memory_space<hbm>> -> memref<128xi32, #tpu.memory_space<hbm>>
          tpu.enqueue_dma source(%dma_start3A_739 : memref<128xi32, #tpu.memory_space<hbm>>) target(%dma_start3A_736 : memref<128xi32, #tpu.memory_space<vmem>>) target_semaphore(%run_scoped3A_727 : memref<!tpu.dma_semaphore, #tpu.memory_space<semaphore_mem>>)
          %dma_wait3A_740 = arith.constant 0 : i32
          %dma_wait3A_741 = tpu.memref_slice %arg7[%run_scoped3A_714, %dma_wait3A_740] : memref<2x128xi32, #tpu.memory_space<vmem>> -> memref<1x128xi32, #tpu.memory_space<vmem>>
          %dma_wait3A_742 = tpu.memref_squeeze %dma_wait3A_741 : memref<1x128xi32, #tpu.memory_space<vmem>> -> memref<128xi32, #tpu.memory_space<vmem>>
          %dma_wait3A_743 = arith.constant 0 : i32
          %dma_wait3A_744 = tpu.memref_slice %arg2[%shift_right_logical3A_711, %add3A, %and3A_713, %dma_wait3A_743] : memref<25x32x8x128xi32, #tpu.memory_space<hbm>> -> memref<1x1x1x128xi32, #tpu.memory_space<hbm>>
          %dma_wait3A_745 = tpu.memref_squeeze %dma_wait3A_744 : memref<1x1x1x128xi32, #tpu.memory_space<hbm>> -> memref<128xi32, #tpu.memory_space<hbm>>
          %dma_wait3A_746 = arith.constant 0 : i32
          %dma_wait3A_747 = tpu.memref_slice %arg7[%run_scoped3A_714, %dma_wait3A_746] : memref<2x128xi32, #tpu.memory_space<vmem>> -> memref<1x128xi32, #tpu.memory_space<vmem>>
          %dma_wait3A_748 = tpu.memref_squeeze %dma_wait3A_747 : memref<1x128xi32, #tpu.memory_space<vmem>> -> memref<128xi32, #tpu.memory_space<vmem>>
          %dma_wait3A_749 = arith.constant 0 : i32
          %dma_wait3A_750 = tpu.memref_slice %arg2[%shift_right_logical3A_711, %add3A, %and3A_713, %dma_wait3A_749] : memref<25x32x8x128xi32, #tpu.memory_space<hbm>> -> memref<1x1x1x128xi32, #tpu.memory_space<hbm>>
          %dma_wait3A_751 = tpu.memref_squeeze %dma_wait3A_750 : memref<1x1x1x128xi32, #tpu.memory_space<hbm>> -> memref<128xi32, #tpu.memory_space<hbm>>
          tpu.wait_dma2 semaphore(%run_scoped3A_727 : memref<!tpu.dma_semaphore, #tpu.memory_space<semaphore_mem>>) src(%dma_wait3A_751 : memref<128xi32, #tpu.memory_space<hbm>>) dst(%dma_wait3A_748 : memref<128xi32, #tpu.memory_space<vmem>>)
          tpu.yield
        }) : () -> ()
        %dma_start3A_715 = arith.constant 0 : i32
        %dma_start3A_716 = arith.constant 0 : i32
        %dma_start3A_717 = arith.constant 0 : i32
        %dma_start3A_718 = arith.constant 0 : i32
        %dma_start3A_719 = tpu.memref_slice %arg8[%dma_start3A_716, %dma_start3A_717, %dma_start3A_718] : memref<2x128x64xf32, #tpu.memory_space<vmem>> -> memref<1x128x64xf32, #tpu.memory_space<vmem>>
        %dma_start3A_720 = tpu.memref_squeeze %dma_start3A_719 : memref<1x128x64xf32, #tpu.memory_space<vmem>> -> memref<128x64xf32, #tpu.memory_space<vmem>>
        %dma_start3A_721 = arith.constant 0 : i32
        %dma_start3A_722 = tpu.memref_slice %arg7[%dma_start3A_715, %dma_start3A_721] : memref<2x128xi32, #tpu.memory_space<vmem>> -> memref<1x128xi32, #tpu.memory_space<vmem>>
        %dma_start3A_723 = tpu.memref_squeeze %dma_start3A_722 : memref<1x128xi32, #tpu.memory_space<vmem>> -> memref<128xi32, #tpu.memory_space<vmem>>
        %dma_start3A_724 = arith.constant 0 : i32
        %dma_start3A_725 = arith.constant 0 : i32
        %dma_start3A_726 = tpu.memref_slice %arg3[%dma_start3A_724, %dma_start3A_725] : memref<1000000x64xf32, #tpu.memory_space<hbm>> -> memref<1000000x64xf32, #tpu.memory_space<hbm>>
        tpu.enqueue_indirect_dma source(%dma_start3A_726 : memref<1000000x64xf32, #tpu.memory_space<hbm>>) target(%dma_start3A_720 : memref<128x64xf32, #tpu.memory_space<vmem>>) offsets(%dma_start3A_723 : memref<128xi32, #tpu.memory_space<vmem>>) semaphore(%arg10 : memref<!tpu.dma_semaphore, #tpu.memory_space<semaphore_mem>>)
      } else {
      }
      %dma_wait3A_533 = arith.constant 1 : i32
      %dma_wait3A_534 = arith.constant 1 : i32
      %dma_wait3A_535 = arith.constant 0 : i32
      %dma_wait3A_536 = arith.constant 0 : i32
      %dma_wait3A_537 = tpu.memref_slice %arg8[%dma_wait3A_534, %dma_wait3A_535, %dma_wait3A_536] : memref<2x128x64xf32, #tpu.memory_space<vmem>> -> memref<1x128x64xf32, #tpu.memory_space<vmem>>
      %dma_wait3A_538 = tpu.memref_squeeze %dma_wait3A_537 : memref<1x128x64xf32, #tpu.memory_space<vmem>> -> memref<128x64xf32, #tpu.memory_space<vmem>>
      %dma_wait3A_539 = arith.constant 0 : i32
      %dma_wait3A_540 = tpu.memref_slice %arg7[%dma_wait3A_533, %dma_wait3A_539] : memref<2x128xi32, #tpu.memory_space<vmem>> -> memref<1x128xi32, #tpu.memory_space<vmem>>
      %dma_wait3A_541 = tpu.memref_squeeze %dma_wait3A_540 : memref<1x128xi32, #tpu.memory_space<vmem>> -> memref<128xi32, #tpu.memory_space<vmem>>
      %dma_wait3A_542 = arith.constant 0 : i32
      %dma_wait3A_543 = arith.constant 0 : i32
      %dma_wait3A_544 = tpu.memref_slice %arg3[%dma_wait3A_542, %dma_wait3A_543] : memref<1000000x64xf32, #tpu.memory_space<hbm>> -> memref<1000000x64xf32, #tpu.memory_space<hbm>>
      tpu.wait_indirect_dma semaphore(%arg11 : memref<!tpu.dma_semaphore, #tpu.memory_space<semaphore_mem>>) src(%dma_wait3A_544 : memref<1000000x64xf32, #tpu.memory_space<hbm>>) dst(%dma_wait3A_538 : memref<128x64xf32, #tpu.memory_space<vmem>>)
      %ge3A_545 = arith.constant 2 : i32
      %ge3A_546 = arith.cmpi sge, %add3A_525, %ge3A_545 : i32
      %convert_element_type3A_547 = arith.extui %ge3A_546 : i1 to i32
      %cond3A_548 = arith.constant 0 : i32
      %cond3A_549 = arith.cmpi ne, %convert_element_type3A_547, %cond3A_548 : i32
      scf.if %cond3A_549 {
        %sub3A = arith.constant 2 : i32
        %sub3A_710 = arith.subi %add3A_525, %sub3A : i32
        %dma_wait3A_711 = arith.constant 1 : i32
        %dma_wait3A_712 = arith.constant 0 : i32
        %dma_wait3A_713 = arith.constant 0 : i32
        %dma_wait3A_714 = arith.constant 0 : i32
        %dma_wait3A_715 = tpu.memref_slice %arg9[%dma_wait3A_711, %dma_wait3A_713, %dma_wait3A_714] : memref<2x64x133xf32, #tpu.memory_space<vmem>> -> memref<1x8x128xf32, #tpu.memory_space<vmem>>
        %dma_wait3A_716 = tpu.memref_squeeze %dma_wait3A_715 : memref<1x8x128xf32, #tpu.memory_space<vmem>> -> memref<8x128xf32, #tpu.memory_space<vmem>>
        %dma_wait3A_717 = arith.constant 0 : i32
        %dma_wait3A_718 = arith.constant 0 : i32
        %dma_wait3A_719 = tpu.memref_slice %arg5[%sub3A_710, %dma_wait3A_712, %add3A, %dma_wait3A_717, %dma_wait3A_718] : memref<200x8x32x8x128xf32, #tpu.memory_space<hbm>> -> memref<1x1x1x8x128xf32, #tpu.memory_space<hbm>>
        %dma_wait3A_720 = tpu.memref_squeeze %dma_wait3A_719 : memref<1x1x1x8x128xf32, #tpu.memory_space<hbm>> -> memref<8x128xf32, #tpu.memory_space<hbm>>
        %dma_wait3A_721 = arith.constant 0 : i32
        %dma_wait3A_722 = arith.constant 0 : i32
        %dma_wait3A_723 = tpu.memref_slice %arg5[%sub3A_710, %dma_wait3A_712, %add3A, %dma_wait3A_721, %dma_wait3A_722] : memref<200x8x32x8x128xf32, #tpu.memory_space<hbm>> -> memref<1x1x1x8x128xf32, #tpu.memory_space<hbm>>
        %dma_wait3A_724 = tpu.memref_squeeze %dma_wait3A_723 : memref<1x1x1x8x128xf32, #tpu.memory_space<hbm>> -> memref<8x128xf32, #tpu.memory_space<hbm>>
        %dma_wait3A_725 = arith.constant 0 : i32
        %dma_wait3A_726 = arith.constant 0 : i32
        %dma_wait3A_727 = tpu.memref_slice %arg9[%dma_wait3A_711, %dma_wait3A_725, %dma_wait3A_726] : memref<2x64x133xf32, #tpu.memory_space<vmem>> -> memref<1x8x128xf32, #tpu.memory_space<vmem>>
        %dma_wait3A_728 = tpu.memref_squeeze %dma_wait3A_727 : memref<1x8x128xf32, #tpu.memory_space<vmem>> -> memref<8x128xf32, #tpu.memory_space<vmem>>
        tpu.wait_dma2 semaphore(%arg13 : memref<!tpu.dma_semaphore, #tpu.memory_space<semaphore_mem>>) src(%dma_wait3A_728 : memref<8x128xf32, #tpu.memory_space<vmem>>) dst(%dma_wait3A_724 : memref<8x128xf32, #tpu.memory_space<hbm>>)
        %sub3A_729 = arith.constant 2 : i32
        %sub3A_730 = arith.subi %add3A_525, %sub3A_729 : i32
        %dma_wait3A_731 = arith.constant 1 : i32
        %dma_wait3A_732 = arith.constant 1 : i32
        %dma_wait3A_733 = arith.constant 8 : i32
        %dma_wait3A_734 = arith.constant 0 : i32
        %dma_wait3A_735 = tpu.memref_slice %arg9[%dma_wait3A_731, %dma_wait3A_733, %dma_wait3A_734] : memref<2x64x133xf32, #tpu.memory_space<vmem>> -> memref<1x8x128xf32, #tpu.memory_space<vmem>>
        %dma_wait3A_736 = tpu.memref_squeeze %dma_wait3A_735 : memref<1x8x128xf32, #tpu.memory_space<vmem>> -> memref<8x128xf32, #tpu.memory_space<vmem>>
        %dma_wait3A_737 = arith.constant 0 : i32
        %dma_wait3A_738 = arith.constant 0 : i32
        %dma_wait3A_739 = tpu.memref_slice %arg5[%sub3A_730, %dma_wait3A_732, %add3A, %dma_wait3A_737, %dma_wait3A_738] : memref<200x8x32x8x128xf32, #tpu.memory_space<hbm>> -> memref<1x1x1x8x128xf32, #tpu.memory_space<hbm>>
        %dma_wait3A_740 = tpu.memref_squeeze %dma_wait3A_739 : memref<1x1x1x8x128xf32, #tpu.memory_space<hbm>> -> memref<8x128xf32, #tpu.memory_space<hbm>>
        %dma_wait3A_741 = arith.constant 0 : i32
        %dma_wait3A_742 = arith.constant 0 : i32
        %dma_wait3A_743 = tpu.memref_slice %arg5[%sub3A_730, %dma_wait3A_732, %add3A, %dma_wait3A_741, %dma_wait3A_742] : memref<200x8x32x8x128xf32, #tpu.memory_space<hbm>> -> memref<1x1x1x8x128xf32, #tpu.memory_space<hbm>>
        %dma_wait3A_744 = tpu.memref_squeeze %dma_wait3A_743 : memref<1x1x1x8x128xf32, #tpu.memory_space<hbm>> -> memref<8x128xf32, #tpu.memory_space<hbm>>
        %dma_wait3A_745 = arith.constant 8 : i32
        %dma_wait3A_746 = arith.constant 0 : i32
        %dma_wait3A_747 = tpu.memref_slice %arg9[%dma_wait3A_731, %dma_wait3A_745, %dma_wait3A_746] : memref<2x64x133xf32, #tpu.memory_space<vmem>> -> memref<1x8x128xf32, #tpu.memory_space<vmem>>
        %dma_wait3A_748 = tpu.memref_squeeze %dma_wait3A_747 : memref<1x8x128xf32, #tpu.memory_space<vmem>> -> memref<8x128xf32, #tpu.memory_space<vmem>>
        tpu.wait_dma2 semaphore(%arg13 : memref<!tpu.dma_semaphore, #tpu.memory_space<semaphore_mem>>) src(%dma_wait3A_748 : memref<8x128xf32, #tpu.memory_space<vmem>>) dst(%dma_wait3A_744 : memref<8x128xf32, #tpu.memory_space<hbm>>)
        %sub3A_749 = arith.constant 2 : i32
        %sub3A_750 = arith.subi %add3A_525, %sub3A_749 : i32
        %dma_wait3A_751 = arith.constant 1 : i32
        %dma_wait3A_752 = arith.constant 2 : i32
        %dma_wait3A_753 = arith.constant 16 : i32
        %dma_wait3A_754 = arith.constant 0 : i32
        %dma_wait3A_755 = tpu.memref_slice %arg9[%dma_wait3A_751, %dma_wait3A_753, %dma_wait3A_754] : memref<2x64x133xf32, #tpu.memory_space<vmem>> -> memref<1x8x128xf32, #tpu.memory_space<vmem>>
        %dma_wait3A_756 = tpu.memref_squeeze %dma_wait3A_755 : memref<1x8x128xf32, #tpu.memory_space<vmem>> -> memref<8x128xf32, #tpu.memory_space<vmem>>
        %dma_wait3A_757 = arith.constant 0 : i32
        %dma_wait3A_758 = arith.constant 0 : i32
        %dma_wait3A_759 = tpu.memref_slice %arg5[%sub3A_750, %dma_wait3A_752, %add3A, %dma_wait3A_757, %dma_wait3A_758] : memref<200x8x32x8x128xf32, #tpu.memory_space<hbm>> -> memref<1x1x1x8x128xf32, #tpu.memory_space<hbm>>
        %dma_wait3A_760 = tpu.memref_squeeze %dma_wait3A_759 : memref<1x1x1x8x128xf32, #tpu.memory_space<hbm>> -> memref<8x128xf32, #tpu.memory_space<hbm>>
        %dma_wait3A_761 = arith.constant 0 : i32
        %dma_wait3A_762 = arith.constant 0 : i32
        %dma_wait3A_763 = tpu.memref_slice %arg5[%sub3A_750, %dma_wait3A_752, %add3A, %dma_wait3A_761, %dma_wait3A_762] : memref<200x8x32x8x128xf32, #tpu.memory_space<hbm>> -> memref<1x1x1x8x128xf32, #tpu.memory_space<hbm>>
        %dma_wait3A_764 = tpu.memref_squeeze %dma_wait3A_763 : memref<1x1x1x8x128xf32, #tpu.memory_space<hbm>> -> memref<8x128xf32, #tpu.memory_space<hbm>>
        %dma_wait3A_765 = arith.constant 16 : i32
        %dma_wait3A_766 = arith.constant 0 : i32
        %dma_wait3A_767 = tpu.memref_slice %arg9[%dma_wait3A_751, %dma_wait3A_765, %dma_wait3A_766] : memref<2x64x133xf32, #tpu.memory_space<vmem>> -> memref<1x8x128xf32, #tpu.memory_space<vmem>>
        %dma_wait3A_768 = tpu.memref_squeeze %dma_wait3A_767 : memref<1x8x128xf32, #tpu.memory_space<vmem>> -> memref<8x128xf32, #tpu.memory_space<vmem>>
        tpu.wait_dma2 semaphore(%arg13 : memref<!tpu.dma_semaphore, #tpu.memory_space<semaphore_mem>>) src(%dma_wait3A_768 : memref<8x128xf32, #tpu.memory_space<vmem>>) dst(%dma_wait3A_764 : memref<8x128xf32, #tpu.memory_space<hbm>>)
        %sub3A_769 = arith.constant 2 : i32
        %sub3A_770 = arith.subi %add3A_525, %sub3A_769 : i32
        %dma_wait3A_771 = arith.constant 1 : i32
        %dma_wait3A_772 = arith.constant 3 : i32
        %dma_wait3A_773 = arith.constant 24 : i32
        %dma_wait3A_774 = arith.constant 0 : i32
        %dma_wait3A_775 = tpu.memref_slice %arg9[%dma_wait3A_771, %dma_wait3A_773, %dma_wait3A_774] : memref<2x64x133xf32, #tpu.memory_space<vmem>> -> memref<1x8x128xf32, #tpu.memory_space<vmem>>
        %dma_wait3A_776 = tpu.memref_squeeze %dma_wait3A_775 : memref<1x8x128xf32, #tpu.memory_space<vmem>> -> memref<8x128xf32, #tpu.memory_space<vmem>>
        %dma_wait3A_777 = arith.constant 0 : i32
        %dma_wait3A_778 = arith.constant 0 : i32
        %dma_wait3A_779 = tpu.memref_slice %arg5[%sub3A_770, %dma_wait3A_772, %add3A, %dma_wait3A_777, %dma_wait3A_778] : memref<200x8x32x8x128xf32, #tpu.memory_space<hbm>> -> memref<1x1x1x8x128xf32, #tpu.memory_space<hbm>>
        %dma_wait3A_780 = tpu.memref_squeeze %dma_wait3A_779 : memref<1x1x1x8x128xf32, #tpu.memory_space<hbm>> -> memref<8x128xf32, #tpu.memory_space<hbm>>
        %dma_wait3A_781 = arith.constant 0 : i32
        %dma_wait3A_782 = arith.constant 0 : i32
        %dma_wait3A_783 = tpu.memref_slice %arg5[%sub3A_770, %dma_wait3A_772, %add3A, %dma_wait3A_781, %dma_wait3A_782] : memref<200x8x32x8x128xf32, #tpu.memory_space<hbm>> -> memref<1x1x1x8x128xf32, #tpu.memory_space<hbm>>
        %dma_wait3A_784 = tpu.memref_squeeze %dma_wait3A_783 : memref<1x1x1x8x128xf32, #tpu.memory_space<hbm>> -> memref<8x128xf32, #tpu.memory_space<hbm>>
        %dma_wait3A_785 = arith.constant 24 : i32
        %dma_wait3A_786 = arith.constant 0 : i32
        %dma_wait3A_787 = tpu.memref_slice %arg9[%dma_wait3A_771, %dma_wait3A_785, %dma_wait3A_786] : memref<2x64x133xf32, #tpu.memory_space<vmem>> -> memref<1x8x128xf32, #tpu.memory_space<vmem>>
        %dma_wait3A_788 = tpu.memref_squeeze %dma_wait3A_787 : memref<1x8x128xf32, #tpu.memory_space<vmem>> -> memref<8x128xf32, #tpu.memory_space<vmem>>
        tpu.wait_dma2 semaphore(%arg13 : memref<!tpu.dma_semaphore, #tpu.memory_space<semaphore_mem>>) src(%dma_wait3A_788 : memref<8x128xf32, #tpu.memory_space<vmem>>) dst(%dma_wait3A_784 : memref<8x128xf32, #tpu.memory_space<hbm>>)
        %sub3A_789 = arith.constant 2 : i32
        %sub3A_790 = arith.subi %add3A_525, %sub3A_789 : i32
        %dma_wait3A_791 = arith.constant 1 : i32
        %dma_wait3A_792 = arith.constant 4 : i32
        %dma_wait3A_793 = arith.constant 32 : i32
        %dma_wait3A_794 = arith.constant 0 : i32
        %dma_wait3A_795 = tpu.memref_slice %arg9[%dma_wait3A_791, %dma_wait3A_793, %dma_wait3A_794] : memref<2x64x133xf32, #tpu.memory_space<vmem>> -> memref<1x8x128xf32, #tpu.memory_space<vmem>>
        %dma_wait3A_796 = tpu.memref_squeeze %dma_wait3A_795 : memref<1x8x128xf32, #tpu.memory_space<vmem>> -> memref<8x128xf32, #tpu.memory_space<vmem>>
        %dma_wait3A_797 = arith.constant 0 : i32
        %dma_wait3A_798 = arith.constant 0 : i32
        %dma_wait3A_799 = tpu.memref_slice %arg5[%sub3A_790, %dma_wait3A_792, %add3A, %dma_wait3A_797, %dma_wait3A_798] : memref<200x8x32x8x128xf32, #tpu.memory_space<hbm>> -> memref<1x1x1x8x128xf32, #tpu.memory_space<hbm>>
        %dma_wait3A_800 = tpu.memref_squeeze %dma_wait3A_799 : memref<1x1x1x8x128xf32, #tpu.memory_space<hbm>> -> memref<8x128xf32, #tpu.memory_space<hbm>>
        %dma_wait3A_801 = arith.constant 0 : i32
        %dma_wait3A_802 = arith.constant 0 : i32
        %dma_wait3A_803 = tpu.memref_slice %arg5[%sub3A_790, %dma_wait3A_792, %add3A, %dma_wait3A_801, %dma_wait3A_802] : memref<200x8x32x8x128xf32, #tpu.memory_space<hbm>> -> memref<1x1x1x8x128xf32, #tpu.memory_space<hbm>>
        %dma_wait3A_804 = tpu.memref_squeeze %dma_wait3A_803 : memref<1x1x1x8x128xf32, #tpu.memory_space<hbm>> -> memref<8x128xf32, #tpu.memory_space<hbm>>
        %dma_wait3A_805 = arith.constant 32 : i32
        %dma_wait3A_806 = arith.constant 0 : i32
        %dma_wait3A_807 = tpu.memref_slice %arg9[%dma_wait3A_791, %dma_wait3A_805, %dma_wait3A_806] : memref<2x64x133xf32, #tpu.memory_space<vmem>> -> memref<1x8x128xf32, #tpu.memory_space<vmem>>
        %dma_wait3A_808 = tpu.memref_squeeze %dma_wait3A_807 : memref<1x8x128xf32, #tpu.memory_space<vmem>> -> memref<8x128xf32, #tpu.memory_space<vmem>>
        tpu.wait_dma2 semaphore(%arg13 : memref<!tpu.dma_semaphore, #tpu.memory_space<semaphore_mem>>) src(%dma_wait3A_808 : memref<8x128xf32, #tpu.memory_space<vmem>>) dst(%dma_wait3A_804 : memref<8x128xf32, #tpu.memory_space<hbm>>)
        %sub3A_809 = arith.constant 2 : i32
        %sub3A_810 = arith.subi %add3A_525, %sub3A_809 : i32
        %dma_wait3A_811 = arith.constant 1 : i32
        %dma_wait3A_812 = arith.constant 5 : i32
        %dma_wait3A_813 = arith.constant 40 : i32
        %dma_wait3A_814 = arith.constant 0 : i32
        %dma_wait3A_815 = tpu.memref_slice %arg9[%dma_wait3A_811, %dma_wait3A_813, %dma_wait3A_814] : memref<2x64x133xf32, #tpu.memory_space<vmem>> -> memref<1x8x128xf32, #tpu.memory_space<vmem>>
        %dma_wait3A_816 = tpu.memref_squeeze %dma_wait3A_815 : memref<1x8x128xf32, #tpu.memory_space<vmem>> -> memref<8x128xf32, #tpu.memory_space<vmem>>
        %dma_wait3A_817 = arith.constant 0 : i32
        %dma_wait3A_818 = arith.constant 0 : i32
        %dma_wait3A_819 = tpu.memref_slice %arg5[%sub3A_810, %dma_wait3A_812, %add3A, %dma_wait3A_817, %dma_wait3A_818] : memref<200x8x32x8x128xf32, #tpu.memory_space<hbm>> -> memref<1x1x1x8x128xf32, #tpu.memory_space<hbm>>
        %dma_wait3A_820 = tpu.memref_squeeze %dma_wait3A_819 : memref<1x1x1x8x128xf32, #tpu.memory_space<hbm>> -> memref<8x128xf32, #tpu.memory_space<hbm>>
        %dma_wait3A_821 = arith.constant 0 : i32
        %dma_wait3A_822 = arith.constant 0 : i32
        %dma_wait3A_823 = tpu.memref_slice %arg5[%sub3A_810, %dma_wait3A_812, %add3A, %dma_wait3A_821, %dma_wait3A_822] : memref<200x8x32x8x128xf32, #tpu.memory_space<hbm>> -> memref<1x1x1x8x128xf32, #tpu.memory_space<hbm>>
        %dma_wait3A_824 = tpu.memref_squeeze %dma_wait3A_823 : memref<1x1x1x8x128xf32, #tpu.memory_space<hbm>> -> memref<8x128xf32, #tpu.memory_space<hbm>>
        %dma_wait3A_825 = arith.constant 40 : i32
        %dma_wait3A_826 = arith.constant 0 : i32
        %dma_wait3A_827 = tpu.memref_slice %arg9[%dma_wait3A_811, %dma_wait3A_825, %dma_wait3A_826] : memref<2x64x133xf32, #tpu.memory_space<vmem>> -> memref<1x8x128xf32, #tpu.memory_space<vmem>>
        %dma_wait3A_828 = tpu.memref_squeeze %dma_wait3A_827 : memref<1x8x128xf32, #tpu.memory_space<vmem>> -> memref<8x128xf32, #tpu.memory_space<vmem>>
        tpu.wait_dma2 semaphore(%arg13 : memref<!tpu.dma_semaphore, #tpu.memory_space<semaphore_mem>>) src(%dma_wait3A_828 : memref<8x128xf32, #tpu.memory_space<vmem>>) dst(%dma_wait3A_824 : memref<8x128xf32, #tpu.memory_space<hbm>>)
        %sub3A_829 = arith.constant 2 : i32
        %sub3A_830 = arith.subi %add3A_525, %sub3A_829 : i32
        %dma_wait3A_831 = arith.constant 1 : i32
        %dma_wait3A_832 = arith.constant 6 : i32
        %dma_wait3A_833 = arith.constant 48 : i32
        %dma_wait3A_834 = arith.constant 0 : i32
        %dma_wait3A_835 = tpu.memref_slice %arg9[%dma_wait3A_831, %dma_wait3A_833, %dma_wait3A_834] : memref<2x64x133xf32, #tpu.memory_space<vmem>> -> memref<1x8x128xf32, #tpu.memory_space<vmem>>
        %dma_wait3A_836 = tpu.memref_squeeze %dma_wait3A_835 : memref<1x8x128xf32, #tpu.memory_space<vmem>> -> memref<8x128xf32, #tpu.memory_space<vmem>>
        %dma_wait3A_837 = arith.constant 0 : i32
        %dma_wait3A_838 = arith.constant 0 : i32
        %dma_wait3A_839 = tpu.memref_slice %arg5[%sub3A_830, %dma_wait3A_832, %add3A, %dma_wait3A_837, %dma_wait3A_838] : memref<200x8x32x8x128xf32, #tpu.memory_space<hbm>> -> memref<1x1x1x8x128xf32, #tpu.memory_space<hbm>>
        %dma_wait3A_840 = tpu.memref_squeeze %dma_wait3A_839 : memref<1x1x1x8x128xf32, #tpu.memory_space<hbm>> -> memref<8x128xf32, #tpu.memory_space<hbm>>
        %dma_wait3A_841 = arith.constant 0 : i32
        %dma_wait3A_842 = arith.constant 0 : i32
        %dma_wait3A_843 = tpu.memref_slice %arg5[%sub3A_830, %dma_wait3A_832, %add3A, %dma_wait3A_841, %dma_wait3A_842] : memref<200x8x32x8x128xf32, #tpu.memory_space<hbm>> -> memref<1x1x1x8x128xf32, #tpu.memory_space<hbm>>
        %dma_wait3A_844 = tpu.memref_squeeze %dma_wait3A_843 : memref<1x1x1x8x128xf32, #tpu.memory_space<hbm>> -> memref<8x128xf32, #tpu.memory_space<hbm>>
        %dma_wait3A_845 = arith.constant 48 : i32
        %dma_wait3A_846 = arith.constant 0 : i32
        %dma_wait3A_847 = tpu.memref_slice %arg9[%dma_wait3A_831, %dma_wait3A_845, %dma_wait3A_846] : memref<2x64x133xf32, #tpu.memory_space<vmem>> -> memref<1x8x128xf32, #tpu.memory_space<vmem>>
        %dma_wait3A_848 = tpu.memref_squeeze %dma_wait3A_847 : memref<1x8x128xf32, #tpu.memory_space<vmem>> -> memref<8x128xf32, #tpu.memory_space<vmem>>
        tpu.wait_dma2 semaphore(%arg13 : memref<!tpu.dma_semaphore, #tpu.memory_space<semaphore_mem>>) src(%dma_wait3A_848 : memref<8x128xf32, #tpu.memory_space<vmem>>) dst(%dma_wait3A_844 : memref<8x128xf32, #tpu.memory_space<hbm>>)
        %sub3A_849 = arith.constant 2 : i32
        %sub3A_850 = arith.subi %add3A_525, %sub3A_849 : i32
        %dma_wait3A_851 = arith.constant 1 : i32
        %dma_wait3A_852 = arith.constant 7 : i32
        %dma_wait3A_853 = arith.constant 56 : i32
        %dma_wait3A_854 = arith.constant 0 : i32
        %dma_wait3A_855 = tpu.memref_slice %arg9[%dma_wait3A_851, %dma_wait3A_853, %dma_wait3A_854] : memref<2x64x133xf32, #tpu.memory_space<vmem>> -> memref<1x8x128xf32, #tpu.memory_space<vmem>>
        %dma_wait3A_856 = tpu.memref_squeeze %dma_wait3A_855 : memref<1x8x128xf32, #tpu.memory_space<vmem>> -> memref<8x128xf32, #tpu.memory_space<vmem>>
        %dma_wait3A_857 = arith.constant 0 : i32
        %dma_wait3A_858 = arith.constant 0 : i32
        %dma_wait3A_859 = tpu.memref_slice %arg5[%sub3A_850, %dma_wait3A_852, %add3A, %dma_wait3A_857, %dma_wait3A_858] : memref<200x8x32x8x128xf32, #tpu.memory_space<hbm>> -> memref<1x1x1x8x128xf32, #tpu.memory_space<hbm>>
        %dma_wait3A_860 = tpu.memref_squeeze %dma_wait3A_859 : memref<1x1x1x8x128xf32, #tpu.memory_space<hbm>> -> memref<8x128xf32, #tpu.memory_space<hbm>>
        %dma_wait3A_861 = arith.constant 0 : i32
        %dma_wait3A_862 = arith.constant 0 : i32
        %dma_wait3A_863 = tpu.memref_slice %arg5[%sub3A_850, %dma_wait3A_852, %add3A, %dma_wait3A_861, %dma_wait3A_862] : memref<200x8x32x8x128xf32, #tpu.memory_space<hbm>> -> memref<1x1x1x8x128xf32, #tpu.memory_space<hbm>>
        %dma_wait3A_864 = tpu.memref_squeeze %dma_wait3A_863 : memref<1x1x1x8x128xf32, #tpu.memory_space<hbm>> -> memref<8x128xf32, #tpu.memory_space<hbm>>
        %dma_wait3A_865 = arith.constant 56 : i32
        %dma_wait3A_866 = arith.constant 0 : i32
        %dma_wait3A_867 = tpu.memref_slice %arg9[%dma_wait3A_851, %dma_wait3A_865, %dma_wait3A_866] : memref<2x64x133xf32, #tpu.memory_space<vmem>> -> memref<1x8x128xf32, #tpu.memory_space<vmem>>
        %dma_wait3A_868 = tpu.memref_squeeze %dma_wait3A_867 : memref<1x8x128xf32, #tpu.memory_space<vmem>> -> memref<8x128xf32, #tpu.memory_space<vmem>>
        tpu.wait_dma2 semaphore(%arg13 : memref<!tpu.dma_semaphore, #tpu.memory_space<semaphore_mem>>) src(%dma_wait3A_868 : memref<8x128xf32, #tpu.memory_space<vmem>>) dst(%dma_wait3A_864 : memref<8x128xf32, #tpu.memory_space<hbm>>)
      } else {
      }
      %get3A_550 = arith.index_cast %add3A_525 : i32 to index
      %get3A_551 = arith.constant 0 : index
      %get3A_552 = tpu.vector_load %arg6[%get3A_550, %get3A_551] {strides = array<i32>} : memref<200x64xf32, #tpu.memory_space<vmem>>, vector<16xf32>,
      %get3A_553 = arith.index_cast %add3A_525 : i32 to index
      %get3A_554 = arith.constant 16 : index
      %get3A_555 = tpu.vector_load %arg6[%get3A_553, %get3A_554] {strides = array<i32>} : memref<200x64xf32, #tpu.memory_space<vmem>>, vector<16xf32>,
      %get3A_556 = arith.index_cast %add3A_525 : i32 to index
      %get3A_557 = arith.constant 32 : index
      %get3A_558 = tpu.vector_load %arg6[%get3A_556, %get3A_557] {strides = array<i32>} : memref<200x64xf32, #tpu.memory_space<vmem>>, vector<16xf32>,
      %get3A_559 = arith.index_cast %add3A_525 : i32 to index
      %get3A_560 = arith.constant 48 : index
      %get3A_561 = tpu.vector_load %arg6[%get3A_559, %get3A_560] {strides = array<i32>} : memref<200x64xf32, #tpu.memory_space<vmem>>, vector<16xf32>,
      %parallel_loop3A_562 = arith.constant 0 : i32
      %parallel_loop3A_563 = arith.constant 128 : i32
      %parallel_loop3A_564 = arith.constant 1 : i32
      %parallel_loop3A_565 = arith.constant 1 : i32
      scf.for %parallel_loop3A_710 = %parallel_loop3A_562 to %parallel_loop3A_563 step %parallel_loop3A_564  : i32 {
        %parallel_loop3A_711 = arith.constant 0 : i32
        %parallel_loop3A_712 = vector.broadcast %parallel_loop3A_711 : i32 to vector<16xi32>
        %parallel_loop3A_713 = vector.broadcast %parallel_loop3A_710 : i32 to vector<16xi32>
        %parallel_loop3A_714 = arith.addi %parallel_loop3A_712, %parallel_loop3A_713 : vector<16xi32>
        %parallel_loop3A_715 = arith.constant 1 : i32
        %parallel_loop3A_716 = arith.index_cast %parallel_loop3A_715 : i32 to index
        %parallel_loop3A_717 = arith.index_cast %parallel_loop3A_710 : i32 to index
        %parallel_loop3A_718 = arith.constant 0 : index
        %parallel_loop3A_719 = tpu.vector_load %arg8[%parallel_loop3A_716, %parallel_loop3A_717, %parallel_loop3A_718] {strides = array<i32>} : memref<2x128x64xf32, #tpu.memory_space<vmem>>, vector<16xf32>,
        %parallel_loop3A_720 = arith.addf %parallel_loop3A_719, %get3A_552 : vector<16xf32>
        %parallel_loop3A_721 = arith.constant 0 : i32
        %parallel_loop3A_722 = arith.constant 0 : i32
        %parallel_loop3A_723 = tpu.memref_slice %arg9[%parallel_loop3A_565, %parallel_loop3A_721, %parallel_loop3A_722] : memref<2x64x133xf32, #tpu.memory_space<vmem>> -> memref<1x64x133xf32, #tpu.memory_space<vmem>>
        %parallel_loop3A_724 = tpu.memref_squeeze %parallel_loop3A_723 : memref<1x64x133xf32, #tpu.memory_space<vmem>> -> memref<64x133xf32, #tpu.memory_space<vmem>>
        tpu.vector_store_idx %parallel_loop3A_724[%add3A_3, %parallel_loop3A_714], %parallel_loop3A_720 : memref<64x133xf32, #tpu.memory_space<vmem>>[vector<16xi32>, vector<16xi32>], vector<16xf32>,
        %parallel_loop3A_725 = arith.constant 1 : i32
        %parallel_loop3A_726 = arith.index_cast %parallel_loop3A_725 : i32 to index
        %parallel_loop3A_727 = arith.index_cast %parallel_loop3A_710 : i32 to index
        %parallel_loop3A_728 = arith.constant 16 : index
        %parallel_loop3A_729 = tpu.vector_load %arg8[%parallel_loop3A_726, %parallel_loop3A_727, %parallel_loop3A_728] {strides = array<i32>} : memref<2x128x64xf32, #tpu.memory_space<vmem>>, vector<16xf32>,
        %parallel_loop3A_730 = arith.addf %parallel_loop3A_729, %get3A_555 : vector<16xf32>
        %parallel_loop3A_731 = arith.constant 0 : i32
        %parallel_loop3A_732 = arith.constant 0 : i32
        %parallel_loop3A_733 = tpu.memref_slice %arg9[%parallel_loop3A_565, %parallel_loop3A_731, %parallel_loop3A_732] : memref<2x64x133xf32, #tpu.memory_space<vmem>> -> memref<1x64x133xf32, #tpu.memory_space<vmem>>
        %parallel_loop3A_734 = tpu.memref_squeeze %parallel_loop3A_733 : memref<1x64x133xf32, #tpu.memory_space<vmem>> -> memref<64x133xf32, #tpu.memory_space<vmem>>
        tpu.vector_store_idx %parallel_loop3A_734[%add3A_7, %parallel_loop3A_714], %parallel_loop3A_730 : memref<64x133xf32, #tpu.memory_space<vmem>>[vector<16xi32>, vector<16xi32>], vector<16xf32>,
        %parallel_loop3A_735 = arith.constant 1 : i32
        %parallel_loop3A_736 = arith.index_cast %parallel_loop3A_735 : i32 to index
        %parallel_loop3A_737 = arith.index_cast %parallel_loop3A_710 : i32 to index
        %parallel_loop3A_738 = arith.constant 32 : index
        %parallel_loop3A_739 = tpu.vector_load %arg8[%parallel_loop3A_736, %parallel_loop3A_737, %parallel_loop3A_738] {strides = array<i32>} : memref<2x128x64xf32, #tpu.memory_space<vmem>>, vector<16xf32>,
        %parallel_loop3A_740 = arith.addf %parallel_loop3A_739, %get3A_558 : vector<16xf32>
        %parallel_loop3A_741 = arith.constant 0 : i32
        %parallel_loop3A_742 = arith.constant 0 : i32
        %parallel_loop3A_743 = tpu.memref_slice %arg9[%parallel_loop3A_565, %parallel_loop3A_741, %parallel_loop3A_742] : memref<2x64x133xf32, #tpu.memory_space<vmem>> -> memref<1x64x133xf32, #tpu.memory_space<vmem>>
        %parallel_loop3A_744 = tpu.memref_squeeze %parallel_loop3A_743 : memref<1x64x133xf32, #tpu.memory_space<vmem>> -> memref<64x133xf32, #tpu.memory_space<vmem>>
        tpu.vector_store_idx %parallel_loop3A_744[%add3A_11, %parallel_loop3A_714], %parallel_loop3A_740 : memref<64x133xf32, #tpu.memory_space<vmem>>[vector<16xi32>, vector<16xi32>], vector<16xf32>,
        %parallel_loop3A_745 = arith.constant 1 : i32
        %parallel_loop3A_746 = arith.index_cast %parallel_loop3A_745 : i32 to index
        %parallel_loop3A_747 = arith.index_cast %parallel_loop3A_710 : i32 to index
        %parallel_loop3A_748 = arith.constant 48 : index
        %parallel_loop3A_749 = tpu.vector_load %arg8[%parallel_loop3A_746, %parallel_loop3A_747, %parallel_loop3A_748] {strides = array<i32>} : memref<2x128x64xf32, #tpu.memory_space<vmem>>, vector<16xf32>,
        %parallel_loop3A_750 = arith.addf %parallel_loop3A_749, %get3A_561 : vector<16xf32>
        %parallel_loop3A_751 = arith.constant 0 : i32
        %parallel_loop3A_752 = arith.constant 0 : i32
        %parallel_loop3A_753 = tpu.memref_slice %arg9[%parallel_loop3A_565, %parallel_loop3A_751, %parallel_loop3A_752] : memref<2x64x133xf32, #tpu.memory_space<vmem>> -> memref<1x64x133xf32, #tpu.memory_space<vmem>>
        %parallel_loop3A_754 = tpu.memref_squeeze %parallel_loop3A_753 : memref<1x64x133xf32, #tpu.memory_space<vmem>> -> memref<64x133xf32, #tpu.memory_space<vmem>>
        tpu.vector_store_idx %parallel_loop3A_754[%add3A_15, %parallel_loop3A_714], %parallel_loop3A_750 : memref<64x133xf32, #tpu.memory_space<vmem>>[vector<16xi32>, vector<16xi32>], vector<16xf32>,
      } {sc.loop_unroll_factor = 16 : i64, sc.parallel_access}
      %dma_start3A_566 = arith.constant 1 : i32
      %dma_start3A_567 = arith.constant 0 : i32
      %dma_start3A_568 = arith.constant 0 : i32
      %dma_start3A_569 = arith.constant 0 : i32
      %dma_start3A_570 = tpu.memref_slice %arg9[%dma_start3A_566, %dma_start3A_568, %dma_start3A_569] : memref<2x64x133xf32, #tpu.memory_space<vmem>> -> memref<1x8x128xf32, #tpu.memory_space<vmem>>
      %dma_start3A_571 = tpu.memref_squeeze %dma_start3A_570 : memref<1x8x128xf32, #tpu.memory_space<vmem>> -> memref<8x128xf32, #tpu.memory_space<vmem>>
      %dma_start3A_572 = arith.constant 0 : i32
      %dma_start3A_573 = arith.constant 0 : i32
      %dma_start3A_574 = tpu.memref_slice %arg5[%add3A_525, %dma_start3A_567, %add3A, %dma_start3A_572, %dma_start3A_573] : memref<200x8x32x8x128xf32, #tpu.memory_space<hbm>> -> memref<1x1x1x8x128xf32, #tpu.memory_space<hbm>>
      %dma_start3A_575 = tpu.memref_squeeze %dma_start3A_574 : memref<1x1x1x8x128xf32, #tpu.memory_space<hbm>> -> memref<8x128xf32, #tpu.memory_space<hbm>>
      %dma_start3A_576 = arith.constant 0 : i32
      %dma_start3A_577 = arith.constant 0 : i32
      %dma_start3A_578 = tpu.memref_slice %arg5[%add3A_525, %dma_start3A_567, %add3A, %dma_start3A_576, %dma_start3A_577] : memref<200x8x32x8x128xf32, #tpu.memory_space<hbm>> -> memref<1x1x1x8x128xf32, #tpu.memory_space<hbm>>
      %dma_start3A_579 = tpu.memref_squeeze %dma_start3A_578 : memref<1x1x1x8x128xf32, #tpu.memory_space<hbm>> -> memref<8x128xf32, #tpu.memory_space<hbm>>
      %dma_start3A_580 = arith.constant 0 : i32
      %dma_start3A_581 = arith.constant 0 : i32
      %dma_start3A_582 = tpu.memref_slice %arg9[%dma_start3A_566, %dma_start3A_580, %dma_start3A_581] : memref<2x64x133xf32, #tpu.memory_space<vmem>> -> memref<1x8x128xf32, #tpu.memory_space<vmem>>
      %dma_start3A_583 = tpu.memref_squeeze %dma_start3A_582 : memref<1x8x128xf32, #tpu.memory_space<vmem>> -> memref<8x128xf32, #tpu.memory_space<vmem>>
      tpu.enqueue_dma source(%dma_start3A_583 : memref<8x128xf32, #tpu.memory_space<vmem>>) target(%dma_start3A_579 : memref<8x128xf32, #tpu.memory_space<hbm>>) target_semaphore(%arg13 : memref<!tpu.dma_semaphore, #tpu.memory_space<semaphore_mem>>)
      %dma_start3A_584 = arith.constant 1 : i32
      %dma_start3A_585 = arith.constant 1 : i32
      %dma_start3A_586 = arith.constant 8 : i32
      %dma_start3A_587 = arith.constant 0 : i32
      %dma_start3A_588 = tpu.memref_slice %arg9[%dma_start3A_584, %dma_start3A_586, %dma_start3A_587] : memref<2x64x133xf32, #tpu.memory_space<vmem>> -> memref<1x8x128xf32, #tpu.memory_space<vmem>>
      %dma_start3A_589 = tpu.memref_squeeze %dma_start3A_588 : memref<1x8x128xf32, #tpu.memory_space<vmem>> -> memref<8x128xf32, #tpu.memory_space<vmem>>
      %dma_start3A_590 = arith.constant 0 : i32
      %dma_start3A_591 = arith.constant 0 : i32
      %dma_start3A_592 = tpu.memref_slice %arg5[%add3A_525, %dma_start3A_585, %add3A, %dma_start3A_590, %dma_start3A_591] : memref<200x8x32x8x128xf32, #tpu.memory_space<hbm>> -> memref<1x1x1x8x128xf32, #tpu.memory_space<hbm>>
      %dma_start3A_593 = tpu.memref_squeeze %dma_start3A_592 : memref<1x1x1x8x128xf32, #tpu.memory_space<hbm>> -> memref<8x128xf32, #tpu.memory_space<hbm>>
      %dma_start3A_594 = arith.constant 0 : i32
      %dma_start3A_595 = arith.constant 0 : i32
      %dma_start3A_596 = tpu.memref_slice %arg5[%add3A_525, %dma_start3A_585, %add3A, %dma_start3A_594, %dma_start3A_595] : memref<200x8x32x8x128xf32, #tpu.memory_space<hbm>> -> memref<1x1x1x8x128xf32, #tpu.memory_space<hbm>>
      %dma_start3A_597 = tpu.memref_squeeze %dma_start3A_596 : memref<1x1x1x8x128xf32, #tpu.memory_space<hbm>> -> memref<8x128xf32, #tpu.memory_space<hbm>>
      %dma_start3A_598 = arith.constant 8 : i32
      %dma_start3A_599 = arith.constant 0 : i32
      %dma_start3A_600 = tpu.memref_slice %arg9[%dma_start3A_584, %dma_start3A_598, %dma_start3A_599] : memref<2x64x133xf32, #tpu.memory_space<vmem>> -> memref<1x8x128xf32, #tpu.memory_space<vmem>>
      %dma_start3A_601 = tpu.memref_squeeze %dma_start3A_600 : memref<1x8x128xf32, #tpu.memory_space<vmem>> -> memref<8x128xf32, #tpu.memory_space<vmem>>
      tpu.enqueue_dma source(%dma_start3A_601 : memref<8x128xf32, #tpu.memory_space<vmem>>) target(%dma_start3A_597 : memref<8x128xf32, #tpu.memory_space<hbm>>) target_semaphore(%arg13 : memref<!tpu.dma_semaphore, #tpu.memory_space<semaphore_mem>>)
      %dma_start3A_602 = arith.constant 1 : i32
      %dma_start3A_603 = arith.constant 2 : i32
      %dma_start3A_604 = arith.constant 16 : i32
      %dma_start3A_605 = arith.constant 0 : i32
      %dma_start3A_606 = tpu.memref_slice %arg9[%dma_start3A_602, %dma_start3A_604, %dma_start3A_605] : memref<2x64x133xf32, #tpu.memory_space<vmem>> -> memref<1x8x128xf32, #tpu.memory_space<vmem>>
      %dma_start3A_607 = tpu.memref_squeeze %dma_start3A_606 : memref<1x8x128xf32, #tpu.memory_space<vmem>> -> memref<8x128xf32, #tpu.memory_space<vmem>>
      %dma_start3A_608 = arith.constant 0 : i32
      %dma_start3A_609 = arith.constant 0 : i32
      %dma_start3A_610 = tpu.memref_slice %arg5[%add3A_525, %dma_start3A_603, %add3A, %dma_start3A_608, %dma_start3A_609] : memref<200x8x32x8x128xf32, #tpu.memory_space<hbm>> -> memref<1x1x1x8x128xf32, #tpu.memory_space<hbm>>
      %dma_start3A_611 = tpu.memref_squeeze %dma_start3A_610 : memref<1x1x1x8x128xf32, #tpu.memory_space<hbm>> -> memref<8x128xf32, #tpu.memory_space<hbm>>
      %dma_start3A_612 = arith.constant 0 : i32
      %dma_start3A_613 = arith.constant 0 : i32
      %dma_start3A_614 = tpu.memref_slice %arg5[%add3A_525, %dma_start3A_603, %add3A, %dma_start3A_612, %dma_start3A_613] : memref<200x8x32x8x128xf32, #tpu.memory_space<hbm>> -> memref<1x1x1x8x128xf32, #tpu.memory_space<hbm>>
      %dma_start3A_615 = tpu.memref_squeeze %dma_start3A_614 : memref<1x1x1x8x128xf32, #tpu.memory_space<hbm>> -> memref<8x128xf32, #tpu.memory_space<hbm>>
      %dma_start3A_616 = arith.constant 16 : i32
      %dma_start3A_617 = arith.constant 0 : i32
      %dma_start3A_618 = tpu.memref_slice %arg9[%dma_start3A_602, %dma_start3A_616, %dma_start3A_617] : memref<2x64x133xf32, #tpu.memory_space<vmem>> -> memref<1x8x128xf32, #tpu.memory_space<vmem>>
      %dma_start3A_619 = tpu.memref_squeeze %dma_start3A_618 : memref<1x8x128xf32, #tpu.memory_space<vmem>> -> memref<8x128xf32, #tpu.memory_space<vmem>>
      tpu.enqueue_dma source(%dma_start3A_619 : memref<8x128xf32, #tpu.memory_space<vmem>>) target(%dma_start3A_615 : memref<8x128xf32, #tpu.memory_space<hbm>>) target_semaphore(%arg13 : memref<!tpu.dma_semaphore, #tpu.memory_space<semaphore_mem>>)
      %dma_start3A_620 = arith.constant 1 : i32
      %dma_start3A_621 = arith.constant 3 : i32
      %dma_start3A_622 = arith.constant 24 : i32
      %dma_start3A_623 = arith.constant 0 : i32
      %dma_start3A_624 = tpu.memref_slice %arg9[%dma_start3A_620, %dma_start3A_622, %dma_start3A_623] : memref<2x64x133xf32, #tpu.memory_space<vmem>> -> memref<1x8x128xf32, #tpu.memory_space<vmem>>
      %dma_start3A_625 = tpu.memref_squeeze %dma_start3A_624 : memref<1x8x128xf32, #tpu.memory_space<vmem>> -> memref<8x128xf32, #tpu.memory_space<vmem>>
      %dma_start3A_626 = arith.constant 0 : i32
      %dma_start3A_627 = arith.constant 0 : i32
      %dma_start3A_628 = tpu.memref_slice %arg5[%add3A_525, %dma_start3A_621, %add3A, %dma_start3A_626, %dma_start3A_627] : memref<200x8x32x8x128xf32, #tpu.memory_space<hbm>> -> memref<1x1x1x8x128xf32, #tpu.memory_space<hbm>>
      %dma_start3A_629 = tpu.memref_squeeze %dma_start3A_628 : memref<1x1x1x8x128xf32, #tpu.memory_space<hbm>> -> memref<8x128xf32, #tpu.memory_space<hbm>>
      %dma_start3A_630 = arith.constant 0 : i32
      %dma_start3A_631 = arith.constant 0 : i32
      %dma_start3A_632 = tpu.memref_slice %arg5[%add3A_525, %dma_start3A_621, %add3A, %dma_start3A_630, %dma_start3A_631] : memref<200x8x32x8x128xf32, #tpu.memory_space<hbm>> -> memref<1x1x1x8x128xf32, #tpu.memory_space<hbm>>
      %dma_start3A_633 = tpu.memref_squeeze %dma_start3A_632 : memref<1x1x1x8x128xf32, #tpu.memory_space<hbm>> -> memref<8x128xf32, #tpu.memory_space<hbm>>
      %dma_start3A_634 = arith.constant 24 : i32
      %dma_start3A_635 = arith.constant 0 : i32
      %dma_start3A_636 = tpu.memref_slice %arg9[%dma_start3A_620, %dma_start3A_634, %dma_start3A_635] : memref<2x64x133xf32, #tpu.memory_space<vmem>> -> memref<1x8x128xf32, #tpu.memory_space<vmem>>
      %dma_start3A_637 = tpu.memref_squeeze %dma_start3A_636 : memref<1x8x128xf32, #tpu.memory_space<vmem>> -> memref<8x128xf32, #tpu.memory_space<vmem>>
      tpu.enqueue_dma source(%dma_start3A_637 : memref<8x128xf32, #tpu.memory_space<vmem>>) target(%dma_start3A_633 : memref<8x128xf32, #tpu.memory_space<hbm>>) target_semaphore(%arg13 : memref<!tpu.dma_semaphore, #tpu.memory_space<semaphore_mem>>)
      %dma_start3A_638 = arith.constant 1 : i32
      %dma_start3A_639 = arith.constant 4 : i32
      %dma_start3A_640 = arith.constant 32 : i32
      %dma_start3A_641 = arith.constant 0 : i32
      %dma_start3A_642 = tpu.memref_slice %arg9[%dma_start3A_638, %dma_start3A_640, %dma_start3A_641] : memref<2x64x133xf32, #tpu.memory_space<vmem>> -> memref<1x8x128xf32, #tpu.memory_space<vmem>>
      %dma_start3A_643 = tpu.memref_squeeze %dma_start3A_642 : memref<1x8x128xf32, #tpu.memory_space<vmem>> -> memref<8x128xf32, #tpu.memory_space<vmem>>
      %dma_start3A_644 = arith.constant 0 : i32
      %dma_start3A_645 = arith.constant 0 : i32
      %dma_start3A_646 = tpu.memref_slice %arg5[%add3A_525, %dma_start3A_639, %add3A, %dma_start3A_644, %dma_start3A_645] : memref<200x8x32x8x128xf32, #tpu.memory_space<hbm>> -> memref<1x1x1x8x128xf32, #tpu.memory_space<hbm>>
      %dma_start3A_647 = tpu.memref_squeeze %dma_start3A_646 : memref<1x1x1x8x128xf32, #tpu.memory_space<hbm>> -> memref<8x128xf32, #tpu.memory_space<hbm>>
      %dma_start3A_648 = arith.constant 0 : i32
      %dma_start3A_649 = arith.constant 0 : i32
      %dma_start3A_650 = tpu.memref_slice %arg5[%add3A_525, %dma_start3A_639, %add3A, %dma_start3A_648, %dma_start3A_649] : memref<200x8x32x8x128xf32, #tpu.memory_space<hbm>> -> memref<1x1x1x8x128xf32, #tpu.memory_space<hbm>>
      %dma_start3A_651 = tpu.memref_squeeze %dma_start3A_650 : memref<1x1x1x8x128xf32, #tpu.memory_space<hbm>> -> memref<8x128xf32, #tpu.memory_space<hbm>>
      %dma_start3A_652 = arith.constant 32 : i32
      %dma_start3A_653 = arith.constant 0 : i32
      %dma_start3A_654 = tpu.memref_slice %arg9[%dma_start3A_638, %dma_start3A_652, %dma_start3A_653] : memref<2x64x133xf32, #tpu.memory_space<vmem>> -> memref<1x8x128xf32, #tpu.memory_space<vmem>>
      %dma_start3A_655 = tpu.memref_squeeze %dma_start3A_654 : memref<1x8x128xf32, #tpu.memory_space<vmem>> -> memref<8x128xf32, #tpu.memory_space<vmem>>
      tpu.enqueue_dma source(%dma_start3A_655 : memref<8x128xf32, #tpu.memory_space<vmem>>) target(%dma_start3A_651 : memref<8x128xf32, #tpu.memory_space<hbm>>) target_semaphore(%arg13 : memref<!tpu.dma_semaphore, #tpu.memory_space<semaphore_mem>>)
      %dma_start3A_656 = arith.constant 1 : i32
      %dma_start3A_657 = arith.constant 5 : i32
      %dma_start3A_658 = arith.constant 40 : i32
      %dma_start3A_659 = arith.constant 0 : i32
      %dma_start3A_660 = tpu.memref_slice %arg9[%dma_start3A_656, %dma_start3A_658, %dma_start3A_659] : memref<2x64x133xf32, #tpu.memory_space<vmem>> -> memref<1x8x128xf32, #tpu.memory_space<vmem>>
      %dma_start3A_661 = tpu.memref_squeeze %dma_start3A_660 : memref<1x8x128xf32, #tpu.memory_space<vmem>> -> memref<8x128xf32, #tpu.memory_space<vmem>>
      %dma_start3A_662 = arith.constant 0 : i32
      %dma_start3A_663 = arith.constant 0 : i32
      %dma_start3A_664 = tpu.memref_slice %arg5[%add3A_525, %dma_start3A_657, %add3A, %dma_start3A_662, %dma_start3A_663] : memref<200x8x32x8x128xf32, #tpu.memory_space<hbm>> -> memref<1x1x1x8x128xf32, #tpu.memory_space<hbm>>
      %dma_start3A_665 = tpu.memref_squeeze %dma_start3A_664 : memref<1x1x1x8x128xf32, #tpu.memory_space<hbm>> -> memref<8x128xf32, #tpu.memory_space<hbm>>
      %dma_start3A_666 = arith.constant 0 : i32
      %dma_start3A_667 = arith.constant 0 : i32
      %dma_start3A_668 = tpu.memref_slice %arg5[%add3A_525, %dma_start3A_657, %add3A, %dma_start3A_666, %dma_start3A_667] : memref<200x8x32x8x128xf32, #tpu.memory_space<hbm>> -> memref<1x1x1x8x128xf32, #tpu.memory_space<hbm>>
      %dma_start3A_669 = tpu.memref_squeeze %dma_start3A_668 : memref<1x1x1x8x128xf32, #tpu.memory_space<hbm>> -> memref<8x128xf32, #tpu.memory_space<hbm>>
      %dma_start3A_670 = arith.constant 40 : i32
      %dma_start3A_671 = arith.constant 0 : i32
      %dma_start3A_672 = tpu.memref_slice %arg9[%dma_start3A_656, %dma_start3A_670, %dma_start3A_671] : memref<2x64x133xf32, #tpu.memory_space<vmem>> -> memref<1x8x128xf32, #tpu.memory_space<vmem>>
      %dma_start3A_673 = tpu.memref_squeeze %dma_start3A_672 : memref<1x8x128xf32, #tpu.memory_space<vmem>> -> memref<8x128xf32, #tpu.memory_space<vmem>>
      tpu.enqueue_dma source(%dma_start3A_673 : memref<8x128xf32, #tpu.memory_space<vmem>>) target(%dma_start3A_669 : memref<8x128xf32, #tpu.memory_space<hbm>>) target_semaphore(%arg13 : memref<!tpu.dma_semaphore, #tpu.memory_space<semaphore_mem>>)
      %dma_start3A_674 = arith.constant 1 : i32
      %dma_start3A_675 = arith.constant 6 : i32
      %dma_start3A_676 = arith.constant 48 : i32
      %dma_start3A_677 = arith.constant 0 : i32
      %dma_start3A_678 = tpu.memref_slice %arg9[%dma_start3A_674, %dma_start3A_676, %dma_start3A_677] : memref<2x64x133xf32, #tpu.memory_space<vmem>> -> memref<1x8x128xf32, #tpu.memory_space<vmem>>
      %dma_start3A_679 = tpu.memref_squeeze %dma_start3A_678 : memref<1x8x128xf32, #tpu.memory_space<vmem>> -> memref<8x128xf32, #tpu.memory_space<vmem>>
      %dma_start3A_680 = arith.constant 0 : i32
      %dma_start3A_681 = arith.constant 0 : i32
      %dma_start3A_682 = tpu.memref_slice %arg5[%add3A_525, %dma_start3A_675, %add3A, %dma_start3A_680, %dma_start3A_681] : memref<200x8x32x8x128xf32, #tpu.memory_space<hbm>> -> memref<1x1x1x8x128xf32, #tpu.memory_space<hbm>>
      %dma_start3A_683 = tpu.memref_squeeze %dma_start3A_682 : memref<1x1x1x8x128xf32, #tpu.memory_space<hbm>> -> memref<8x128xf32, #tpu.memory_space<hbm>>
      %dma_start3A_684 = arith.constant 0 : i32
      %dma_start3A_685 = arith.constant 0 : i32
      %dma_start3A_686 = tpu.memref_slice %arg5[%add3A_525, %dma_start3A_675, %add3A, %dma_start3A_684, %dma_start3A_685] : memref<200x8x32x8x128xf32, #tpu.memory_space<hbm>> -> memref<1x1x1x8x128xf32, #tpu.memory_space<hbm>>
      %dma_start3A_687 = tpu.memref_squeeze %dma_start3A_686 : memref<1x1x1x8x128xf32, #tpu.memory_space<hbm>> -> memref<8x128xf32, #tpu.memory_space<hbm>>
      %dma_start3A_688 = arith.constant 48 : i32
      %dma_start3A_689 = arith.constant 0 : i32
      %dma_start3A_690 = tpu.memref_slice %arg9[%dma_start3A_674, %dma_start3A_688, %dma_start3A_689] : memref<2x64x133xf32, #tpu.memory_space<vmem>> -> memref<1x8x128xf32, #tpu.memory_space<vmem>>
      %dma_start3A_691 = tpu.memref_squeeze %dma_start3A_690 : memref<1x8x128xf32, #tpu.memory_space<vmem>> -> memref<8x128xf32, #tpu.memory_space<vmem>>
      tpu.enqueue_dma source(%dma_start3A_691 : memref<8x128xf32, #tpu.memory_space<vmem>>) target(%dma_start3A_687 : memref<8x128xf32, #tpu.memory_space<hbm>>) target_semaphore(%arg13 : memref<!tpu.dma_semaphore, #tpu.memory_space<semaphore_mem>>)
      %dma_start3A_692 = arith.constant 1 : i32
      %dma_start3A_693 = arith.constant 7 : i32
      %dma_start3A_694 = arith.constant 56 : i32
      %dma_start3A_695 = arith.constant 0 : i32
      %dma_start3A_696 = tpu.memref_slice %arg9[%dma_start3A_692, %dma_start3A_694, %dma_start3A_695] : memref<2x64x133xf32, #tpu.memory_space<vmem>> -> memref<1x8x128xf32, #tpu.memory_space<vmem>>
      %dma_start3A_697 = tpu.memref_squeeze %dma_start3A_696 : memref<1x8x128xf32, #tpu.memory_space<vmem>> -> memref<8x128xf32, #tpu.memory_space<vmem>>
      %dma_start3A_698 = arith.constant 0 : i32
      %dma_start3A_699 = arith.constant 0 : i32
      %dma_start3A_700 = tpu.memref_slice %arg5[%add3A_525, %dma_start3A_693, %add3A, %dma_start3A_698, %dma_start3A_699] : memref<200x8x32x8x128xf32, #tpu.memory_space<hbm>> -> memref<1x1x1x8x128xf32, #tpu.memory_space<hbm>>
      %dma_start3A_701 = tpu.memref_squeeze %dma_start3A_700 : memref<1x1x1x8x128xf32, #tpu.memory_space<hbm>> -> memref<8x128xf32, #tpu.memory_space<hbm>>
      %dma_start3A_702 = arith.constant 0 : i32
      %dma_start3A_703 = arith.constant 0 : i32
      %dma_start3A_704 = tpu.memref_slice %arg5[%add3A_525, %dma_start3A_693, %add3A, %dma_start3A_702, %dma_start3A_703] : memref<200x8x32x8x128xf32, #tpu.memory_space<hbm>> -> memref<1x1x1x8x128xf32, #tpu.memory_space<hbm>>
      %dma_start3A_705 = tpu.memref_squeeze %dma_start3A_704 : memref<1x1x1x8x128xf32, #tpu.memory_space<hbm>> -> memref<8x128xf32, #tpu.memory_space<hbm>>
      %dma_start3A_706 = arith.constant 56 : i32
      %dma_start3A_707 = arith.constant 0 : i32
      %dma_start3A_708 = tpu.memref_slice %arg9[%dma_start3A_692, %dma_start3A_706, %dma_start3A_707] : memref<2x64x133xf32, #tpu.memory_space<vmem>> -> memref<1x8x128xf32, #tpu.memory_space<vmem>>
      %dma_start3A_709 = tpu.memref_squeeze %dma_start3A_708 : memref<1x8x128xf32, #tpu.memory_space<vmem>> -> memref<8x128xf32, #tpu.memory_space<vmem>>
      tpu.enqueue_dma source(%dma_start3A_709 : memref<8x128xf32, #tpu.memory_space<vmem>>) target(%dma_start3A_705 : memref<8x128xf32, #tpu.memory_space<hbm>>) target_semaphore(%arg13 : memref<!tpu.dma_semaphore, #tpu.memory_space<semaphore_mem>>)
    }
    %scan3A_35 = arith.constant 100 : i32
    %dma_wait3A = arith.constant 0 : i32
    %dma_wait3A_36 = arith.constant 198 : i32
    %dma_wait3A_37 = arith.constant 0 : i32
    %dma_wait3A_38 = arith.constant 0 : i32
    %dma_wait3A_39 = arith.constant 0 : i32
    %dma_wait3A_40 = tpu.memref_slice %arg9[%dma_wait3A, %dma_wait3A_38, %dma_wait3A_39] : memref<2x64x133xf32, #tpu.memory_space<vmem>> -> memref<1x8x128xf32, #tpu.memory_space<vmem>>
    %dma_wait3A_41 = tpu.memref_squeeze %dma_wait3A_40 : memref<1x8x128xf32, #tpu.memory_space<vmem>> -> memref<8x128xf32, #tpu.memory_space<vmem>>
    %dma_wait3A_42 = arith.constant 0 : i32
    %dma_wait3A_43 = arith.constant 0 : i32
    %dma_wait3A_44 = tpu.memref_slice %arg5[%dma_wait3A_36, %dma_wait3A_37, %add3A, %dma_wait3A_42, %dma_wait3A_43] : memref<200x8x32x8x128xf32, #tpu.memory_space<hbm>> -> memref<1x1x1x8x128xf32, #tpu.memory_space<hbm>>
    %dma_wait3A_45 = tpu.memref_squeeze %dma_wait3A_44 : memref<1x1x1x8x128xf32, #tpu.memory_space<hbm>> -> memref<8x128xf32, #tpu.memory_space<hbm>>
    %dma_wait3A_46 = arith.constant 0 : i32
    %dma_wait3A_47 = arith.constant 0 : i32
    %dma_wait3A_48 = tpu.memref_slice %arg5[%dma_wait3A_36, %dma_wait3A_37, %add3A, %dma_wait3A_46, %dma_wait3A_47] : memref<200x8x32x8x128xf32, #tpu.memory_space<hbm>> -> memref<1x1x1x8x128xf32, #tpu.memory_space<hbm>>
    %dma_wait3A_49 = tpu.memref_squeeze %dma_wait3A_48 : memref<1x1x1x8x128xf32, #tpu.memory_space<hbm>> -> memref<8x128xf32, #tpu.memory_space<hbm>>
    %dma_wait3A_50 = arith.constant 0 : i32
    %dma_wait3A_51 = arith.constant 0 : i32
    %dma_wait3A_52 = tpu.memref_slice %arg9[%dma_wait3A, %dma_wait3A_50, %dma_wait3A_51] : memref<2x64x133xf32, #tpu.memory_space<vmem>> -> memref<1x8x128xf32, #tpu.memory_space<vmem>>
    %dma_wait3A_53 = tpu.memref_squeeze %dma_wait3A_52 : memref<1x8x128xf32, #tpu.memory_space<vmem>> -> memref<8x128xf32, #tpu.memory_space<vmem>>
    tpu.wait_dma2 semaphore(%arg12 : memref<!tpu.dma_semaphore, #tpu.memory_space<semaphore_mem>>) src(%dma_wait3A_53 : memref<8x128xf32, #tpu.memory_space<vmem>>) dst(%dma_wait3A_49 : memref<8x128xf32, #tpu.memory_space<hbm>>)
    %dma_wait3A_54 = arith.constant 0 : i32
    %dma_wait3A_55 = arith.constant 198 : i32
    %dma_wait3A_56 = arith.constant 1 : i32
    %dma_wait3A_57 = arith.constant 8 : i32
    %dma_wait3A_58 = arith.constant 0 : i32
    %dma_wait3A_59 = tpu.memref_slice %arg9[%dma_wait3A_54, %dma_wait3A_57, %dma_wait3A_58] : memref<2x64x133xf32, #tpu.memory_space<vmem>> -> memref<1x8x128xf32, #tpu.memory_space<vmem>>
    %dma_wait3A_60 = tpu.memref_squeeze %dma_wait3A_59 : memref<1x8x128xf32, #tpu.memory_space<vmem>> -> memref<8x128xf32, #tpu.memory_space<vmem>>
    %dma_wait3A_61 = arith.constant 0 : i32
    %dma_wait3A_62 = arith.constant 0 : i32
    %dma_wait3A_63 = tpu.memref_slice %arg5[%dma_wait3A_55, %dma_wait3A_56, %add3A, %dma_wait3A_61, %dma_wait3A_62] : memref<200x8x32x8x128xf32, #tpu.memory_space<hbm>> -> memref<1x1x1x8x128xf32, #tpu.memory_space<hbm>>
    %dma_wait3A_64 = tpu.memref_squeeze %dma_wait3A_63 : memref<1x1x1x8x128xf32, #tpu.memory_space<hbm>> -> memref<8x128xf32, #tpu.memory_space<hbm>>
    %dma_wait3A_65 = arith.constant 0 : i32
    %dma_wait3A_66 = arith.constant 0 : i32
    %dma_wait3A_67 = tpu.memref_slice %arg5[%dma_wait3A_55, %dma_wait3A_56, %add3A, %dma_wait3A_65, %dma_wait3A_66] : memref<200x8x32x8x128xf32, #tpu.memory_space<hbm>> -> memref<1x1x1x8x128xf32, #tpu.memory_space<hbm>>
    %dma_wait3A_68 = tpu.memref_squeeze %dma_wait3A_67 : memref<1x1x1x8x128xf32, #tpu.memory_space<hbm>> -> memref<8x128xf32, #tpu.memory_space<hbm>>
    %dma_wait3A_69 = arith.constant 8 : i32
    %dma_wait3A_70 = arith.constant 0 : i32
    %dma_wait3A_71 = tpu.memref_slice %arg9[%dma_wait3A_54, %dma_wait3A_69, %dma_wait3A_70] : memref<2x64x133xf32, #tpu.memory_space<vmem>> -> memref<1x8x128xf32, #tpu.memory_space<vmem>>
    %dma_wait3A_72 = tpu.memref_squeeze %dma_wait3A_71 : memref<1x8x128xf32, #tpu.memory_space<vmem>> -> memref<8x128xf32, #tpu.memory_space<vmem>>
    tpu.wait_dma2 semaphore(%arg12 : memref<!tpu.dma_semaphore, #tpu.memory_space<semaphore_mem>>) src(%dma_wait3A_72 : memref<8x128xf32, #tpu.memory_space<vmem>>) dst(%dma_wait3A_68 : memref<8x128xf32, #tpu.memory_space<hbm>>)
    %dma_wait3A_73 = arith.constant 0 : i32
    %dma_wait3A_74 = arith.constant 198 : i32
    %dma_wait3A_75 = arith.constant 2 : i32
    %dma_wait3A_76 = arith.constant 16 : i32
    %dma_wait3A_77 = arith.constant 0 : i32
    %dma_wait3A_78 = tpu.memref_slice %arg9[%dma_wait3A_73, %dma_wait3A_76, %dma_wait3A_77] : memref<2x64x133xf32, #tpu.memory_space<vmem>> -> memref<1x8x128xf32, #tpu.memory_space<vmem>>
    %dma_wait3A_79 = tpu.memref_squeeze %dma_wait3A_78 : memref<1x8x128xf32, #tpu.memory_space<vmem>> -> memref<8x128xf32, #tpu.memory_space<vmem>>
    %dma_wait3A_80 = arith.constant 0 : i32
    %dma_wait3A_81 = arith.constant 0 : i32
    %dma_wait3A_82 = tpu.memref_slice %arg5[%dma_wait3A_74, %dma_wait3A_75, %add3A, %dma_wait3A_80, %dma_wait3A_81] : memref<200x8x32x8x128xf32, #tpu.memory_space<hbm>> -> memref<1x1x1x8x128xf32, #tpu.memory_space<hbm>>
    %dma_wait3A_83 = tpu.memref_squeeze %dma_wait3A_82 : memref<1x1x1x8x128xf32, #tpu.memory_space<hbm>> -> memref<8x128xf32, #tpu.memory_space<hbm>>
    %dma_wait3A_84 = arith.constant 0 : i32
    %dma_wait3A_85 = arith.constant 0 : i32
    %dma_wait3A_86 = tpu.memref_slice %arg5[%dma_wait3A_74, %dma_wait3A_75, %add3A, %dma_wait3A_84, %dma_wait3A_85] : memref<200x8x32x8x128xf32, #tpu.memory_space<hbm>> -> memref<1x1x1x8x128xf32, #tpu.memory_space<hbm>>
    %dma_wait3A_87 = tpu.memref_squeeze %dma_wait3A_86 : memref<1x1x1x8x128xf32, #tpu.memory_space<hbm>> -> memref<8x128xf32, #tpu.memory_space<hbm>>
    %dma_wait3A_88 = arith.constant 16 : i32
    %dma_wait3A_89 = arith.constant 0 : i32
    %dma_wait3A_90 = tpu.memref_slice %arg9[%dma_wait3A_73, %dma_wait3A_88, %dma_wait3A_89] : memref<2x64x133xf32, #tpu.memory_space<vmem>> -> memref<1x8x128xf32, #tpu.memory_space<vmem>>
    %dma_wait3A_91 = tpu.memref_squeeze %dma_wait3A_90 : memref<1x8x128xf32, #tpu.memory_space<vmem>> -> memref<8x128xf32, #tpu.memory_space<vmem>>
    tpu.wait_dma2 semaphore(%arg12 : memref<!tpu.dma_semaphore, #tpu.memory_space<semaphore_mem>>) src(%dma_wait3A_91 : memref<8x128xf32, #tpu.memory_space<vmem>>) dst(%dma_wait3A_87 : memref<8x128xf32, #tpu.memory_space<hbm>>)
    %dma_wait3A_92 = arith.constant 0 : i32
    %dma_wait3A_93 = arith.constant 198 : i32
    %dma_wait3A_94 = arith.constant 3 : i32
    %dma_wait3A_95 = arith.constant 24 : i32
    %dma_wait3A_96 = arith.constant 0 : i32
    %dma_wait3A_97 = tpu.memref_slice %arg9[%dma_wait3A_92, %dma_wait3A_95, %dma_wait3A_96] : memref<2x64x133xf32, #tpu.memory_space<vmem>> -> memref<1x8x128xf32, #tpu.memory_space<vmem>>
    %dma_wait3A_98 = tpu.memref_squeeze %dma_wait3A_97 : memref<1x8x128xf32, #tpu.memory_space<vmem>> -> memref<8x128xf32, #tpu.memory_space<vmem>>
    %dma_wait3A_99 = arith.constant 0 : i32
    %dma_wait3A_100 = arith.constant 0 : i32
    %dma_wait3A_101 = tpu.memref_slice %arg5[%dma_wait3A_93, %dma_wait3A_94, %add3A, %dma_wait3A_99, %dma_wait3A_100] : memref<200x8x32x8x128xf32, #tpu.memory_space<hbm>> -> memref<1x1x1x8x128xf32, #tpu.memory_space<hbm>>
    %dma_wait3A_102 = tpu.memref_squeeze %dma_wait3A_101 : memref<1x1x1x8x128xf32, #tpu.memory_space<hbm>> -> memref<8x128xf32, #tpu.memory_space<hbm>>
    %dma_wait3A_103 = arith.constant 0 : i32
    %dma_wait3A_104 = arith.constant 0 : i32
    %dma_wait3A_105 = tpu.memref_slice %arg5[%dma_wait3A_93, %dma_wait3A_94, %add3A, %dma_wait3A_103, %dma_wait3A_104] : memref<200x8x32x8x128xf32, #tpu.memory_space<hbm>> -> memref<1x1x1x8x128xf32, #tpu.memory_space<hbm>>
    %dma_wait3A_106 = tpu.memref_squeeze %dma_wait3A_105 : memref<1x1x1x8x128xf32, #tpu.memory_space<hbm>> -> memref<8x128xf32, #tpu.memory_space<hbm>>
    %dma_wait3A_107 = arith.constant 24 : i32
    %dma_wait3A_108 = arith.constant 0 : i32
    %dma_wait3A_109 = tpu.memref_slice %arg9[%dma_wait3A_92, %dma_wait3A_107, %dma_wait3A_108] : memref<2x64x133xf32, #tpu.memory_space<vmem>> -> memref<1x8x128xf32, #tpu.memory_space<vmem>>
    %dma_wait3A_110 = tpu.memref_squeeze %dma_wait3A_109 : memref<1x8x128xf32, #tpu.memory_space<vmem>> -> memref<8x128xf32, #tpu.memory_space<vmem>>
    tpu.wait_dma2 semaphore(%arg12 : memref<!tpu.dma_semaphore, #tpu.memory_space<semaphore_mem>>) src(%dma_wait3A_110 : memref<8x128xf32, #tpu.memory_space<vmem>>) dst(%dma_wait3A_106 : memref<8x128xf32, #tpu.memory_space<hbm>>)
    %dma_wait3A_111 = arith.constant 0 : i32
    %dma_wait3A_112 = arith.constant 198 : i32
    %dma_wait3A_113 = arith.constant 4 : i32
    %dma_wait3A_114 = arith.constant 32 : i32
    %dma_wait3A_115 = arith.constant 0 : i32
    %dma_wait3A_116 = tpu.memref_slice %arg9[%dma_wait3A_111, %dma_wait3A_114, %dma_wait3A_115] : memref<2x64x133xf32, #tpu.memory_space<vmem>> -> memref<1x8x128xf32, #tpu.memory_space<vmem>>
    %dma_wait3A_117 = tpu.memref_squeeze %dma_wait3A_116 : memref<1x8x128xf32, #tpu.memory_space<vmem>> -> memref<8x128xf32, #tpu.memory_space<vmem>>
    %dma_wait3A_118 = arith.constant 0 : i32
    %dma_wait3A_119 = arith.constant 0 : i32
    %dma_wait3A_120 = tpu.memref_slice %arg5[%dma_wait3A_112, %dma_wait3A_113, %add3A, %dma_wait3A_118, %dma_wait3A_119] : memref<200x8x32x8x128xf32, #tpu.memory_space<hbm>> -> memref<1x1x1x8x128xf32, #tpu.memory_space<hbm>>
    %dma_wait3A_121 = tpu.memref_squeeze %dma_wait3A_120 : memref<1x1x1x8x128xf32, #tpu.memory_space<hbm>> -> memref<8x128xf32, #tpu.memory_space<hbm>>
    %dma_wait3A_122 = arith.constant 0 : i32
    %dma_wait3A_123 = arith.constant 0 : i32
    %dma_wait3A_124 = tpu.memref_slice %arg5[%dma_wait3A_112, %dma_wait3A_113, %add3A, %dma_wait3A_122, %dma_wait3A_123] : memref<200x8x32x8x128xf32, #tpu.memory_space<hbm>> -> memref<1x1x1x8x128xf32, #tpu.memory_space<hbm>>
    %dma_wait3A_125 = tpu.memref_squeeze %dma_wait3A_124 : memref<1x1x1x8x128xf32, #tpu.memory_space<hbm>> -> memref<8x128xf32, #tpu.memory_space<hbm>>
    %dma_wait3A_126 = arith.constant 32 : i32
    %dma_wait3A_127 = arith.constant 0 : i32
    %dma_wait3A_128 = tpu.memref_slice %arg9[%dma_wait3A_111, %dma_wait3A_126, %dma_wait3A_127] : memref<2x64x133xf32, #tpu.memory_space<vmem>> -> memref<1x8x128xf32, #tpu.memory_space<vmem>>
    %dma_wait3A_129 = tpu.memref_squeeze %dma_wait3A_128 : memref<1x8x128xf32, #tpu.memory_space<vmem>> -> memref<8x128xf32, #tpu.memory_space<vmem>>
    tpu.wait_dma2 semaphore(%arg12 : memref<!tpu.dma_semaphore, #tpu.memory_space<semaphore_mem>>) src(%dma_wait3A_129 : memref<8x128xf32, #tpu.memory_space<vmem>>) dst(%dma_wait3A_125 : memref<8x128xf32, #tpu.memory_space<hbm>>)
    %dma_wait3A_130 = arith.constant 0 : i32
    %dma_wait3A_131 = arith.constant 198 : i32
    %dma_wait3A_132 = arith.constant 5 : i32
    %dma_wait3A_133 = arith.constant 40 : i32
    %dma_wait3A_134 = arith.constant 0 : i32
    %dma_wait3A_135 = tpu.memref_slice %arg9[%dma_wait3A_130, %dma_wait3A_133, %dma_wait3A_134] : memref<2x64x133xf32, #tpu.memory_space<vmem>> -> memref<1x8x128xf32, #tpu.memory_space<vmem>>
    %dma_wait3A_136 = tpu.memref_squeeze %dma_wait3A_135 : memref<1x8x128xf32, #tpu.memory_space<vmem>> -> memref<8x128xf32, #tpu.memory_space<vmem>>
    %dma_wait3A_137 = arith.constant 0 : i32
    %dma_wait3A_138 = arith.constant 0 : i32
    %dma_wait3A_139 = tpu.memref_slice %arg5[%dma_wait3A_131, %dma_wait3A_132, %add3A, %dma_wait3A_137, %dma_wait3A_138] : memref<200x8x32x8x128xf32, #tpu.memory_space<hbm>> -> memref<1x1x1x8x128xf32, #tpu.memory_space<hbm>>
    %dma_wait3A_140 = tpu.memref_squeeze %dma_wait3A_139 : memref<1x1x1x8x128xf32, #tpu.memory_space<hbm>> -> memref<8x128xf32, #tpu.memory_space<hbm>>
    %dma_wait3A_141 = arith.constant 0 : i32
    %dma_wait3A_142 = arith.constant 0 : i32
    %dma_wait3A_143 = tpu.memref_slice %arg5[%dma_wait3A_131, %dma_wait3A_132, %add3A, %dma_wait3A_141, %dma_wait3A_142] : memref<200x8x32x8x128xf32, #tpu.memory_space<hbm>> -> memref<1x1x1x8x128xf32, #tpu.memory_space<hbm>>
    %dma_wait3A_144 = tpu.memref_squeeze %dma_wait3A_143 : memref<1x1x1x8x128xf32, #tpu.memory_space<hbm>> -> memref<8x128xf32, #tpu.memory_space<hbm>>
    %dma_wait3A_145 = arith.constant 40 : i32
    %dma_wait3A_146 = arith.constant 0 : i32
    %dma_wait3A_147 = tpu.memref_slice %arg9[%dma_wait3A_130, %dma_wait3A_145, %dma_wait3A_146] : memref<2x64x133xf32, #tpu.memory_space<vmem>> -> memref<1x8x128xf32, #tpu.memory_space<vmem>>
    %dma_wait3A_148 = tpu.memref_squeeze %dma_wait3A_147 : memref<1x8x128xf32, #tpu.memory_space<vmem>> -> memref<8x128xf32, #tpu.memory_space<vmem>>
    tpu.wait_dma2 semaphore(%arg12 : memref<!tpu.dma_semaphore, #tpu.memory_space<semaphore_mem>>) src(%dma_wait3A_148 : memref<8x128xf32, #tpu.memory_space<vmem>>) dst(%dma_wait3A_144 : memref<8x128xf32, #tpu.memory_space<hbm>>)
    %dma_wait3A_149 = arith.constant 0 : i32
    %dma_wait3A_150 = arith.constant 198 : i32
    %dma_wait3A_151 = arith.constant 6 : i32
    %dma_wait3A_152 = arith.constant 48 : i32
    %dma_wait3A_153 = arith.constant 0 : i32
    %dma_wait3A_154 = tpu.memref_slice %arg9[%dma_wait3A_149, %dma_wait3A_152, %dma_wait3A_153] : memref<2x64x133xf32, #tpu.memory_space<vmem>> -> memref<1x8x128xf32, #tpu.memory_space<vmem>>
    %dma_wait3A_155 = tpu.memref_squeeze %dma_wait3A_154 : memref<1x8x128xf32, #tpu.memory_space<vmem>> -> memref<8x128xf32, #tpu.memory_space<vmem>>
    %dma_wait3A_156 = arith.constant 0 : i32
    %dma_wait3A_157 = arith.constant 0 : i32
    %dma_wait3A_158 = tpu.memref_slice %arg5[%dma_wait3A_150, %dma_wait3A_151, %add3A, %dma_wait3A_156, %dma_wait3A_157] : memref<200x8x32x8x128xf32, #tpu.memory_space<hbm>> -> memref<1x1x1x8x128xf32, #tpu.memory_space<hbm>>
    %dma_wait3A_159 = tpu.memref_squeeze %dma_wait3A_158 : memref<1x1x1x8x128xf32, #tpu.memory_space<hbm>> -> memref<8x128xf32, #tpu.memory_space<hbm>>
    %dma_wait3A_160 = arith.constant 0 : i32
    %dma_wait3A_161 = arith.constant 0 : i32
    %dma_wait3A_162 = tpu.memref_slice %arg5[%dma_wait3A_150, %dma_wait3A_151, %add3A, %dma_wait3A_160, %dma_wait3A_161] : memref<200x8x32x8x128xf32, #tpu.memory_space<hbm>> -> memref<1x1x1x8x128xf32, #tpu.memory_space<hbm>>
    %dma_wait3A_163 = tpu.memref_squeeze %dma_wait3A_162 : memref<1x1x1x8x128xf32, #tpu.memory_space<hbm>> -> memref<8x128xf32, #tpu.memory_space<hbm>>
    %dma_wait3A_164 = arith.constant 48 : i32
    %dma_wait3A_165 = arith.constant 0 : i32
    %dma_wait3A_166 = tpu.memref_slice %arg9[%dma_wait3A_149, %dma_wait3A_164, %dma_wait3A_165] : memref<2x64x133xf32, #tpu.memory_space<vmem>> -> memref<1x8x128xf32, #tpu.memory_space<vmem>>
    %dma_wait3A_167 = tpu.memref_squeeze %dma_wait3A_166 : memref<1x8x128xf32, #tpu.memory_space<vmem>> -> memref<8x128xf32, #tpu.memory_space<vmem>>
    tpu.wait_dma2 semaphore(%arg12 : memref<!tpu.dma_semaphore, #tpu.memory_space<semaphore_mem>>) src(%dma_wait3A_167 : memref<8x128xf32, #tpu.memory_space<vmem>>) dst(%dma_wait3A_163 : memref<8x128xf32, #tpu.memory_space<hbm>>)
    %dma_wait3A_168 = arith.constant 0 : i32
    %dma_wait3A_169 = arith.constant 198 : i32
    %dma_wait3A_170 = arith.constant 7 : i32
    %dma_wait3A_171 = arith.constant 56 : i32
    %dma_wait3A_172 = arith.constant 0 : i32
    %dma_wait3A_173 = tpu.memref_slice %arg9[%dma_wait3A_168, %dma_wait3A_171, %dma_wait3A_172] : memref<2x64x133xf32, #tpu.memory_space<vmem>> -> memref<1x8x128xf32, #tpu.memory_space<vmem>>
    %dma_wait3A_174 = tpu.memref_squeeze %dma_wait3A_173 : memref<1x8x128xf32, #tpu.memory_space<vmem>> -> memref<8x128xf32, #tpu.memory_space<vmem>>
    %dma_wait3A_175 = arith.constant 0 : i32
    %dma_wait3A_176 = arith.constant 0 : i32
    %dma_wait3A_177 = tpu.memref_slice %arg5[%dma_wait3A_169, %dma_wait3A_170, %add3A, %dma_wait3A_175, %dma_wait3A_176] : memref<200x8x32x8x128xf32, #tpu.memory_space<hbm>> -> memref<1x1x1x8x128xf32, #tpu.memory_space<hbm>>
    %dma_wait3A_178 = tpu.memref_squeeze %dma_wait3A_177 : memref<1x1x1x8x128xf32, #tpu.memory_space<hbm>> -> memref<8x128xf32, #tpu.memory_space<hbm>>
    %dma_wait3A_179 = arith.constant 0 : i32
    %dma_wait3A_180 = arith.constant 0 : i32
    %dma_wait3A_181 = tpu.memref_slice %arg5[%dma_wait3A_169, %dma_wait3A_170, %add3A, %dma_wait3A_179, %dma_wait3A_180] : memref<200x8x32x8x128xf32, #tpu.memory_space<hbm>> -> memref<1x1x1x8x128xf32, #tpu.memory_space<hbm>>
    %dma_wait3A_182 = tpu.memref_squeeze %dma_wait3A_181 : memref<1x1x1x8x128xf32, #tpu.memory_space<hbm>> -> memref<8x128xf32, #tpu.memory_space<hbm>>
    %dma_wait3A_183 = arith.constant 56 : i32
    %dma_wait3A_184 = arith.constant 0 : i32
    %dma_wait3A_185 = tpu.memref_slice %arg9[%dma_wait3A_168, %dma_wait3A_183, %dma_wait3A_184] : memref<2x64x133xf32, #tpu.memory_space<vmem>> -> memref<1x8x128xf32, #tpu.memory_space<vmem>>
    %dma_wait3A_186 = tpu.memref_squeeze %dma_wait3A_185 : memref<1x8x128xf32, #tpu.memory_space<vmem>> -> memref<8x128xf32, #tpu.memory_space<vmem>>
    tpu.wait_dma2 semaphore(%arg12 : memref<!tpu.dma_semaphore, #tpu.memory_space<semaphore_mem>>) src(%dma_wait3A_186 : memref<8x128xf32, #tpu.memory_space<vmem>>) dst(%dma_wait3A_182 : memref<8x128xf32, #tpu.memory_space<hbm>>)
    %dma_wait3A_187 = arith.constant 1 : i32
    %dma_wait3A_188 = arith.constant 199 : i32
    %dma_wait3A_189 = arith.constant 0 : i32
    %dma_wait3A_190 = arith.constant 0 : i32
    %dma_wait3A_191 = arith.constant 0 : i32
    %dma_wait3A_192 = tpu.memref_slice %arg9[%dma_wait3A_187, %dma_wait3A_190, %dma_wait3A_191] : memref<2x64x133xf32, #tpu.memory_space<vmem>> -> memref<1x8x128xf32, #tpu.memory_space<vmem>>
    %dma_wait3A_193 = tpu.memref_squeeze %dma_wait3A_192 : memref<1x8x128xf32, #tpu.memory_space<vmem>> -> memref<8x128xf32, #tpu.memory_space<vmem>>
    %dma_wait3A_194 = arith.constant 0 : i32
    %dma_wait3A_195 = arith.constant 0 : i32
    %dma_wait3A_196 = tpu.memref_slice %arg5[%dma_wait3A_188, %dma_wait3A_189, %add3A, %dma_wait3A_194, %dma_wait3A_195] : memref<200x8x32x8x128xf32, #tpu.memory_space<hbm>> -> memref<1x1x1x8x128xf32, #tpu.memory_space<hbm>>
    %dma_wait3A_197 = tpu.memref_squeeze %dma_wait3A_196 : memref<1x1x1x8x128xf32, #tpu.memory_space<hbm>> -> memref<8x128xf32, #tpu.memory_space<hbm>>
    %dma_wait3A_198 = arith.constant 0 : i32
    %dma_wait3A_199 = arith.constant 0 : i32
    %dma_wait3A_200 = tpu.memref_slice %arg5[%dma_wait3A_188, %dma_wait3A_189, %add3A, %dma_wait3A_198, %dma_wait3A_199] : memref<200x8x32x8x128xf32, #tpu.memory_space<hbm>> -> memref<1x1x1x8x128xf32, #tpu.memory_space<hbm>>
    %dma_wait3A_201 = tpu.memref_squeeze %dma_wait3A_200 : memref<1x1x1x8x128xf32, #tpu.memory_space<hbm>> -> memref<8x128xf32, #tpu.memory_space<hbm>>
    %dma_wait3A_202 = arith.constant 0 : i32
    %dma_wait3A_203 = arith.constant 0 : i32
    %dma_wait3A_204 = tpu.memref_slice %arg9[%dma_wait3A_187, %dma_wait3A_202, %dma_wait3A_203] : memref<2x64x133xf32, #tpu.memory_space<vmem>> -> memref<1x8x128xf32, #tpu.memory_space<vmem>>
    %dma_wait3A_205 = tpu.memref_squeeze %dma_wait3A_204 : memref<1x8x128xf32, #tpu.memory_space<vmem>> -> memref<8x128xf32, #tpu.memory_space<vmem>>
    tpu.wait_dma2 semaphore(%arg13 : memref<!tpu.dma_semaphore, #tpu.memory_space<semaphore_mem>>) src(%dma_wait3A_205 : memref<8x128xf32, #tpu.memory_space<vmem>>) dst(%dma_wait3A_201 : memref<8x128xf32, #tpu.memory_space<hbm>>)
    %dma_wait3A_206 = arith.constant 1 : i32
    %dma_wait3A_207 = arith.constant 199 : i32
    %dma_wait3A_208 = arith.constant 1 : i32
    %dma_wait3A_209 = arith.constant 8 : i32
    %dma_wait3A_210 = arith.constant 0 : i32
    %dma_wait3A_211 = tpu.memref_slice %arg9[%dma_wait3A_206, %dma_wait3A_209, %dma_wait3A_210] : memref<2x64x133xf32, #tpu.memory_space<vmem>> -> memref<1x8x128xf32, #tpu.memory_space<vmem>>
    %dma_wait3A_212 = tpu.memref_squeeze %dma_wait3A_211 : memref<1x8x128xf32, #tpu.memory_space<vmem>> -> memref<8x128xf32, #tpu.memory_space<vmem>>
    %dma_wait3A_213 = arith.constant 0 : i32
    %dma_wait3A_214 = arith.constant 0 : i32
    %dma_wait3A_215 = tpu.memref_slice %arg5[%dma_wait3A_207, %dma_wait3A_208, %add3A, %dma_wait3A_213, %dma_wait3A_214] : memref<200x8x32x8x128xf32, #tpu.memory_space<hbm>> -> memref<1x1x1x8x128xf32, #tpu.memory_space<hbm>>
    %dma_wait3A_216 = tpu.memref_squeeze %dma_wait3A_215 : memref<1x1x1x8x128xf32, #tpu.memory_space<hbm>> -> memref<8x128xf32, #tpu.memory_space<hbm>>
    %dma_wait3A_217 = arith.constant 0 : i32
    %dma_wait3A_218 = arith.constant 0 : i32
    %dma_wait3A_219 = tpu.memref_slice %arg5[%dma_wait3A_207, %dma_wait3A_208, %add3A, %dma_wait3A_217, %dma_wait3A_218] : memref<200x8x32x8x128xf32, #tpu.memory_space<hbm>> -> memref<1x1x1x8x128xf32, #tpu.memory_space<hbm>>
    %dma_wait3A_220 = tpu.memref_squeeze %dma_wait3A_219 : memref<1x1x1x8x128xf32, #tpu.memory_space<hbm>> -> memref<8x128xf32, #tpu.memory_space<hbm>>
    %dma_wait3A_221 = arith.constant 8 : i32
    %dma_wait3A_222 = arith.constant 0 : i32
    %dma_wait3A_223 = tpu.memref_slice %arg9[%dma_wait3A_206, %dma_wait3A_221, %dma_wait3A_222] : memref<2x64x133xf32, #tpu.memory_space<vmem>> -> memref<1x8x128xf32, #tpu.memory_space<vmem>>
    %dma_wait3A_224 = tpu.memref_squeeze %dma_wait3A_223 : memref<1x8x128xf32, #tpu.memory_space<vmem>> -> memref<8x128xf32, #tpu.memory_space<vmem>>
    tpu.wait_dma2 semaphore(%arg13 : memref<!tpu.dma_semaphore, #tpu.memory_space<semaphore_mem>>) src(%dma_wait3A_224 : memref<8x128xf32, #tpu.memory_space<vmem>>) dst(%dma_wait3A_220 : memref<8x128xf32, #tpu.memory_space<hbm>>)
    %dma_wait3A_225 = arith.constant 1 : i32
    %dma_wait3A_226 = arith.constant 199 : i32
    %dma_wait3A_227 = arith.constant 2 : i32
    %dma_wait3A_228 = arith.constant 16 : i32
    %dma_wait3A_229 = arith.constant 0 : i32
    %dma_wait3A_230 = tpu.memref_slice %arg9[%dma_wait3A_225, %dma_wait3A_228, %dma_wait3A_229] : memref<2x64x133xf32, #tpu.memory_space<vmem>> -> memref<1x8x128xf32, #tpu.memory_space<vmem>>
    %dma_wait3A_231 = tpu.memref_squeeze %dma_wait3A_230 : memref<1x8x128xf32, #tpu.memory_space<vmem>> -> memref<8x128xf32, #tpu.memory_space<vmem>>
    %dma_wait3A_232 = arith.constant 0 : i32
    %dma_wait3A_233 = arith.constant 0 : i32
    %dma_wait3A_234 = tpu.memref_slice %arg5[%dma_wait3A_226, %dma_wait3A_227, %add3A, %dma_wait3A_232, %dma_wait3A_233] : memref<200x8x32x8x128xf32, #tpu.memory_space<hbm>> -> memref<1x1x1x8x128xf32, #tpu.memory_space<hbm>>
    %dma_wait3A_235 = tpu.memref_squeeze %dma_wait3A_234 : memref<1x1x1x8x128xf32, #tpu.memory_space<hbm>> -> memref<8x128xf32, #tpu.memory_space<hbm>>
    %dma_wait3A_236 = arith.constant 0 : i32
    %dma_wait3A_237 = arith.constant 0 : i32
    %dma_wait3A_238 = tpu.memref_slice %arg5[%dma_wait3A_226, %dma_wait3A_227, %add3A, %dma_wait3A_236, %dma_wait3A_237] : memref<200x8x32x8x128xf32, #tpu.memory_space<hbm>> -> memref<1x1x1x8x128xf32, #tpu.memory_space<hbm>>
    %dma_wait3A_239 = tpu.memref_squeeze %dma_wait3A_238 : memref<1x1x1x8x128xf32, #tpu.memory_space<hbm>> -> memref<8x128xf32, #tpu.memory_space<hbm>>
    %dma_wait3A_240 = arith.constant 16 : i32
    %dma_wait3A_241 = arith.constant 0 : i32
    %dma_wait3A_242 = tpu.memref_slice %arg9[%dma_wait3A_225, %dma_wait3A_240, %dma_wait3A_241] : memref<2x64x133xf32, #tpu.memory_space<vmem>> -> memref<1x8x128xf32, #tpu.memory_space<vmem>>
    %dma_wait3A_243 = tpu.memref_squeeze %dma_wait3A_242 : memref<1x8x128xf32, #tpu.memory_space<vmem>> -> memref<8x128xf32, #tpu.memory_space<vmem>>
    tpu.wait_dma2 semaphore(%arg13 : memref<!tpu.dma_semaphore, #tpu.memory_space<semaphore_mem>>) src(%dma_wait3A_243 : memref<8x128xf32, #tpu.memory_space<vmem>>) dst(%dma_wait3A_239 : memref<8x128xf32, #tpu.memory_space<hbm>>)
    %dma_wait3A_244 = arith.constant 1 : i32
    %dma_wait3A_245 = arith.constant 199 : i32
    %dma_wait3A_246 = arith.constant 3 : i32
    %dma_wait3A_247 = arith.constant 24 : i32
    %dma_wait3A_248 = arith.constant 0 : i32
    %dma_wait3A_249 = tpu.memref_slice %arg9[%dma_wait3A_244, %dma_wait3A_247, %dma_wait3A_248] : memref<2x64x133xf32, #tpu.memory_space<vmem>> -> memref<1x8x128xf32, #tpu.memory_space<vmem>>
    %dma_wait3A_250 = tpu.memref_squeeze %dma_wait3A_249 : memref<1x8x128xf32, #tpu.memory_space<vmem>> -> memref<8x128xf32, #tpu.memory_space<vmem>>
    %dma_wait3A_251 = arith.constant 0 : i32
    %dma_wait3A_252 = arith.constant 0 : i32
    %dma_wait3A_253 = tpu.memref_slice %arg5[%dma_wait3A_245, %dma_wait3A_246, %add3A, %dma_wait3A_251, %dma_wait3A_252] : memref<200x8x32x8x128xf32, #tpu.memory_space<hbm>> -> memref<1x1x1x8x128xf32, #tpu.memory_space<hbm>>
    %dma_wait3A_254 = tpu.memref_squeeze %dma_wait3A_253 : memref<1x1x1x8x128xf32, #tpu.memory_space<hbm>> -> memref<8x128xf32, #tpu.memory_space<hbm>>
    %dma_wait3A_255 = arith.constant 0 : i32
    %dma_wait3A_256 = arith.constant 0 : i32
    %dma_wait3A_257 = tpu.memref_slice %arg5[%dma_wait3A_245, %dma_wait3A_246, %add3A, %dma_wait3A_255, %dma_wait3A_256] : memref<200x8x32x8x128xf32, #tpu.memory_space<hbm>> -> memref<1x1x1x8x128xf32, #tpu.memory_space<hbm>>
    %dma_wait3A_258 = tpu.memref_squeeze %dma_wait3A_257 : memref<1x1x1x8x128xf32, #tpu.memory_space<hbm>> -> memref<8x128xf32, #tpu.memory_space<hbm>>
    %dma_wait3A_259 = arith.constant 24 : i32
    %dma_wait3A_260 = arith.constant 0 : i32
    %dma_wait3A_261 = tpu.memref_slice %arg9[%dma_wait3A_244, %dma_wait3A_259, %dma_wait3A_260] : memref<2x64x133xf32, #tpu.memory_space<vmem>> -> memref<1x8x128xf32, #tpu.memory_space<vmem>>
    %dma_wait3A_262 = tpu.memref_squeeze %dma_wait3A_261 : memref<1x8x128xf32, #tpu.memory_space<vmem>> -> memref<8x128xf32, #tpu.memory_space<vmem>>
    tpu.wait_dma2 semaphore(%arg13 : memref<!tpu.dma_semaphore, #tpu.memory_space<semaphore_mem>>) src(%dma_wait3A_262 : memref<8x128xf32, #tpu.memory_space<vmem>>) dst(%dma_wait3A_258 : memref<8x128xf32, #tpu.memory_space<hbm>>)
    %dma_wait3A_263 = arith.constant 1 : i32
    %dma_wait3A_264 = arith.constant 199 : i32
    %dma_wait3A_265 = arith.constant 4 : i32
    %dma_wait3A_266 = arith.constant 32 : i32
    %dma_wait3A_267 = arith.constant 0 : i32
    %dma_wait3A_268 = tpu.memref_slice %arg9[%dma_wait3A_263, %dma_wait3A_266, %dma_wait3A_267] : memref<2x64x133xf32, #tpu.memory_space<vmem>> -> memref<1x8x128xf32, #tpu.memory_space<vmem>>
    %dma_wait3A_269 = tpu.memref_squeeze %dma_wait3A_268 : memref<1x8x128xf32, #tpu.memory_space<vmem>> -> memref<8x128xf32, #tpu.memory_space<vmem>>
    %dma_wait3A_270 = arith.constant 0 : i32
    %dma_wait3A_271 = arith.constant 0 : i32
    %dma_wait3A_272 = tpu.memref_slice %arg5[%dma_wait3A_264, %dma_wait3A_265, %add3A, %dma_wait3A_270, %dma_wait3A_271] : memref<200x8x32x8x128xf32, #tpu.memory_space<hbm>> -> memref<1x1x1x8x128xf32, #tpu.memory_space<hbm>>
    %dma_wait3A_273 = tpu.memref_squeeze %dma_wait3A_272 : memref<1x1x1x8x128xf32, #tpu.memory_space<hbm>> -> memref<8x128xf32, #tpu.memory_space<hbm>>
    %dma_wait3A_274 = arith.constant 0 : i32
    %dma_wait3A_275 = arith.constant 0 : i32
    %dma_wait3A_276 = tpu.memref_slice %arg5[%dma_wait3A_264, %dma_wait3A_265, %add3A, %dma_wait3A_274, %dma_wait3A_275] : memref<200x8x32x8x128xf32, #tpu.memory_space<hbm>> -> memref<1x1x1x8x128xf32, #tpu.memory_space<hbm>>
    %dma_wait3A_277 = tpu.memref_squeeze %dma_wait3A_276 : memref<1x1x1x8x128xf32, #tpu.memory_space<hbm>> -> memref<8x128xf32, #tpu.memory_space<hbm>>
    %dma_wait3A_278 = arith.constant 32 : i32
    %dma_wait3A_279 = arith.constant 0 : i32
    %dma_wait3A_280 = tpu.memref_slice %arg9[%dma_wait3A_263, %dma_wait3A_278, %dma_wait3A_279] : memref<2x64x133xf32, #tpu.memory_space<vmem>> -> memref<1x8x128xf32, #tpu.memory_space<vmem>>
    %dma_wait3A_281 = tpu.memref_squeeze %dma_wait3A_280 : memref<1x8x128xf32, #tpu.memory_space<vmem>> -> memref<8x128xf32, #tpu.memory_space<vmem>>
    tpu.wait_dma2 semaphore(%arg13 : memref<!tpu.dma_semaphore, #tpu.memory_space<semaphore_mem>>) src(%dma_wait3A_281 : memref<8x128xf32, #tpu.memory_space<vmem>>) dst(%dma_wait3A_277 : memref<8x128xf32, #tpu.memory_space<hbm>>)
    %dma_wait3A_282 = arith.constant 1 : i32
    %dma_wait3A_283 = arith.constant 199 : i32
    %dma_wait3A_284 = arith.constant 5 : i32
    %dma_wait3A_285 = arith.constant 40 : i32
    %dma_wait3A_286 = arith.constant 0 : i32
    %dma_wait3A_287 = tpu.memref_slice %arg9[%dma_wait3A_282, %dma_wait3A_285, %dma_wait3A_286] : memref<2x64x133xf32, #tpu.memory_space<vmem>> -> memref<1x8x128xf32, #tpu.memory_space<vmem>>
    %dma_wait3A_288 = tpu.memref_squeeze %dma_wait3A_287 : memref<1x8x128xf32, #tpu.memory_space<vmem>> -> memref<8x128xf32, #tpu.memory_space<vmem>>
    %dma_wait3A_289 = arith.constant 0 : i32
    %dma_wait3A_290 = arith.constant 0 : i32
    %dma_wait3A_291 = tpu.memref_slice %arg5[%dma_wait3A_283, %dma_wait3A_284, %add3A, %dma_wait3A_289, %dma_wait3A_290] : memref<200x8x32x8x128xf32, #tpu.memory_space<hbm>> -> memref<1x1x1x8x128xf32, #tpu.memory_space<hbm>>
    %dma_wait3A_292 = tpu.memref_squeeze %dma_wait3A_291 : memref<1x1x1x8x128xf32, #tpu.memory_space<hbm>> -> memref<8x128xf32, #tpu.memory_space<hbm>>
    %dma_wait3A_293 = arith.constant 0 : i32
    %dma_wait3A_294 = arith.constant 0 : i32
    %dma_wait3A_295 = tpu.memref_slice %arg5[%dma_wait3A_283, %dma_wait3A_284, %add3A, %dma_wait3A_293, %dma_wait3A_294] : memref<200x8x32x8x128xf32, #tpu.memory_space<hbm>> -> memref<1x1x1x8x128xf32, #tpu.memory_space<hbm>>
    %dma_wait3A_296 = tpu.memref_squeeze %dma_wait3A_295 : memref<1x1x1x8x128xf32, #tpu.memory_space<hbm>> -> memref<8x128xf32, #tpu.memory_space<hbm>>
    %dma_wait3A_297 = arith.constant 40 : i32
    %dma_wait3A_298 = arith.constant 0 : i32
    %dma_wait3A_299 = tpu.memref_slice %arg9[%dma_wait3A_282, %dma_wait3A_297, %dma_wait3A_298] : memref<2x64x133xf32, #tpu.memory_space<vmem>> -> memref<1x8x128xf32, #tpu.memory_space<vmem>>
    %dma_wait3A_300 = tpu.memref_squeeze %dma_wait3A_299 : memref<1x8x128xf32, #tpu.memory_space<vmem>> -> memref<8x128xf32, #tpu.memory_space<vmem>>
    tpu.wait_dma2 semaphore(%arg13 : memref<!tpu.dma_semaphore, #tpu.memory_space<semaphore_mem>>) src(%dma_wait3A_300 : memref<8x128xf32, #tpu.memory_space<vmem>>) dst(%dma_wait3A_296 : memref<8x128xf32, #tpu.memory_space<hbm>>)
    %dma_wait3A_301 = arith.constant 1 : i32
    %dma_wait3A_302 = arith.constant 199 : i32
    %dma_wait3A_303 = arith.constant 6 : i32
    %dma_wait3A_304 = arith.constant 48 : i32
    %dma_wait3A_305 = arith.constant 0 : i32
    %dma_wait3A_306 = tpu.memref_slice %arg9[%dma_wait3A_301, %dma_wait3A_304, %dma_wait3A_305] : memref<2x64x133xf32, #tpu.memory_space<vmem>> -> memref<1x8x128xf32, #tpu.memory_space<vmem>>
    %dma_wait3A_307 = tpu.memref_squeeze %dma_wait3A_306 : memref<1x8x128xf32, #tpu.memory_space<vmem>> -> memref<8x128xf32, #tpu.memory_space<vmem>>
    %dma_wait3A_308 = arith.constant 0 : i32
    %dma_wait3A_309 = arith.constant 0 : i32
    %dma_wait3A_310 = tpu.memref_slice %arg5[%dma_wait3A_302, %dma_wait3A_303, %add3A, %dma_wait3A_308, %dma_wait3A_309] : memref<200x8x32x8x128xf32, #tpu.memory_space<hbm>> -> memref<1x1x1x8x128xf32, #tpu.memory_space<hbm>>
    %dma_wait3A_311 = tpu.memref_squeeze %dma_wait3A_310 : memref<1x1x1x8x128xf32, #tpu.memory_space<hbm>> -> memref<8x128xf32, #tpu.memory_space<hbm>>
    %dma_wait3A_312 = arith.constant 0 : i32
    %dma_wait3A_313 = arith.constant 0 : i32
    %dma_wait3A_314 = tpu.memref_slice %arg5[%dma_wait3A_302, %dma_wait3A_303, %add3A, %dma_wait3A_312, %dma_wait3A_313] : memref<200x8x32x8x128xf32, #tpu.memory_space<hbm>> -> memref<1x1x1x8x128xf32, #tpu.memory_space<hbm>>
    %dma_wait3A_315 = tpu.memref_squeeze %dma_wait3A_314 : memref<1x1x1x8x128xf32, #tpu.memory_space<hbm>> -> memref<8x128xf32, #tpu.memory_space<hbm>>
    %dma_wait3A_316 = arith.constant 48 : i32
    %dma_wait3A_317 = arith.constant 0 : i32
    %dma_wait3A_318 = tpu.memref_slice %arg9[%dma_wait3A_301, %dma_wait3A_316, %dma_wait3A_317] : memref<2x64x133xf32, #tpu.memory_space<vmem>> -> memref<1x8x128xf32, #tpu.memory_space<vmem>>
    %dma_wait3A_319 = tpu.memref_squeeze %dma_wait3A_318 : memref<1x8x128xf32, #tpu.memory_space<vmem>> -> memref<8x128xf32, #tpu.memory_space<vmem>>
    tpu.wait_dma2 semaphore(%arg13 : memref<!tpu.dma_semaphore, #tpu.memory_space<semaphore_mem>>) src(%dma_wait3A_319 : memref<8x128xf32, #tpu.memory_space<vmem>>) dst(%dma_wait3A_315 : memref<8x128xf32, #tpu.memory_space<hbm>>)
    %dma_wait3A_320 = arith.constant 1 : i32
    %dma_wait3A_321 = arith.constant 199 : i32
    %dma_wait3A_322 = arith.constant 7 : i32
    %dma_wait3A_323 = arith.constant 56 : i32
    %dma_wait3A_324 = arith.constant 0 : i32
    %dma_wait3A_325 = tpu.memref_slice %arg9[%dma_wait3A_320, %dma_wait3A_323, %dma_wait3A_324] : memref<2x64x133xf32, #tpu.memory_space<vmem>> -> memref<1x8x128xf32, #tpu.memory_space<vmem>>
    %dma_wait3A_326 = tpu.memref_squeeze %dma_wait3A_325 : memref<1x8x128xf32, #tpu.memory_space<vmem>> -> memref<8x128xf32, #tpu.memory_space<vmem>>
    %dma_wait3A_327 = arith.constant 0 : i32
    %dma_wait3A_328 = arith.constant 0 : i32
    %dma_wait3A_329 = tpu.memref_slice %arg5[%dma_wait3A_321, %dma_wait3A_322, %add3A, %dma_wait3A_327, %dma_wait3A_328] : memref<200x8x32x8x128xf32, #tpu.memory_space<hbm>> -> memref<1x1x1x8x128xf32, #tpu.memory_space<hbm>>
    %dma_wait3A_330 = tpu.memref_squeeze %dma_wait3A_329 : memref<1x1x1x8x128xf32, #tpu.memory_space<hbm>> -> memref<8x128xf32, #tpu.memory_space<hbm>>
    %dma_wait3A_331 = arith.constant 0 : i32
    %dma_wait3A_332 = arith.constant 0 : i32
    %dma_wait3A_333 = tpu.memref_slice %arg5[%dma_wait3A_321, %dma_wait3A_322, %add3A, %dma_wait3A_331, %dma_wait3A_332] : memref<200x8x32x8x128xf32, #tpu.memory_space<hbm>> -> memref<1x1x1x8x128xf32, #tpu.memory_space<hbm>>
    %dma_wait3A_334 = tpu.memref_squeeze %dma_wait3A_333 : memref<1x1x1x8x128xf32, #tpu.memory_space<hbm>> -> memref<8x128xf32, #tpu.memory_space<hbm>>
    %dma_wait3A_335 = arith.constant 56 : i32
    %dma_wait3A_336 = arith.constant 0 : i32
    %dma_wait3A_337 = tpu.memref_slice %arg9[%dma_wait3A_320, %dma_wait3A_335, %dma_wait3A_336] : memref<2x64x133xf32, #tpu.memory_space<vmem>> -> memref<1x8x128xf32, #tpu.memory_space<vmem>>
    %dma_wait3A_338 = tpu.memref_squeeze %dma_wait3A_337 : memref<1x8x128xf32, #tpu.memory_space<vmem>> -> memref<8x128xf32, #tpu.memory_space<vmem>>
    tpu.wait_dma2 semaphore(%arg13 : memref<!tpu.dma_semaphore, #tpu.memory_space<semaphore_mem>>) src(%dma_wait3A_338 : memref<8x128xf32, #tpu.memory_space<vmem>>) dst(%dma_wait3A_334 : memref<8x128xf32, #tpu.memory_space<hbm>>)
    return
  }
}

</mosaic_0001>

<sc_bundles>
// kernel: _sc_lookup.3.cloned.1.call-start
scs
__scs_entry_jumppad:
0x0: {  	(pc) =	sbr.rel $0x88, $3  }
0x1: {  	(tag) =	ssettag $0x0;
	lr =	simm.s32 $0x1  }
0x2: {  	[smem:$0x3F9E] =	sst lr;
	_ =	strace $0xD0000000  }
0x3: {  	_ = 	snop  }
0x4: {  	_ = 	snop  }
0x5: {  	_ = 	snop  }
0x6: {  	_ = 	snop  }
0x7: {  	_ = 	snop  }
__scs_overlays_trampoline_lowered:
0x8: {  	[smem:$0x3FAD] =	sst s0  }
0x9: {  	[smem:$0x3FAE] =	sst s1  }
0xa: {  	[smem:$0x3FAF] =	sst s2  }
0xb: {  	[smem:$0x3FB0] =	sst s3  }
0xc: {  	[smem:$0x3FB1] =	sst s4  }
0xd: {  	[smem:$0x3FB2] =	sst s5  }
0xe: {  	[smem:$0x3FB3] =	sst s6  }
0xf: {  	[smem:$0x3FB4] =	sst s7  }
0x10: {  	[smem:$0x3FB5] =	sst s8  }
0x11: {  	[smem:$0x3FB6] =	sst s9;
	s0 =	simm.s32 @!p0 $0x0  }
0x12: {  	s1 =	sld [smem:$0x3F9C];
	s0 =	simm.s32 @p0 $0x1  }
0x13: {  	[smem:$0x3FB7] =	sst s0;
	s0 =	simm.s32 @!p1 $0x0  }
0x14: {  	s2 =	sld [smem:$0x3F9B];
	s0 =	simm.s32 @p1 $0x1  }
0x15: {  	[smem:$0x3FB8] =	sst s0;
	s0 =	simm.s32 @!p2 $0x0  }
0x16: {  	s3 =	sld [smem:$0x3FDB];
	s0 =	simm.s32 @p2 $0x1  }
0x17: {  	s4 =	simm.s32 $0x1BF5;
	[smem:$0x3FBA] =	sst s0  }
0x18: {  	s0 =	sld [smem:$0x3F9D];
	_ =	swait.ge [sflag:s4], $0x0  }
0x19: {  	s7 =	sld [smem:$0x3F9E]  }
0x1a: {  	s8 =	sadd.s32 $0xFFFFE003, lr  }
0x1b: {  	s9 =	sadd.s32 $0xFFFFFEF7, lr;
	s5 =	simm.s32 $0xFFFFFFFF;
	p2 =	slt.u32 s8, $0xFFFFF086  }
0x1c: {  	p1 =	slt.u32 s9, $0xF7A;
	s5 =	simm.s32 @!p2 $0x0  }
0x1d: {  	s5 =	simm.s32 @p1 $0x1;
	p0 =	seq.s32 s7, s2  }
0x1e: {  	s7 =	smul.u32 @!p0 $0xF7A, s2;
	p2 =	seq.s32 @!p0 s5, $0x0  }
0x1f: {  	s9 =	smul.u32 $0xF7A, s1;
	s8 =	simm.s32 @!p0 $0x1BF5;
	p2 =	por !p2, p0  }
0x20: {  	[sflag:s8] =	ssyncset.s32 @!p0 $0xFFFFF086;
	s6 =	sadd.s32 @!p0 s3, s7;
	s7 =	simm.s32 @!p0 $0x108  }
0x21: {  	s3 =	sadd.s32 s3, s9;
	s6 =	sadd.s32 @!p0 $0x88, s6;
	s7 =	simm.s32 @p2 $0x1082  }
0x22: {  	[simem:s7], [sflag:s8] =	dma.local @!p0 [hbm:s6], $0xF7A  }
0x23: {  	s9 =	sor.u32 $0xD0000000, s2;
	s6 =	simm.s32 $0x108;
	_ =	swait.ge @!p0 [sflag:s8], $0x0  }
0x24: {  	s3 =	sadd.s32 $0x88, s3;
	s6 =	simm.s32 @!p1 $0x1082;
	[sflag:s4] =	ssyncset.s32 $0xFFFFF086  }
0x25: {  	[simem:s6], [sflag:s4] =	dma.local [hbm:s3], $0xF7A  }
0x26: {  	[smem:$0x3F9E] =	sst s1;
	(tag) =	ssettag s2;
	_ =	strace s9  }
0x27: {  	s1 =	sld [smem:$0x3FAE]  }
0x28: {  	s2 =	sld [smem:$0x3FAF]  }
0x29: {  	s4 =	sld [smem:$0x3FB1]  }
0x2a: {  	p0 =	seq.s32 s5, $0x0;
	s5 =	sld [smem:$0x3FB2]  }
0x2b: {  	s6 =	sld [smem:$0x3FB3]  }
0x2c: {  	s7 =	sld [smem:$0x3FB4]  }
0x2d: {  	s3 =	simm.s32 $0x108;
	s8 =	sld [smem:$0x3FB5]  }
0x2e: {  	s3 =	simm.s32 @!p0 $0x1082;
	s9 =	sld [smem:$0x3FB6]  }
0x2f: {  	lr =	sadd.s32 s0, s3;
	s0 =	sld [smem:$0x3FAD]  }
0x30: {  	s3 =	sld [smem:$0x3FB0]  }
0x31: {  	[smem:$0x3FB9] =	sst s10  }
0x32: {  	s10 =	sld [smem:$0x3FB7];
	_ =	sdelay $0x3  }
0x33: {  	p0 =	seq.s32 s10, $0x1;
	s10 =	sld [smem:$0x3FB9];
	_ =	sdelay $0x3  }
0x34: {  	[smem:$0x3FB9] =	sst s10  }
0x35: {  	s10 =	sld [smem:$0x3FB8];
	_ =	sdelay $0x3  }
0x36: {  	p1 =	seq.s32 s10, $0x1;
	s10 =	sld [smem:$0x3FB9];
	_ =	sdelay $0x3  }
0x37: {  	[smem:$0x3FB9] =	sst s10  }
0x38: {  	s10 =	sld [smem:$0x3FBA]  }
0x39: {  	_ = 	snop;
	(pc) =	sbr.ind lr, $3  }
0x3a: {  	_ = 	snop  }
0x3b: {  	_ = 	snop  }
0x3c: {  	p2 =	seq.s32 s10, $0x1;
	s10 =	sld [smem:$0x3FB9]  }
0x3d: {  	_ =	shalt  }
0x3e: {  	_ =	shalt  }
0x3f: {  	_ =	shalt  }
0x40: {  	_ =	shalt  }
0x41: {  	_ =	shalt  }
0x42: {  	_ =	shalt  }
0x43: {  	_ =	shalt  }
0x44: {  	_ =	shalt  }
0x45: {  	_ =	shalt  }
0x46: {  	_ =	shalt  }
0x47: {  	_ =	shalt  }
0x48: {  	_ =	shalt  }
0x49: {  	_ =	shalt  }
0x4a: {  	_ =	shalt  }
0x4b: {  	_ =	shalt  }
0x4c: {  	_ =	shalt  }
0x4d: {  	_ =	shalt  }
0x4e: {  	_ =	shalt  }
0x4f: {  	_ =	shalt  }
0x50: {  	_ =	shalt  }
0x51: {  	_ =	shalt  }
0x52: {  	_ =	shalt  }
0x53: {  	_ =	shalt  }
0x54: {  	_ =	shalt  }
0x55: {  	_ =	shalt  }
0x56: {  	_ =	shalt  }
0x57: {  	_ =	shalt  }
0x58: {  	_ =	shalt  }
0x59: {  	_ =	shalt  }
0x5a: {  	_ =	shalt  }
0x5b: {  	_ =	shalt  }
0x5c: {  	_ =	shalt  }
0x5d: {  	_ =	shalt  }
0x5e: {  	_ =	shalt  }
0x5f: {  	_ =	shalt  }
0x60: {  	_ =	shalt  }
0x61: {  	_ =	shalt  }
0x62: {  	_ =	shalt  }
0x63: {  	_ =	shalt  }
0x64: {  	_ =	shalt  }
0x65: {  	_ =	shalt  }
0x66: {  	_ =	shalt  }
0x67: {  	_ =	shalt  }
0x68: {  	_ =	shalt  }
0x69: {  	_ =	shalt  }
0x6a: {  	_ =	shalt  }
0x6b: {  	_ =	shalt  }
0x6c: {  	_ =	shalt  }
0x6d: {  	_ =	shalt  }
0x6e: {  	_ =	shalt  }
0x6f: {  	_ =	shalt  }
0x70: {  	_ =	shalt  }
0x71: {  	_ =	shalt  }
0x72: {  	_ =	shalt  }
0x73: {  	_ =	shalt  }
0x74: {  	_ =	shalt  }
0x75: {  	_ =	shalt  }
0x76: {  	_ =	shalt  }
0x77: {  	_ =	shalt  }
0x78: {  	_ =	shalt  }
0x79: {  	_ =	shalt  }
0x7a: {  	_ =	shalt  }
0x7b: {  	_ =	shalt  }
0x7c: {  	_ =	shalt  }
0x7d: {  	_ =	shalt  }
0x7e: {  	_ =	shalt  }
0x7f: {  	_ =	shalt  }
0x80: {  	_ =	shalt  }
0x81: {  	_ =	shalt  }
0x82: {  	_ =	shalt  }
0x83: {  	_ =	shalt  }
0x84: {  	_ =	shalt  }
0x85: {  	_ =	shalt  }
0x86: {  	_ =	shalt  }
0x87: {  	_ =	shalt  }
.Lfunc_end0:
.L_simem_size_0:
called_computation_lowered:
.L_overlay_start_0:
0x88: {  	s2 =	sld [smem:$0x3FD9]  }
0x89: {  	s3 =	sld [smem:$0x3FFE];
	_ =	sdelay $0x1  }
0x8a: {  	s1 =	srdreg.scid  }
0x8b: {  	s0 =	sand.u32 $0x1, s1  }
0x8c: {  	s17 =	sshll.u32 s0, $0xA;
	s2 =	sadd.s32 s3, s2  }
0x8d: {  	s2 =	sadd.s32 s2, s17  }
0x8e: {  	[smem:$0x3FC5] =	sst s2  }
0x8f: {  	_ = 	snop  }
0x90: {  	s2 =	sld [smem:$0x3FC9]  }
0x91: {  	s18 =	sld [smem:$0x3FD0];
	(tm) =	ssettm $0x1  }
0x92: {  	s4 =	sld [smem:$0x3FFB];
	_ =	sdelay $0x3  }
0x93: {  	_ =	strace s4  }
0x94: {  	s4 =	sld [smem:$0x3FFC];
	_ =	sdelay $0x3  }
0x95: {  	_ =	strace s4  }
0x96: {  	s4 =	sld [smem:$0x3FFD];
	_ =	sdelay $0x3  }
0x97: {  	_ =	strace s4  }
0x98: {  	_ =	strace $0x8FFFFFFF  }
0x99: {  	s19 =	sld [smem:$0x3FDB];
	_ =	sdelay $0x1  }
0x9a: {  	s5 =	simm.s32 $_scs_section_size  }
0x9b: {  	s6 =	simm.s32 $_size__tile_overlayer_lowered;
	s7 =	simm.s32 $_tile_overlayer_lowered  }
0x9c: {  	s22 =	simm.s32 $0x1BFF;
	s21 =	sshll.u32 s7, $0x1;
	s4 =	sadd.s32 s5, s19  }
0x9d: {  	s8 =	simm.s32 $0x0;
	s20 =	sshll.u32 s6, $0x1;
	s6 =	sadd.s32 s21, s4  }
0x9e: {  	[timem:s8], [sflag:s22] =	dma.local [hbm:s6], s20  }
0x9f: {  	_ =	swait.ge [sflag:s22], s20  }
0xa0: {  	s5 =	ssub.s32 $0x0, s20;
	[sflag:s22] =	ssyncset.done $0x0  }
0xa1: {  	[sflag:s22] =	ssyncadd.s32 s5;
	_ =	sdelay $0x1  }
0xa2: {  	s23 =	simm.s32 $0x1B8B  }
0xa3: {  	_ =	swait.ge [sflag:s23], $0x1  }
0xa4: {  	[sflag:s23] =	ssyncset.done $0x0  }
0xa5: {  	s25 =	simm.s32 $0x1B8E;
	s24 =	sld [smem:$0x3FFE];
	[sflag:s23] =	ssyncadd.s32 $0xFFFFFFFF  }
0xa6: {  	s26 =	simm.s32 $execute0_lowered;
	[smem:$0x3FD2] =	sst s25  }
0xa7: {  	s6 =	sshll.u32 s26, $0x1;
	_ =	strace $0x80000046;
	[dreg:$0x1] =	wrdreg $0xFFFFFFFF  }
0xa8: {  	s28 =	simm.s32 $_size_execute0_lowered;
	s4 =	sadd.s32 s4, s6;
	[dreg:$0x0] =	wrdreg $0x0  }
0xa9: {  	s6 =	sshll.u32 s28, $0x1;
	[dreg:$0x2] =	wrdreg s4  }
0xaa: {  	[dreg:$0x3] =	wrdreg s6  }
0xab: {  	[dreg:$0x4] =	wrdreg $0xC0  }
0xac: {  	_ =	task [dreg:s8], $0x5FFFF  }
0xad: {  	[dreg:$0x1] =	wrdreg $0xFFFFFFFF  }
0xae: {  	[dreg:$0x0] =	wrdreg $0x60  }
0xaf: {  	[dreg:$0x2] =	wrdreg s2  }
0xb0: {  	[dreg:$0x3] =	wrdreg s24  }
0xb1: {  	[dreg:$0x4] =	wrdreg s18  }
0xb2: {  	[dreg:$0x5] =	wrdreg $0x9  }
0xb3: {  	_ =	task.clear_ibuf [dreg:s8], $0x6FFFF;
	_ =	strace $0x90000046  }
0xb4: {  	s29 =	simm.s32 $0x9;
	_ =	strace $0x80000048  }
0xb5: {  	_ =	swait.ge [sflag:s29], $0x1  }
0xb6: {  	[sflag:s29] =	ssyncadd.s32 $0xFFFFFFFF  }
0xb7: {  	_ =	strace $0x90000048  }
0xb8: {  	_ =	sfence  }
0xb9: {  	s30 =	sld [smem:$0x0];
	_ =	sdelay $0x2  }
0xba: {  	s31 =	sshll.u32 s1, $0xD;
	s1 =	sshrl.u32 s1, $0x2  }
0xbb: {  	s3 =	sand.u32 $0x4000, s31;
	s1 =	sadd.s32 s1, s30  }
0xbc: {  	s0 =	sor.u32 s3, s0;
	s1 =	sshll.u32 s1, $0x11  }
0xbd: {  	s0 =	sor.u32 s1, s0  }
0xbe: {  	s0 =	sadd.s32 $0x8F2B, s0  }
0xbf: {  	[sflag:s0] =	ssyncadd.remote.s32 $0x1  }
0xc0: {  	_ =	sfence.sel $0xFFFF  }
0xc1: {  	[dreg:$0x0] =	wrdreg $0xFFFFFFFF;
	(pc) =	sbr.abs _section_cstart, $3  }
0xc2: {  	[dreg:$0x1] =	wrdreg $0xFFFFFFFF  }
0xc3: {  	_ =	task.clear_ibuf [dreg:s8], $0x2FFFF;
	_ =	strace $0x9FFFFFFF  }
0xc4: {  	(tm) =	ssettm $0x7FFFFFFF  }
0xc5: {  	_ =	shalt  }
tec
execute0_lowered:
.L_overlay_start_1:
0x0: {  	(tag) =	ssettag $0x1  }
0x1: {  	v0 =	vlaneseq.u32  }
0x2: {  	s1 =	rddreg [dreg:$0x0];
	v3 =	vmul.u32 $0x88, v0  }
0x3: {  	s0 =	rddreg [dreg:$0x1];
	s4 =	simm.s32 $0x0  }
0x4: {  	[smem:$0x7FF] =	sst s4;
	v2 =	vadd.s32 $0x1107, v3  }
0x5: {  	s3 =	rddreg [dreg:$0x2];
	_ =	strace $0x80000047;
	v63 =	vadd.s32 $0x1986, v3;
	[tilespmem:$0x1FE40] =	vst v2  }
0x6: {  	v0 =	vor.u32 $0x7, v3;
	[tilespmem:$0x1FE50] =	vst v63  }
0x7: {  	v7 =	vadd.s32 $0x880, v3;
	[tilespmem:$0x1FE60] =	vst v0  }
0x8: {  	v5 =	vadd.s32 $0x1100, v3;
	[tilespmem:$0x1FE70] =	vst v7  }
0x9: {  	v8 =	vadd.s32 $0x1980, v3;
	[tilespmem:$0x1FE80] =	vst v5  }
0xa: {  	v10 =	vadd.s32 $0x1101, v3;
	[tilespmem:$0x1FE90] =	vst v8  }
0xb: {  	v33 =	vadd.s32 $0x881, v3;
	[tilespmem:$0x1FEA0] =	vst v10  }
0xc: {  	v14 =	vadd.s32 $0x1981, v3;
	[tilespmem:$0x1FEB0] =	vst v33  }
0xd: {  	v17 =	vadd.s32 $0x1102, v3;
	[tilespmem:$0x1FEC0] =	vst v14  }
0xe: {  	v16 =	vadd.s32 $0x882, v3;
	[tilespmem:$0x1FED0] =	vst v17  }
0xf: {  	v18 =	vadd.s32 $0x1982, v3;
	[tilespmem:$0x1FEE0] =	vst v16  }
0x10: {  	v21 =	vadd.s32 $0x1103, v3;
	[tilespmem:$0x1FEF0] =	vst v18  }
0x11: {  	v20 =	vadd.s32 $0x883, v3;
	[tilespmem:$0x1FF00] =	vst v21  }
0x12: {  	v22 =	vadd.s32 $0x1983, v3;
	[tilespmem:$0x1FF10] =	vst v20  }
0x13: {  	v25 =	vadd.s32 $0x1104, v3;
	[tilespmem:$0x1FF20] =	vst v22  }
0x14: {  	s2 =	srdreg.scid;
	v24 =	vadd.s32 $0x884, v3;
	[tilespmem:$0x1FF30] =	vst v25  }
0x15: {  	s5 =	stileid.u32;
	s17 =	simm.s32 $0x5;
	s18 =	simm.s32 $0x3200;
	v6 =	vadd.s32 $0x886, v3;
	[tilespmem:$0x1FF40] =	vst v24  }
0x16: {  	s19 =	simm.s32 $0x80;
	s21 =	simm.s32 $0x3280;
	s23 =	simm.s32 $0x1;
	v26 =	vadd.s32 $0x1984, v3;
	[tilespmem:$0x1FF50] =	vst v6  }
0x17: {  	s24 =	simm.s32 $0x7300;
	s20 =	simm.s32 $0x2;
	s22 =	simm.s32 $0x4;
	v28 =	vadd.s32 $0x1106, v3;
	[tilespmem:$0x1FF60] =	vst v26  }
0x18: {  	s25 =	simm.s32 $0x9500;
	s26 =	simm.s32 $0xB568;
	s28 =	simm.s32 $0xB5F0;
	v9 =	vor.u32 $0x6, v3;
	[tilespmem:$0x1FF70] =	vst v28  }
0x19: {  	s29 =	simm.s32 $0xB678;
	s2 =	sand.u32 $0x1, s2;
	s5 =	sshll.u32 s5, $0xB;
	v30 =	vadd.s32 $0x1985, v3;
	[tilespmem:$0x1FF80] =	vst v9  }
0x1a: {  	s9 =	sadd.s32 $0x1000, s3;
	s10 =	sadd.s32 $0x2000, s3;
	s11 =	sadd.s32 $0x3000, s3;
	v29 =	vadd.s32 $0x1105, v3;
	[tilespmem:$0x1FF90] =	vst v30  }
0x1b: {  	s12 =	sadd.s32 $0x4000, s3;
	s13 =	sadd.s32 $0x5000, s3;
	s6 =	sshll.u32 s2, $0xA;
	v32 =	vadd.s32 $0x887, v3;
	[tilespmem:$0x1FFA0] =	vst v29  }
0x1c: {  	s2 =	ssub.s32 $0x2, s2;
	s5 =	sor.u32 s6, s5;
	s6 =	sadd.s32 $0xF42A00, s0;
	v31 =	vadd.s32 $0x1987, v3;
	[tilespmem:$0x1FFB0] =	vst v32  }
0x1d: {  	s7 =	sshrl.u32 s2, $0x1;
	s0 =	sadd.s32 $0x600, s0;
	v11 =	vadd.s32 $0x885, v3;
	s8 =	sshrl.u32 s5, $0x3;
	[tilespmem:$0x1FFC0] =	vst v31  }
0x1e: {  	v1 =	vimm.s32 $0x0;
	vm0 =	vcmask $0x300;
	v4 =	vor.u32 $0x1, v3;
	[dreg:$0x4] =	wrdreg s0;
	s30 =	ssub.s32 s2, s7;
	[tilespmem:$0x1FFD0] =	vst v11;
	s31 =	sadd.s32 s1, s8  }
0x1f: {  	s14 =	sadd.s32 $0x6000, s3;
	v1 =	vsel vm0, $0x3, v1;
	v12 =	vor.u32 $0x2, v3;
	[tilespmem:$0x1FFE0] =	vst v4;
	s0 =	smax.u32 s30, $0x1;
	[dreg:$0x5] =	wrdreg s31  }
0x20: {  	s15 =	sadd.s32 $0x7000, s3;
	v19 =	vor.u32 $0x3, v3;
	v23 =	vor.u32 $0x4, v3;
	v27 =	vor.u32 $0x5, v3;
	s2 =	simm.s32 $0x0;
	[tilespmem:$0x1FFF0] =	vst v12;
	[dreg:$0x6] =	wrdreg s0;
	v2 =	vmovc v3  }
.LBB2_1:
0x21: {  	[dreg:$0x7] =	wrdreg s2  }
0x22: {  	s0 =	rddreg [dreg:$0x4]  }
0x23: {  	[tilespmem:s4], [sflag:$0x5] =	stream.linear.gather [hbm4b:s0+s4], $0x3200, $0x38;
	[tilespmem:$0xB700] =	vst v63  }
0x24: {  	_ =	swait.ge [sflag:s17], $0x3200  }
0x25: {  	[sflag:s17] =	ssyncset.done $0x0  }
0x26: {  	s16 =	rddreg [dreg:$0x5];
	[sflag:s17] =	ssyncadd.s32 $0xFFFFCE00  }
0x27: {  	[tilespmem:s18], [sflag:$0x5] =	stream.linear.gather [hbm4b:s16+s4], $0x80, $0x38;
	[tilespmem:$0xB700] =	vst v63  }
0x28: {  	_ =	swait.ge [sflag:s17], $0x80  }
0x29: {  	[sflag:s17] =	ssyncset.done $0x0  }
0x2a: {  	s31 =	simm.s32 $0x3300;
	s30 =	simm.s32 $0x0;
	[sflag:s17] =	ssyncadd.s32 $0xFFFFFF80  }
0x2b: {  	v3 =	vmov v4;
	[tilespmem:s31], [sflag:$0x1] =	stream.indirect.gather [hbm4b:s6+s19], $0x40, s18, s19, $0xb8;
	[tilespmem:$0xB700] =	vst v63  }
.LBB2_2:
0x2c: {  	s31 =	sshllo.u32 s30, $0x1  }
0x2d: {  	s2 =	sshll.u32 s30, $0xD;
	s0 =	sshll.u32 s31, $0x7  }
0x2e: {  	s2 =	sand.u32 $0xF8000, s2;
	s0 =	sand.u32 $0x380, s0  }
0x2f: {  	s0 =	sor.u32 s0, s2  }
0x30: {  	s0 =	sor.u32 s5, s0  }
0x31: {  	s0 =	sshrl.u32 s0, $0x3  }
0x32: {  	s0 =	sadd.s32 s1, s0  }
0x33: {  	[tilespmem:s21], [sflag:$0x5] =	stream.linear.gather [hbm4b:s0+s4], $0x80, $0x38;
	[tilespmem:$0xB700] =	vst v63  }
0x34: {  	_ =	swait.ge [sflag:s17], $0x80  }
0x35: {  	[sflag:s17] =	ssyncset.done $0x0  }
0x36: {  	s7 =	simm.s32 $0x5300;
	[sflag:s17] =	ssyncadd.s32 $0xFFFFFF80  }
0x37: {  	[tilespmem:s7], [sflag:$0x2] =	stream.indirect.gather [hbm4b:s6+s19], $0x40, s21, s19, $0xb8;
	[tilespmem:$0xB700] =	vst v63  }
0x38: {  	_ =	swait.ge [sflag:s23], $0x2000  }
0x39: {  	p0 =	seq.s32 s30, $0x0;
	[sflag:s23] =	ssyncset.done $0x0  }
0x3a: {  	s0 =	simm.s32 @!p0 $0x3;
	[sflag:s23] =	ssyncadd.s32 $0xFFFFE000  }
0x3b: {  	_ =	swait.ge @!p0 [sflag:s0], $0x400  }
0x3c: {  	[sflag:s0] =	ssyncset.done @!p0 $0x0  }
0x3d: {  	[sflag:s0] =	ssyncadd.s32 @!p0 $0xFFFFFC00  }
0x3e: {  	_ =	swait.ge @!p0 [sflag:s0], $0x400  }
0x3f: {  	[sflag:s0] =	ssyncset.done @!p0 $0x0  }
0x40: {  	[sflag:s0] =	ssyncadd.s32 @!p0 $0xFFFFFC00  }
0x41: {  	_ =	swait.ge @!p0 [sflag:s0], $0x400  }
0x42: {  	[sflag:s0] =	ssyncset.done @!p0 $0x0  }
0x43: {  	[sflag:s0] =	ssyncadd.s32 @!p0 $0xFFFFFC00  }
0x44: {  	_ =	swait.ge @!p0 [sflag:s0], $0x400  }
0x45: {  	[sflag:s0] =	ssyncset.done @!p0 $0x0  }
0x46: {  	[sflag:s0] =	ssyncadd.s32 @!p0 $0xFFFFFC00  }
0x47: {  	_ =	swait.ge @!p0 [sflag:s0], $0x400  }
0x48: {  	s8 =	simm.s32 $0x0;
	s16 =	simm.s32 $0x1;
	[sflag:s0] =	ssyncset.done @!p0 $0x0  }
0x49: {  	v60 =	vmov s8;
	s8 =	simm.s32 $0x3;
	v34 =	vmov s16;
	s16 =	simm.s32 $0x6;
	[sflag:s0] =	ssyncadd.s32 @!p0 $0xFFFFFC00  }
0x4a: {  	v14 =	vmovc v33;
	v33 =	vshrl.u32 v60, $0x3;
	v36 =	vmov s8;
	s8 =	simm.s32 $0x5;
	v39 =	vmov s16;
	s16 =	simm.s32 $0x9;
	_ =	swait.ge @!p0 [sflag:s0], $0x400  }
0x4b: {  	v34 =	vshrl.u32 v34, $0x3;
	v38 =	vmov s8;
	v42 =	vmov s16;
	[sflag:s0] =	ssyncset.done @!p0 $0x0  }
0x4c: {  	s8 =	simm.s32 $0x8;
	s16 =	simm.s32 $0xC;
	v33 =	vshll.u32 v33, v1;
	v49 =	vshrl.u32 v36, $0x3;
	v39 =	vshrl.u32 v39, $0x3;
	[sflag:s0] =	ssyncadd.s32 @!p0 $0xFFFFFC00  }
0x4d: {  	v51 =	vshll.u32 v34, v1;
	v41 =	vmov s8;
	v45 =	vmov s16;
	s7 =	simm.s32 $0x2;
	_ =	swait.ge @!p0 [sflag:s0], $0x400  }
0x4e: {  	v38 =	vshrl.u32 v38, $0x3;
	v42 =	vshrl.u32 v42, $0x3;
	v35 =	vmov s7;
	s7 =	simm.s32 $0x4;
	[sflag:s0] =	ssyncset.done @!p0 $0x0  }
0x4f: {  	s8 =	simm.s32 $0xB;
	v4 =	vbroadcast v33, $0x0;
	v49 =	vshll.u32 v49, v1;
	v37 =	vmov s7;
	s7 =	simm.s32 $0x7;
	[sflag:s0] =	ssyncadd.s32 @!p0 $0xFFFFFC00  }
0x50: {  	s16 =	simm.s32 $0xE;
	v53 =	vshll.u32 v39, v1;
	v15 =	vbroadcast v51, $0x0;
	v40 =	vmov s7;
	s7 =	simm.s32 $0xA;
	_ =	swait.ge @!p0 [sflag:s0], $0x400  }
0x51: {  	v44 =	vmov s8;
	s8 =	simm.s32 $0xD;
	v47 =	vmov s16;
	v43 =	vmov s7;
	s7 =	sshll.u32 s30, $0x7;
	[sflag:s0] =	ssyncset.done @!p0 $0x0  }
0x52: {  	v41 =	vshrl.u32 v41, $0x3;
	v45 =	vshrl.u32 v45, $0x3;
	v46 =	vmov s8;
	s8 =	sand.u32 $0x3FFFFF80, s7;
	[sflag:s0] =	ssyncadd.s32 @!p0 $0xFFFFFC00  }
0x53: {  	s16 =	simm.s32 $0xF;
	v42 =	vshll.u32 v42, v1;
	v49 =	vbroadcast v49, $0x0;
	v44 =	vshrl.u32 v44, $0x3;
	v36 =	vld [tilespmem:s8+$0x0]  }
0x54: {  	v61 =	vmov s16;
	v58 =	vshll.u32 v41, v1;
	v48 =	vshrl.u32 v35, $0x3;
	v35 =	vld [tilespmem:s8+$0x10]  }
0x55: {  	v59 =	vadd.s32 v2, v4;
	v62 =	vshrl.u32 v61, $0x3;
	v50 =	vshrl.u32 v37, $0x3;
	v34 =	vld [tilespmem:s8+$0x20]  }
0x56: {  	s2 =	simm.s32 $0x3500;
	v46 =	vshrl.u32 v46, $0x3;
	v52 =	vshll.u32 v50, v1;
	v50 =	vshll.u32 v62, v1;
	v33 =	vld [tilespmem:s8+$0x30]  }
0x57: {  	v44 =	vshll.u32 v44, v1;
	v61 =	vshll.u32 v46, v1;
	v54 =	vbroadcast v50, $0x0;
	v41 =	vld [tilespmem:s2+$0x1C0]  }
0x58: {  	v46 =	vadd.s32 v3, v15;
	v37 =	vshrl.u32 v47, $0x3;
	v48 =	vshll.u32 v48, v1;
	v55 =	vld [tilespmem:s2+$0xFFFFFE00]  }
0x59: {  	v47 =	vshll.u32 v38, v1;
	v50 =	vshll.u32 v45, v1;
	v45 =	vadd.s32 v0, v54;
	v57 =	vld [tilespmem:s2+$0xFFFFFE40]  }
0x5a: {  	v40 =	vshrl.u32 v40, $0x3;
	v51 =	vbroadcast v48, $0x0;
	v62 =	vshll.u32 v37, v1;
	v60 =	vld [tilespmem:s2+$0xFFFFFE80]  }
0x5b: {  	v47 =	vbroadcast v47, $0x0;
	v43 =	vshrl.u32 v43, $0x3;
	v56 =	vshll.u32 v40, v1;
	v48 =	vld [tilespmem:s2+$0xFFFFFEC0]  }
0x5c: {  	v30 =	vmovc v63;
	v13 =	vmovc v12;
	v63 =	vadd.s32 v12, v51;
	v12 =	vbroadcast v52, $0x0;
	v39 =	vld [tilespmem:s2+$0xFFFFFF00];
	v52 =	vadd.f32 v41, v36  }
0x5d: {  	v43 =	vshll.u32 v43, v1;
	v38 =	vld [tilespmem:s2+$0xFFFFFF40];
	v55 =	vadd.f32 v55, v36;
	v41 =	vadd.s32 v19, v49  }
0x5e: {  	v53 =	vbroadcast v53, $0x0;
	v40 =	vld [tilespmem:s2+$0xFFFFFF80];
	v37 =	vadd.f32 v57, v36;
	v57 =	vadd.s32 v23, v12;
	[tilespmem:v45+s24+$0x0] =	vst.idx.msk $0xffff, v52  }
0x5f: {  	[tilespmem:v59+s24+$0x0] =	vst.idx.msk $0xffff, v55;
	v45 =	vadd.f32 v60, v36;
	v52 =	vadd.s32 v27, v47;
	v55 =	vld [tilespmem:s2+$0x1D0]  }
0x60: {  	[tilespmem:v46+s24+$0x0] =	vst.idx.msk $0xffff, v37;
	v37 =	vadd.f32 v48, v36;
	v59 =	vadd.s32 v9, v53;
	v60 =	vld [tilespmem:s2+$0xFFFFFFC0];
	v48 =	vbroadcast v56, $0x0  }
0x61: {  	v39 =	vadd.f32 v39, v36;
	v56 =	vld [tilespmem:s2+$0x0];
	[tilespmem:v63+s24+$0x0] =	vst.idx.msk $0xffff, v45;
	v45 =	vbroadcast v58, $0x0;
	v58 =	vadd.s32 v32, v54  }
0x62: {  	v46 =	vbroadcast v42, $0x0;
	v63 =	vld [tilespmem:s2+$0x40];
	[tilespmem:v41+s24+$0x0] =	vst.idx.msk $0xffff, v37;
	v37 =	vadd.f32 v38, v36;
	v41 =	vadd.s32 v0, v48  }
0x63: {  	v42 =	vbroadcast v43, $0x0;
	[tilespmem:v57+s24+$0x0] =	vst.idx.msk $0xffff, v39;
	v38 =	vadd.f32 v40, v36;
	v57 =	vadd.s32 v2, v45  }
0x64: {  	[tilespmem:v52+s24+$0x0] =	vst.idx.msk $0xffff, v37;
	v52 =	vadd.s32 v3, v46;
	v43 =	vadd.f32 v55, v35  }
0x65: {  	[tilespmem:v59+s24+$0x0] =	vst.idx.msk $0xffff, v38;
	v40 =	vadd.f32 v60, v36;
	v59 =	vadd.s32 v13, v42;
	v13 =	vmov v10  }
0x66: {  	v39 =	vld [tilespmem:s2+$0x80];
	v10 =	vmovc v8;
	v8 =	vmov v7;
	v7 =	vbroadcast v50, $0x0;
	v50 =	vadd.f32 v56, v36;
	[tilespmem:v58+s24+$0x0] =	vst.idx.msk $0xffff, v43  }
0x67: {  	v44 =	vbroadcast v44, $0x0;
	v37 =	vld [tilespmem:s2+$0xC0];
	[tilespmem:v41+s24+$0x0] =	vst.idx.msk $0xffff, v40;
	v41 =	vadd.f32 v63, v36  }
0x68: {  	v60 =	vld [tilespmem:s2+$0x100];
	[tilespmem:v57+s24+$0x0] =	vst.idx.msk $0xffff, v50  }
0x69: {  	v61 =	vbroadcast v61, $0x0;
	v56 =	vadd.s32 v19, v44;
	v38 =	vld [tilespmem:s2+$0x140];
	[tilespmem:v52+s24+$0x0] =	vst.idx.msk $0xffff, v41  }
0x6a: {  	v55 =	vadd.s32 v23, v7;
	v3 =	vld [tilespmem:$0x1FE40]  }
0x6b: {  	v39 =	vadd.f32 v39, v36;
	v43 =	vbroadcast v62, $0x0;
	v50 =	vadd.s32 v27, v61;
	v57 =	vld [tilespmem:s2+$0x180]  }
0x6c: {  	v62 =	vld [tilespmem:s2+$0xFFFFFE50];
	v37 =	vadd.f32 v37, v36  }
0x6d: {  	v58 =	vld [tilespmem:s2+$0x1E0];
	[tilespmem:v59+s24+$0x0] =	vst.idx.msk $0xffff, v39;
	v39 =	vadd.f32 v60, v36;
	v59 =	vadd.s32 v9, v43  }
0x6e: {  	v63 =	vld [tilespmem:s2+$0xFFFFFED0];
	v60 =	vadd.s32 v14, v15;
	[tilespmem:v56+s24+$0x0] =	vst.idx.msk $0xffff, v37;
	v37 =	vadd.f32 v38, v36  }
0x6f: {  	v52 =	vld [tilespmem:s2+$0xFFFFFE90];
	[tilespmem:v55+s24+$0x0] =	vst.idx.msk $0xffff, v39;
	v41 =	vadd.s32 v3, v54  }
0x70: {  	v55 =	vadd.s32 v20, v49;
	[tilespmem:v50+s24+$0x0] =	vst.idx.msk $0xffff, v37;
	v37 =	vadd.f32 v57, v36  }
0x71: {  	v38 =	vadd.s32 v16, v51;
	v56 =	vld [tilespmem:s2+$0xFFFFFF10];
	v50 =	vadd.f32 v62, v35  }
0x72: {  	v39 =	vadd.f32 v58, v34;
	v58 =	vld [tilespmem:s2+$0xFFFFFF50];
	[tilespmem:v59+s24+$0x0] =	vst.idx.msk $0xffff, v37  }
0x73: {  	v57 =	vadd.s32 v24, v12;
	v62 =	vld [tilespmem:s2+$0xFFFFFF90];
	[tilespmem:v60+s24+$0x0] =	vst.idx.msk $0xffff, v50;
	v60 =	vadd.f32 v63, v35  }
0x74: {  	v59 =	vld [tilespmem:s2+$0xFFFFFFD0];
	[tilespmem:v41+s24+$0x0] =	vst.idx.msk $0xffff, v39;
	v39 =	vadd.f32 v52, v35;
	v41 =	vadd.s32 v11, v47  }
0x75: {  	[tilespmem:v55+s24+$0x0] =	vst.idx.msk $0xffff, v60;
	v52 =	vadd.s32 v6, v53;
	v37 =	vld [tilespmem:s2+$0x1F0]  }
0x76: {  	v63 =	vld [tilespmem:s2+$0x10];
	v55 =	vadd.s32 v32, v48;
	[tilespmem:v38+s24+$0x0] =	vst.idx.msk $0xffff, v39;
	v38 =	vadd.f32 v56, v35  }
0x77: {  	v54 =	vadd.s32 v31, v54;
	v60 =	vadd.f32 v58, v35;
	v56 =	vld [tilespmem:s2+$0x50]  }
0x78: {  	v62 =	vadd.f32 v62, v35;
	v58 =	vld [tilespmem:s2+$0x90];
	[tilespmem:v57+s24+$0x0] =	vst.idx.msk $0xffff, v38;
	v57 =	vadd.s32 v8, v45  }
0x79: {  	v50 =	vld [tilespmem:s2+$0xD0];
	v38 =	vadd.f32 v59, v35;
	[tilespmem:v41+s24+$0x0] =	vst.idx.msk $0xffff, v60;
	v41 =	vadd.s32 v14, v46  }
0x7a: {  	v59 =	vld [tilespmem:s2+$0x110];
	[tilespmem:v52+s24+$0x0] =	vst.idx.msk $0xffff, v62;
	v52 =	vadd.s32 v16, v42;
	v37 =	vadd.f32 v37, v33  }
0x7b: {  	v39 =	vadd.f32 v63, v35;
	v60 =	vadd.s32 v20, v44;
	v62 =	vld [tilespmem:s2+$0x150];
	[tilespmem:v55+s24+$0x0] =	vst.idx.msk $0xffff, v38  }
0x7c: {  	v38 =	vadd.s32 v24, v7;
	v63 =	vadd.f32 v56, v35;
	[tilespmem:v54+s24+$0x0] =	vst.idx.msk $0xffff, v37;
	v54 =	vld [tilespmem:s2+$0x190]  }
0x7d: {  	v55 =	vld [tilespmem:s2+$0xFFFFFE10];
	v56 =	vadd.s32 v11, v61;
	[tilespmem:v57+s24+$0x0] =	vst.idx.msk $0xffff, v39;
	v39 =	vadd.f32 v58, v35  }
0x7e: {  	v57 =	vld [tilespmem:s2+$0xFFFFFE60];
	[tilespmem:v41+s24+$0x0] =	vst.idx.msk $0xffff, v63;
	v63 =	vadd.f32 v50, v35;
	v41 =	vadd.s32 v6, v43  }
0x7f: {  	v58 =	vld [tilespmem:s2+$0xFFFFFEA0];
	v50 =	vadd.s32 v8, v4;
	[tilespmem:v52+s24+$0x0] =	vst.idx.msk $0xffff, v39;
	v39 =	vadd.f32 v59, v35  }
0x80: {  	v37 =	vadd.f32 v62, v35;
	v52 =	vadd.s32 v13, v15;
	v59 =	vld [tilespmem:s2+$0xFFFFFEE0];
	[tilespmem:v60+s24+$0x0] =	vst.idx.msk $0xffff, v63  }
0x81: {  	v62 =	vld [tilespmem:s2+$0xFFFFFF20];
	v60 =	vadd.s32 v17, v51;
	[tilespmem:v38+s24+$0x0] =	vst.idx.msk $0xffff, v39;
	v38 =	vadd.f32 v54, v35  }
0x82: {  	[tilespmem:v56+s24+$0x0] =	vst.idx.msk $0xffff, v37;
	v39 =	vadd.f32 v55, v35;
	v54 =	vadd.s32 v21, v49;
	v55 =	vld [tilespmem:s2+$0xFFFFFF60]  }
0x83: {  	v56 =	vadd.s32 v25, v12;
	v63 =	vadd.f32 v57, v34;
	v57 =	vld [tilespmem:s2+$0xFFFFFFA0];
	[tilespmem:v41+s24+$0x0] =	vst.idx.msk $0xffff, v38  }
0x84: {  	v58 =	vadd.f32 v58, v34;
	[tilespmem:v50+s24+$0x0] =	vst.idx.msk $0xffff, v39;
	v39 =	vadd.s32 v29, v47;
	v41 =	vld [tilespmem:s2+$0xFFFFFFE0]  }
0x85: {  	v50 =	vadd.s32 v28, v53;
	[tilespmem:v52+s24+$0x0] =	vst.idx.msk $0xffff, v63;
	v63 =	vadd.f32 v59, v34;
	v52 =	vld [tilespmem:s2+$0x20]  }
0x86: {  	v40 =	vadd.f32 v62, v34;
	v59 =	vld [tilespmem:s2+$0x60];
	[tilespmem:v60+s24+$0x0] =	vst.idx.msk $0xffff, v58;
	v58 =	vadd.s32 v3, v48  }
0x87: {  	[tilespmem:v54+s24+$0x0] =	vst.idx.msk $0xffff, v63;
	v60 =	vadd.f32 v55, v34;
	v54 =	vadd.s32 v5, v45;
	v55 =	vld [tilespmem:s2+$0xA0]  }
0x88: {  	[tilespmem:v56+s24+$0x0] =	vst.idx.msk $0xffff, v40;
	v56 =	vadd.s32 v13, v46;
	v62 =	vadd.f32 v57, v34;
	v57 =	vld [tilespmem:s2+$0xE0]  }
0x89: {  	[tilespmem:v39+s24+$0x0] =	vst.idx.msk $0xffff, v60;
	v63 =	vadd.f32 v41, v34;
	v39 =	vld [tilespmem:s2+$0x120]  }
0x8a: {  	v41 =	vld [tilespmem:s2+$0x160];
	[tilespmem:v50+s24+$0x0] =	vst.idx.msk $0xffff, v62;
	v38 =	vadd.f32 v52, v34;
	v50 =	vadd.s32 v17, v42  }
0x8b: {  	v60 =	vld [tilespmem:s2+$0xFFFFFE20];
	v40 =	vadd.f32 v59, v34;
	[tilespmem:v58+s24+$0x0] =	vst.idx.msk $0xffff, v63;
	v58 =	vadd.s32 v21, v44  }
0x8c: {  	v52 =	vld [tilespmem:s2+$0x1A0];
	v59 =	vadd.s32 v25, v7;
	[tilespmem:v54+s24+$0x0] =	vst.idx.msk $0xffff, v38  }
0x8d: {  	v62 =	vld [tilespmem:s2+$0xFFFFFEB0];
	v38 =	vadd.f32 v55, v34;
	v54 =	vadd.s32 v29, v61;
	[tilespmem:v56+s24+$0x0] =	vst.idx.msk $0xffff, v40  }
0x8e: {  	v32 =	vmov v14;
	v37 =	vadd.f32 v57, v34;
	v14 =	vld [tilespmem:$0x1FEC0]  }
0x8f: {  	v55 =	vld [tilespmem:s2+$0xFFFFFE70];
	v56 =	vadd.s32 v28, v43;
	v39 =	vadd.f32 v39, v34;
	[tilespmem:v50+s24+$0x0] =	vst.idx.msk $0xffff, v38  }
0x90: {  	v49 =	vadd.s32 v22, v49;
	v40 =	vld [tilespmem:s2+$0xFFFFFEF0];
	v41 =	vadd.f32 v41, v34;
	[tilespmem:v58+s24+$0x0] =	vst.idx.msk $0xffff, v37  }
0x91: {  	v57 =	vadd.s32 v5, v4;
	v50 =	vadd.s32 v18, v51;
	v51 =	vld [tilespmem:s2+$0xFFFFFF30];
	[tilespmem:v59+s24+$0x0] =	vst.idx.msk $0xffff, v39  }
0x92: {  	s7 =	simm.s32 $0x10;
	v52 =	vadd.f32 v52, v34;
	[tilespmem:v54+s24+$0x0] =	vst.idx.msk $0xffff, v41;
	v54 =	vadd.f32 v62, v33;
	v62 =	vld [tilespmem:s2+$0xFFFFFFF0]  }
0x93: {  	v53 =	vadd.s32 v30, v53;
	v38 =	vmov s7;
	s7 =	simm.s32 $0x13;
	v63 =	vadd.s32 v14, v15;
	v11 =	vld [tilespmem:$0x1FF90]  }
0x94: {  	v58 =	vld [tilespmem:s2+$0xFFFFFF70];
	v15 =	vshrl.u32 v38, $0x3;
	v38 =	vadd.f32 v60, v34;
	[tilespmem:v56+s24+$0x0] =	vst.idx.msk $0xffff, v52;
	v56 =	vmov s7  }
0x95: {  	v48 =	vadd.s32 v31, v48;
	v42 =	vadd.s32 v18, v42;
	v59 =	vadd.s32 v26, v12;
	v60 =	vld [tilespmem:s2+$0xFFFFFFB0];
	[tilespmem:$0x1FE30] =	vst v56  }
0x96: {  	v43 =	vadd.s32 v30, v43;
	v40 =	vadd.f32 v40, v33;
	v56 =	vld [tilespmem:s2+$0x30];
	[tilespmem:v57+s24+$0x0] =	vst.idx.msk $0xffff, v38  }
0x97: {  	v55 =	vadd.f32 v55, v33;
	v51 =	vadd.f32 v51, v33;
	v57 =	vld [tilespmem:s2+$0x70];
	[tilespmem:v50+s24+$0x0] =	vst.idx.msk $0xffff, v54  }
0x98: {  	s8 =	simm.s32 $0x11;
	[tilespmem:v49+s24+$0x0] =	vst.idx.msk $0xffff, v40;
	v49 =	vadd.f32 v62, v33;
	v62 =	vld [tilespmem:s2+$0x130];
	v47 =	vadd.s32 v11, v47  }
0x99: {  	s16 =	simm.s32 $0x12;
	v29 =	vmov s8;
	v37 =	vadd.s32 v10, v45;
	v46 =	vadd.s32 v14, v46;
	[tilespmem:v63+s24+$0x0] =	vst.idx.msk $0xffff, v55;
	v63 =	vld [tilespmem:s2+$0xB0]  }
0x9a: {  	s8 =	simm.s32 $0x14;
	v12 =	vmov s16;
	v58 =	vadd.f32 v58, v33;
	[tilespmem:v59+s24+$0x0] =	vst.idx.msk $0xffff, v51;
	v38 =	vadd.f32 v60, v33;
	v60 =	vld [tilespmem:s2+$0xF0]  }
0x9b: {  	v52 =	vmov s8;
	s7 =	simm.s32 $0x16;
	s8 =	simm.s32 $0x17;
	[tilespmem:v48+s24+$0x0] =	vst.idx.msk $0xffff, v49;
	v51 =	vadd.f32 v56, v33;
	v56 =	vadd.s32 v22, v44;
	v44 =	vld [tilespmem:s2+$0x170]  }
0x9c: {  	s16 =	simm.s32 $0x15;
	v39 =	vadd.s32 v10, v4;
	v41 =	vmov s8;
	v54 =	vmov s7;
	v45 =	vld [tilespmem:s2+$0x1B0];
	[tilespmem:v53+s24+$0x0] =	vst.idx.msk $0xffff, v38  }
0x9d: {  	v55 =	vmov s16;
	s16 =	simm.s32 $0x18;
	v61 =	vadd.s32 v11, v61;
	v38 =	vld [tilespmem:s2+$0xFFFFFE30];
	[tilespmem:v47+s24+$0x0] =	vst.idx.msk $0xffff, v58;
	v47 =	vadd.f32 v57, v33  }
0x9e: {  	s8 =	simm.s32 $0x1A;
	v59 =	vmov s16;
	[tilespmem:v37+s24+$0x0] =	vst.idx.msk $0xffff, v51;
	v49 =	vadd.f32 v62, v33;
	v50 =	vadd.f32 v63, v33  }
0x9f: {  	v53 =	vmov s8;
	s8 =	simm.s32 $0x1D;
	v37 =	vshll.u32 v15, v1;
	v48 =	vadd.f32 v60, v33;
	[tilespmem:v46+s24+$0x0] =	vst.idx.msk $0xffff, v47  }
0xa0: {  	s7 =	simm.s32 $0x19;
	v62 =	vmov s8;
	v57 =	vadd.s32 v26, v7;
	v46 =	vadd.f32 v44, v33;
	[tilespmem:v42+s24+$0x0] =	vst.idx.msk $0xffff, v50  }
0xa1: {  	s16 =	simm.s32 $0x1B;
	v51 =	vshrl.u32 v52, $0x3;
	v58 =	vmov s7;
	v42 =	vadd.f32 v45, v33;
	[tilespmem:v56+s24+$0x0] =	vst.idx.msk $0xffff, v48  }
0xa2: {  	v63 =	vmov s16;
	s7 =	simm.s32 $0x1C;
	s16 =	simm.s32 $0x1E;
	v37 =	vbroadcast v37, $0x0;
	v56 =	vadd.f32 v38, v33;
	v4 =	vld [tilespmem:$0x1FE30];
	[tilespmem:v61+s24+$0x0] =	vst.idx.msk $0xffff, v46  }
0xa3: {  	v60 =	vmov s7;
	v40 =	vmov s16;
	v44 =	vshrl.u32 v29, $0x3;
	[tilespmem:v43+s24+$0x0] =	vst.idx.msk $0xffff, v42  }
0xa4: {  	v31 =	vmovc v2;
	v11 =	vmovc v27;
	v50 =	vshrl.u32 v12, $0x3;
	v48 =	vshrl.u32 v55, $0x3;
	v47 =	vshrl.u32 v59, $0x3;
	[tilespmem:v39+s24+$0x0] =	vst.idx.msk $0xffff, v56  }
0xa5: {  	v27 =	vmovc v23;
	v23 =	vmovc v19;
	v38 =	vshrl.u32 v58, $0x3;
	v40 =	vshrl.u32 v40, $0x3;
	v46 =	vshrl.u32 v41, $0x3;
	[tilespmem:v57+s24+$0x0] =	vst.idx.msk $0xffff, v49  }
0xa6: {  	v7 =	vmovc v0;
	v12 =	vmovc v32;
	v42 =	vshrl.u32 v53, $0x3;
	v43 =	vshrl.u32 v63, $0x3;
	v41 =	vshrl.u32 v60, $0x3;
	v19 =	vld [tilespmem:$0x1FFF0]  }
0xa7: {  	s0 =	sshll.u32 s30, $0x1;
	s8 =	simm.s32 $0x1F;
	s7 =	simm.s32 $0x20;
	v32 =	vmovc v3;
	v29 =	vmovc v5;
	v39 =	vshrl.u32 v62, $0x3;
	v49 =	vshrl.u32 v54, $0x3;
	v15 =	vld [tilespmem:$0x1FFE0];
	v45 =	vshrl.u32 v4, $0x3  }
.LBB2_3:
0xa8: {  	v59 =	vmov s8  }
0xa9: {  	v53 =	vshll.u32 v50, v1;
	s2 =	sadd.s32 $0x400, s2;
	v50 =	vshrl.u32 v59, $0x3  }
0xaa: {  	v44 =	vshll.u32 v44, v1;
	v45 =	vshll.u32 v45, v1;
	v57 =	vld [tilespmem:s2+$0x1C0];
	v60 =	vshll.u32 v50, v1  }
0xab: {  	v54 =	vshll.u32 v51, v1;
	v48 =	vshll.u32 v48, v1;
	v58 =	vld [tilespmem:s2+$0xFFFFFE00];
	v52 =	vbroadcast v60, $0x0  }
0xac: {  	v55 =	vshll.u32 v49, v1;
	v50 =	vbroadcast v44, $0x0;
	v60 =	vshll.u32 v43, v1;
	v43 =	vld [tilespmem:s2+$0xFFFFFE40]  }
0xad: {  	v46 =	vshll.u32 v46, v1;
	v56 =	vshll.u32 v47, v1;
	v30 =	vld [tilespmem:$0x1FFD0];
	v44 =	vadd.s32 v7, v52  }
0xae: {  	v38 =	vshll.u32 v38, v1;
	v62 =	vld [tilespmem:s2+$0xFFFFFE80];
	v51 =	vbroadcast v53, $0x0;
	v63 =	vadd.s32 v15, v50  }
0xaf: {  	v2 =	vshll.u32 v40, v1;
	v61 =	vadd.s32 v31, v37;
	v0 =	vld [tilespmem:s2+$0xFFFFFEC0];
	v49 =	vbroadcast v45, $0x0  }
0xb0: {  	v45 =	vld [tilespmem:s2+$0xFFFFFF00];
	v47 =	vbroadcast v54, $0x0;
	v40 =	vadd.s32 v19, v51;
	v54 =	vadd.f32 v57, v36  }
0xb1: {  	v3 =	vld [tilespmem:s2+$0xFFFFFF40];
	v57 =	vadd.f32 v58, v36;
	v58 =	vadd.s32 v23, v49;
	v43 =	vadd.f32 v43, v36  }
0xb2: {  	v53 =	vshll.u32 v39, v1;
	v5 =	vld [tilespmem:s2+$0xFFFFFF80];
	v39 =	vbroadcast v55, $0x0;
	v4 =	vadd.s32 v27, v47;
	[tilespmem:v44+s24+$0x0] =	vst.idx.msk $0xffff, v54  }
0xb3: {  	v59 =	vshll.u32 v42, v1;
	v42 =	vbroadcast v48, $0x0;
	v44 =	vadd.f32 v62, v36;
	[tilespmem:v63+s24+$0x0] =	vst.idx.msk $0xffff, v43;
	v63 =	vld [tilespmem:$0x1FFB0]  }
0xb4: {  	v48 =	vbroadcast v46, $0x0;
	v0 =	vadd.f32 v0, v36;
	[tilespmem:v61+s24+$0x0] =	vst.idx.msk $0xffff, v57;
	v57 =	vadd.s32 v9, v39;
	v61 =	vld [tilespmem:s2+$0xFFFFFFC0]  }
0xb5: {  	v46 =	vld [tilespmem:s2+$0x0];
	v54 =	vadd.s32 v11, v42;
	[tilespmem:v40+s24+$0x0] =	vst.idx.msk $0xffff, v44;
	v40 =	vadd.f32 v45, v36;
	v44 =	vbroadcast v56, $0x0  }
0xb6: {  	v55 =	vld [tilespmem:s2+$0x1D0];
	[tilespmem:v58+s24+$0x0] =	vst.idx.msk $0xffff, v0;
	v0 =	vadd.f32 v3, v36;
	v3 =	vadd.s32 v7, v48  }
0xb7: {  	v58 =	vld [tilespmem:s2+$0x40];
	[tilespmem:v4+s24+$0x0] =	vst.idx.msk $0xffff, v40;
	v4 =	vadd.f32 v5, v36;
	v5 =	vadd.s32 v31, v44  }
0xb8: {  	v41 =	vshll.u32 v41, v1;
	v62 =	vld [tilespmem:s2+$0x80];
	v45 =	vbroadcast v38, $0x0;
	v56 =	vadd.s32 v63, v52  }
0xb9: {  	v41 =	vbroadcast v41, $0x0;
	v43 =	vbroadcast v59, $0x0;
	v59 =	vld [tilespmem:s2+$0x100];
	[tilespmem:v57+s24+$0x0] =	vst.idx.msk $0xffff, v4;
	v4 =	vadd.f32 v61, v36  }
0xba: {  	v46 =	vadd.f32 v46, v36;
	v40 =	vbroadcast v60, $0x0;
	[tilespmem:v54+s24+$0x0] =	vst.idx.msk $0xffff, v0;
	v0 =	vadd.s32 v15, v45;
	v54 =	vld [tilespmem:s2+$0xC0]  }
0xbb: {  	v38 =	vbroadcast v53, $0x0;
	v55 =	vadd.f32 v55, v35;
	v57 =	vadd.s32 v19, v43;
	v61 =	vld [tilespmem:s2+$0x140];
	[tilespmem:v3+s24+$0x0] =	vst.idx.msk $0xffff, v4  }
0xbc: {  	v60 =	vadd.s32 v23, v40;
	v3 =	vadd.f32 v58, v36;
	[tilespmem:v5+s24+$0x0] =	vst.idx.msk $0xffff, v46;
	v46 =	vbroadcast v2, $0x0;
	v2 =	vld [tilespmem:s2+$0xFFFFFE50]  }
0xbd: {  	v4 =	vadd.s32 v27, v41;
	v5 =	vadd.f32 v62, v36;
	v62 =	vld [tilespmem:$0x1FFC0];
	[tilespmem:v56+s24+$0x0] =	vst.idx.msk $0xffff, v55  }
0xbe: {  	v55 =	vadd.s32 v11, v38;
	v53 =	vld [tilespmem:s2+$0x1E0]  }
0xbf: {  	v58 =	vadd.s32 v12, v50;
	v56 =	vld [tilespmem:s2+$0x180];
	[tilespmem:v0+s24+$0x0] =	vst.idx.msk $0xffff, v3;
	v0 =	vadd.f32 v54, v36  }
0xc0: {  	v3 =	vadd.s32 v32, v52;
	v54 =	vld [tilespmem:s2+$0xFFFFFE90];
	[tilespmem:v57+s24+$0x0] =	vst.idx.msk $0xffff, v5;
	v5 =	vadd.f32 v59, v36  }
0xc1: {  	v57 =	vadd.s32 v9, v46;
	v59 =	vld [tilespmem:s2+$0xFFFFFED0];
	[tilespmem:v60+s24+$0x0] =	vst.idx.msk $0xffff, v0;
	v0 =	vadd.f32 v61, v36  }
0xc2: {  	v60 =	vadd.s32 v16, v51;
	v61 =	vld [tilespmem:s2+$0xFFFFFF10];
	[tilespmem:v4+s24+$0x0] =	vst.idx.msk $0xffff, v5;
	v2 =	vadd.f32 v2, v35  }
0xc3: {  	v5 =	vadd.s32 v20, v49;
	[tilespmem:v55+s24+$0x0] =	vst.idx.msk $0xffff, v0;
	v4 =	vadd.f32 v53, v34;
	v53 =	vld [tilespmem:s2+$0xFFFFFF50]  }
0xc4: {  	v0 =	vadd.f32 v56, v36;
	v55 =	vadd.s32 v24, v47;
	v56 =	vld [tilespmem:s2+$0xFFFFFF90];
	[tilespmem:v58+s24+$0x0] =	vst.idx.msk $0xffff, v2  }
0xc5: {  	v58 =	vld [tilespmem:s2+$0x10];
	[tilespmem:v3+s24+$0x0] =	vst.idx.msk $0xffff, v4;
	v3 =	vadd.f32 v54, v35;
	v4 =	vadd.s32 v30, v42  }
0xc6: {  	v2 =	vadd.f32 v59, v35;
	[tilespmem:v57+s24+$0x0] =	vst.idx.msk $0xffff, v0;
	v57 =	vld [tilespmem:s2+$0xFFFFFFD0];
	v54 =	vadd.s32 v6, v39  }
0xc7: {  	v0 =	vld [tilespmem:s2+$0x1F0];
	[tilespmem:v60+s24+$0x0] =	vst.idx.msk $0xffff, v3;
	v3 =	vadd.f32 v61, v35  }
0xc8: {  	[tilespmem:v5+s24+$0x0] =	vst.idx.msk $0xffff, v2;
	v5 =	vadd.s32 v63, v48;
	v60 =	vld [tilespmem:s2+$0x150];
	v2 =	vadd.f32 v53, v35  }
0xc9: {  	v52 =	vadd.s32 v62, v52;
	v53 =	vld [tilespmem:s2+$0x50];
	[tilespmem:v55+s24+$0x0] =	vst.idx.msk $0xffff, v3;
	v3 =	vadd.f32 v56, v35  }
0xca: {  	v56 =	vld [tilespmem:s2+$0x90];
	[tilespmem:v4+s24+$0x0] =	vst.idx.msk $0xffff, v2  }
0xcb: {  	v55 =	vadd.s32 v8, v44;
	v4 =	vld [tilespmem:s2+$0xD0];
	[tilespmem:v54+s24+$0x0] =	vst.idx.msk $0xffff, v3;
	v3 =	vadd.f32 v57, v35  }
0xcc: {  	v2 =	vadd.s32 v12, v45;
	v0 =	vadd.f32 v0, v33;
	v57 =	vld [tilespmem:s2+$0x110]  }
0xcd: {  	v54 =	vadd.s32 v16, v43;
	[tilespmem:v5+s24+$0x0] =	vst.idx.msk $0xffff, v3;
	v5 =	vld [tilespmem:s2+$0x190]  }
0xce: {  	v59 =	vadd.s32 v20, v40;
	v58 =	vadd.f32 v58, v35;
	[tilespmem:v52+s24+$0x0] =	vst.idx.msk $0xffff, v0;
	v52 =	vld [tilespmem:s2+$0xFFFFFE10]  }
0xcf: {  	v0 =	vadd.f32 v53, v35;
	v3 =	vadd.s32 v24, v41;
	v61 =	vadd.f32 v56, v35;
	v56 =	vld [tilespmem:s2+$0xFFFFFE60]  }
0xd0: {  	v63 =	vadd.s32 v13, v45;
	[tilespmem:v55+s24+$0x0] =	vst.idx.msk $0xffff, v58;
	v55 =	vadd.s32 v30, v38;
	v58 =	vld [tilespmem:s2+$0xFFFFFEA0]  }
0xd1: {  	v30 =	vld [tilespmem:$0x1FF90];
	[tilespmem:v2+s24+$0x0] =	vst.idx.msk $0xffff, v0;
	v0 =	vadd.f32 v4, v35;
	v2 =	vadd.s32 v6, v46  }
0xd2: {  	v4 =	vadd.s32 v8, v37;
	[tilespmem:v54+s24+$0x0] =	vst.idx.msk $0xffff, v61;
	v53 =	vadd.f32 v57, v35;
	v61 =	vld [tilespmem:$0x1FFA0]  }
0xd3: {  	v54 =	vadd.s32 v13, v50;
	v57 =	vld [tilespmem:s2+$0xFFFFFEE0];
	[tilespmem:v59+s24+$0x0] =	vst.idx.msk $0xffff, v0;
	v0 =	vadd.f32 v60, v35  }
0xd4: {  	v59 =	vadd.s32 v17, v51;
	v60 =	vld [tilespmem:s2+$0xFFFFFF20];
	[tilespmem:v3+s24+$0x0] =	vst.idx.msk $0xffff, v53;
	v3 =	vadd.f32 v5, v35  }
0xd5: {  	v5 =	vadd.f32 v52, v35;
	v52 =	vadd.s32 v21, v49;
	v53 =	vld [tilespmem:s2+$0xFFFFFF60];
	[tilespmem:v55+s24+$0x0] =	vst.idx.msk $0xffff, v0  }
0xd6: {  	v0 =	vadd.f32 v56, v34;
	v55 =	vadd.s32 v25, v47;
	v56 =	vld [tilespmem:s2+$0xFFFFFFA0];
	[tilespmem:v2+s24+$0x0] =	vst.idx.msk $0xffff, v3  }
0xd7: {  	[tilespmem:v4+s24+$0x0] =	vst.idx.msk $0xffff, v5;
	v2 =	vadd.f32 v58, v34;
	v4 =	vld [tilespmem:s2+$0xFFFFFFE0];
	v3 =	vadd.s32 v61, v42  }
0xd8: {  	v5 =	vadd.s32 v28, v39;
	[tilespmem:v54+s24+$0x0] =	vst.idx.msk $0xffff, v0;
	v0 =	vadd.f32 v57, v34;
	v54 =	vld [tilespmem:s2+$0x20]  }
0xd9: {  	v58 =	vld [tilespmem:s2+$0x60];
	v57 =	vadd.s32 v32, v48;
	[tilespmem:v59+s24+$0x0] =	vst.idx.msk $0xffff, v2;
	v2 =	vadd.f32 v60, v34  }
0xda: {  	[tilespmem:v52+s24+$0x0] =	vst.idx.msk $0xffff, v0;
	v0 =	vadd.f32 v53, v34;
	v52 =	vadd.s32 v29, v44;
	v53 =	vld [tilespmem:s2+$0xA0]  }
0xdb: {  	v45 =	vadd.s32 v14, v45;
	v60 =	vld [tilespmem:s2+$0xE0];
	[tilespmem:v55+s24+$0x0] =	vst.idx.msk $0xffff, v2;
	v2 =	vadd.f32 v56, v34  }
0xdc: {  	[tilespmem:v3+s24+$0x0] =	vst.idx.msk $0xffff, v0;
	v0 =	vadd.f32 v4, v34;
	v3 =	vadd.s32 v17, v43;
	v4 =	vld [tilespmem:s2+$0x120]  }
0xdd: {  	v59 =	vld [tilespmem:s2+$0xFFFFFE20];
	[tilespmem:v5+s24+$0x0] =	vst.idx.msk $0xffff, v2;
	v2 =	vadd.f32 v54, v34;
	v5 =	vadd.s32 v21, v40  }
0xde: {  	[tilespmem:v57+s24+$0x0] =	vst.idx.msk $0xffff, v0;
	v0 =	vadd.f32 v58, v34;
	v57 =	vadd.s32 v25, v41;
	v58 =	vld [tilespmem:s2+$0x1A0]  }
0xdf: {  	v56 =	vadd.s32 v29, v37;
	[tilespmem:v52+s24+$0x0] =	vst.idx.msk $0xffff, v2;
	v2 =	vadd.f32 v53, v34;
	v53 =	vld [tilespmem:s2+$0xFFFFFE70]  }
0xe0: {  	v55 =	vadd.s32 v28, v46;
	v54 =	vld [tilespmem:s2+$0x160];
	[tilespmem:v63+s24+$0x0] =	vst.idx.msk $0xffff, v0;
	v0 =	vadd.f32 v60, v34  }
0xe1: {  	[tilespmem:v3+s24+$0x0] =	vst.idx.msk $0xffff, v2;
	v2 =	vadd.f32 v4, v34;
	v3 =	vadd.s32 v14, v50;
	v4 =	vld [tilespmem:s2+$0xFFFFFEF0]  }
0xe2: {  	v52 =	vadd.s32 v61, v38;
	v60 =	vld [tilespmem:s2+$0xFFFFFEB0];
	v63 =	vadd.f32 v59, v34;
	[tilespmem:v5+s24+$0x0] =	vst.idx.msk $0xffff, v0  }
0xe3: {  	v49 =	vadd.s32 v22, v49;
	[tilespmem:v57+s24+$0x0] =	vst.idx.msk $0xffff, v2;
	v2 =	vadd.f32 v58, v34;
	v57 =	vld [tilespmem:s2+$0xFFFFFF70]  }
0xe4: {  	v50 =	vadd.s32 v18, v51;
	v51 =	vld [tilespmem:s2+$0xFFFFFF30];
	[tilespmem:v56+s24+$0x0] =	vst.idx.msk $0xffff, v63;
	v61 =	vadd.f32 v53, v33  }
0xe5: {  	v42 =	vadd.s32 v30, v42;
	v0 =	vadd.f32 v54, v34;
	[tilespmem:v55+s24+$0x0] =	vst.idx.msk $0xffff, v2;
	v55 =	vld [tilespmem:s2+$0xFFFFFFF0]  }
0xe6: {  	s16 =	sadd.s32 $0x1, s7;
	v47 =	vadd.s32 v26, v47;
	[tilespmem:v3+s24+$0x0] =	vst.idx.msk $0xffff, v61;
	v3 =	vadd.f32 v4, v33;
	v61 =	vld [tilespmem:$0x1FE50]  }
0xe7: {  	v48 =	vadd.s32 v62, v48;
	v53 =	vld [tilespmem:s2+$0xFFFFFFB0];
	[tilespmem:v52+s24+$0x0] =	vst.idx.msk $0xffff, v0;
	v0 =	vmov s16;
	s16 =	sadd.s32 $0x2, s7;
	v54 =	vadd.f32 v60, v33  }
0xe8: {  	v44 =	vadd.s32 v10, v44;
	v2 =	vmov s16;
	s16 =	sadd.s32 $0x3, s7;
	v60 =	vld [tilespmem:s2+$0x70];
	[tilespmem:v49+s24+$0x0] =	vst.idx.msk $0xffff, v3;
	v3 =	vadd.f32 v57, v33  }
0xe9: {  	v37 =	vadd.s32 v10, v37;
	v41 =	vadd.s32 v26, v41;
	v56 =	vmov s16;
	s16 =	sadd.s32 $0x4, s7;
	[tilespmem:v50+s24+$0x0] =	vst.idx.msk $0xffff, v54  }
0xea: {  	v5 =	vmov s7;
	v52 =	vmov s16;
	s16 =	sadd.s32 $0x5, s7;
	v50 =	vld [tilespmem:s2+$0xF0];
	[tilespmem:v42+s24+$0x0] =	vst.idx.msk $0xffff, v3;
	v3 =	vadd.f32 v55, v33  }
0xeb: {  	v63 =	vadd.f32 v51, v33;
	v54 =	vmov s16;
	s16 =	sadd.s32 $0x6, s7;
	v4 =	vadd.s32 v61, v39;
	v39 =	vld [tilespmem:s2+$0x30]  }
0xec: {  	v38 =	vadd.s32 v30, v38;
	v5 =	vshrl.u32 v5, $0x3;
	v57 =	vmov s16;
	s16 =	sadd.s32 $0x7, s7;
	[tilespmem:v48+s24+$0x0] =	vst.idx.msk $0xffff, v3;
	v48 =	vld [tilespmem:s2+$0xFFFFFE30]  }
0xed: {  	v62 =	vld [tilespmem:s2+$0xB0];
	[tilespmem:v47+s24+$0x0] =	vst.idx.msk $0xffff, v63;
	v63 =	vadd.f32 v53, v33;
	v53 =	vmov s16;
	s16 =	sadd.s32 $0x8, s7;
	v3 =	vadd.f32 v60, v33  }
0xee: {  	v5 =	vshll.u32 v5, v1;
	v47 =	vld [tilespmem:s2+$0x1B0];
	v51 =	vshrl.u32 v52, $0x3;
	v55 =	vmov s16;
	s16 =	sadd.s32 $0x9, s7  }
0xef: {  	v42 =	vadd.s32 v18, v43;
	v46 =	vadd.s32 v61, v46;
	v58 =	vmov s16;
	s16 =	sadd.s32 $0xA, s7;
	[tilespmem:v45+s24+$0x0] =	vst.idx.msk $0xffff, v3  }
0xf0: {  	v43 =	vld [tilespmem:s2+$0x130];
	v59 =	vmov s16;
	v3 =	vadd.f32 v50, v33;
	[tilespmem:v4+s24+$0x0] =	vst.idx.msk $0xffff, v63;
	v4 =	vadd.f32 v39, v33  }
0xf1: {  	s16 =	sadd.s32 $0xB, s7;
	v50 =	vshrl.u32 v2, $0x3;
	v39 =	vadd.s32 v22, v40;
	v40 =	vld [tilespmem:s2+$0x170];
	v2 =	vadd.f32 v48, v33  }
0xf2: {  	v49 =	vshrl.u32 v57, $0x3;
	v60 =	vmov s16;
	s16 =	sadd.s32 $0xC, s7;
	[tilespmem:v44+s24+$0x0] =	vst.idx.msk $0xffff, v4;
	v4 =	vadd.f32 v62, v33  }
0xf3: {  	p1 =	slt.u32 s7, $0x70;
	v61 =	vmov s16;
	s16 =	sadd.s32 $0xE, s7;
	v44 =	vshrl.u32 v0, $0x3;
	v0 =	vadd.f32 v47, v33;
	[tilespmem:v37+s24+$0x0] =	vst.idx.msk $0xffff, v2  }
.Ltmp0:
0xf4: {  	s8 =	sadd.s32 $0xD, s7;
	v45 =	vshrl.u32 v56, $0x3;
	v63 =	vmov s16;
	v48 =	vshrl.u32 v54, $0x3;
	[tilespmem:v42+s24+$0x0] =	vst.idx.msk $0xffff, v4;
	(pc) =	sbr.rel @p1 .LBB2_3-.Ltmp0, $4  }
0xf5: {  	v62 =	vmov s8;
	v47 =	vshrl.u32 v55, $0x3;
	v4 =	vadd.f32 v43, v33;
	[tilespmem:v46+s24+$0x0] =	vst.idx.msk $0xffff, v0  }
0xf6: {  	v37 =	vbroadcast v5, $0x0;
	v46 =	vshrl.u32 v53, $0x3;
	[tilespmem:v39+s24+$0x0] =	vst.idx.msk $0xffff, v3;
	v3 =	vadd.f32 v40, v33  }
0xf7: {  	v42 =	vshrl.u32 v59, $0x3;
	v43 =	vshrl.u32 v60, $0x3;
	v39 =	vshrl.u32 v62, $0x3;
	[tilespmem:v41+s24+$0x0] =	vst.idx.msk $0xffff, v4  }
0xf8: {  	s8 =	sadd.s32 $0xF, s7;
	s7 =	sadd.s32 $0x10, s7;
	v40 =	vshrl.u32 v63, $0x3;
	v41 =	vshrl.u32 v61, $0x3;
	[tilespmem:v38+s24+$0x0] =	vst.idx.msk $0xffff, v3;
	v38 =	vshrl.u32 v58, $0x3  }
0xf9: {  	v0 =	vshll.u32 v44, v1;
	v2 =	vshll.u32 v50, v1;
	s2 =	sadd.s32 $0x400, s2  }
0xfa: {  	v3 =	vmov s8;
	v50 =	vshll.u32 v38, v1;
	v52 =	vshll.u32 v43, v1;
	v61 =	vld [tilespmem:s2+$0xFFFFFE00]  }
0xfb: {  	v54 =	vadd.s32 v31, v37;
	v3 =	vshrl.u32 v3, $0x3;
	v43 =	vld [tilespmem:s2+$0xFFFFFE40];
	v38 =	vbroadcast v0, $0x0  }
0xfc: {  	v0 =	vshll.u32 v41, v1;
	v55 =	vld [tilespmem:s2+$0xFFFFFE80];
	v41 =	vbroadcast v2, $0x0;
	v3 =	vshll.u32 v3, v1  }
0xfd: {  	v60 =	vld [tilespmem:s2+$0x1C0];
	v3 =	vbroadcast v3, $0x0;
	v56 =	vadd.s32 v15, v38  }
0xfe: {  	v58 =	vadd.s32 v19, v41  }
0xff: {  	v44 =	vshll.u32 v48, v1;
	v53 =	vadd.s32 v7, v3;
	v48 =	vadd.f32 v61, v36  }
0x100: {  	v4 =	vshll.u32 v45, v1;
	v5 =	vshll.u32 v51, v1;
	v62 =	vadd.f32 v43, v36  }
0x101: {  	v2 =	vshll.u32 v39, v1;
	v57 =	vld [tilespmem:s2+$0xFFFFFEC0];
	v39 =	vbroadcast v4, $0x0;
	v63 =	vadd.f32 v55, v36;
	[tilespmem:v54+s24+$0x0] =	vst.idx.msk $0xffff, v48  }
0x102: {  	v4 =	vshll.u32 v40, v1;
	v40 =	vbroadcast v5, $0x0;
	v5 =	vadd.f32 v60, v36;
	[tilespmem:v56+s24+$0x0] =	vst.idx.msk $0xffff, v62  }
0x103: {  	v59 =	vld [tilespmem:s2+$0xFFFFFF00];
	[tilespmem:v58+s24+$0x0] =	vst.idx.msk $0xffff, v63  }
0x104: {  	v60 =	vld [tilespmem:s2+$0xFFFFFF40];
	[tilespmem:v53+s24+$0x0] =	vst.idx.msk $0xffff, v5  }
0x105: {  	v45 =	vshll.u32 v49, v1;
	v51 =	vshll.u32 v42, v1;
	v30 =	vld [tilespmem:$0x1FFB0]  }
0x106: {  	v42 =	vbroadcast v44, $0x0;
	v49 =	vadd.s32 v23, v39;
	v55 =	vadd.f32 v57, v36;
	v57 =	vld [tilespmem:s2+$0xFFFFFFC0]  }
0x107: {  	v46 =	vshll.u32 v46, v1;
	v43 =	vbroadcast v45, $0x0;
	v5 =	vadd.s32 v27, v40;
	v53 =	vld [tilespmem:s2+$0xFFFFFF80]  }
0x108: {  	v44 =	vbroadcast v46, $0x0;
	v46 =	vbroadcast v50, $0x0;
	v48 =	vadd.s32 v11, v42;
	v54 =	vld [tilespmem:s2+$0x1D0]  }
0x109: {  	v47 =	vshll.u32 v47, v1;
	v56 =	vadd.s32 v9, v43;
	v58 =	vadd.f32 v59, v36;
	v59 =	vld [tilespmem:s2+$0x0]  }
0x10a: {  	v45 =	vbroadcast v47, $0x0;
	v62 =	vadd.s32 v15, v46;
	v63 =	vld [tilespmem:s2+$0xC0];
	v61 =	vadd.s32 v30, v3  }
0x10b: {  	v47 =	vbroadcast v51, $0x0;
	[tilespmem:v49+s24+$0x0] =	vst.idx.msk $0xffff, v55;
	v49 =	vadd.f32 v60, v36;
	v55 =	vadd.s32 v7, v44;
	v60 =	vld [tilespmem:s2+$0x40]  }
0x10c: {  	v51 =	vbroadcast v4, $0x0;
	[tilespmem:v5+s24+$0x0] =	vst.idx.msk $0xffff, v58;
	v5 =	vadd.f32 v53, v36;
	v53 =	vadd.s32 v31, v45;
	v58 =	vld [tilespmem:s2+$0x80]  }
0x10d: {  	[tilespmem:v48+s24+$0x0] =	vst.idx.msk $0xffff, v49;
	v48 =	vbroadcast v52, $0x0;
	v52 =	vadd.s32 v19, v47;
	v50 =	vadd.f32 v54, v35;
	v54 =	vld [tilespmem:s2+$0x100]  }
0x10e: {  	v49 =	vbroadcast v0, $0x0;
	v0 =	vadd.f32 v59, v36;
	[tilespmem:v56+s24+$0x0] =	vst.idx.msk $0xffff, v5;
	v5 =	vadd.f32 v57, v36  }
0x10f: {  	v4 =	vadd.f32 v63, v36;
	v56 =	vadd.s32 v23, v48;
	v57 =	vld [tilespmem:s2+$0x140];
	[tilespmem:v61+s24+$0x0] =	vst.idx.msk $0xffff, v50;
	v50 =	vbroadcast v2, $0x0  }
0x110: {  	[tilespmem:v55+s24+$0x0] =	vst.idx.msk $0xffff, v5;
	v5 =	vadd.s32 v27, v49;
	v2 =	vadd.f32 v60, v36;
	v61 =	vld [tilespmem:s2+$0x180]  }
0x111: {  	[tilespmem:v53+s24+$0x0] =	vst.idx.msk $0xffff, v0;
	v0 =	vadd.f32 v58, v36;
	v55 =	vld [tilespmem:s2+$0x1E0];
	v60 =	vadd.s32 v11, v50  }
0x112: {  	[tilespmem:v62+s24+$0x0] =	vst.idx.msk $0xffff, v2;
	v2 =	vld [tilespmem:s2+$0xFFFFFE50];
	v62 =	vadd.f32 v54, v36;
	v54 =	vadd.s32 v9, v51  }
0x113: {  	v59 =	vadd.s32 v32, v3;
	[tilespmem:v52+s24+$0x0] =	vst.idx.msk $0xffff, v0;
	v0 =	vld [tilespmem:s2+$0xFFFFFE90]  }
0x114: {  	[tilespmem:v56+s24+$0x0] =	vst.idx.msk $0xffff, v4;
	v4 =	vadd.s32 v12, v38;
	v57 =	vadd.f32 v57, v36  }
0x115: {  	[tilespmem:v5+s24+$0x0] =	vst.idx.msk $0xffff, v62;
	v5 =	vadd.s32 v16, v41;
	v61 =	vadd.f32 v61, v36  }
0x116: {  	v63 =	vld [tilespmem:s2+$0xFFFFFF10];
	v55 =	vadd.f32 v55, v34;
	[tilespmem:v60+s24+$0x0] =	vst.idx.msk $0xffff, v57  }
0x117: {  	v56 =	vld [tilespmem:s2+$0xFFFFFED0];
	v2 =	vadd.f32 v2, v35;
	[tilespmem:v54+s24+$0x0] =	vst.idx.msk $0xffff, v61  }
0x118: {  	v58 =	vld [tilespmem:s2+$0xFFFFFF90];
	v0 =	vadd.f32 v0, v35;
	[tilespmem:v59+s24+$0x0] =	vst.idx.msk $0xffff, v55  }
0x119: {  	v59 =	vld [tilespmem:$0x1FFD0];
	[tilespmem:v4+s24+$0x0] =	vst.idx.msk $0xffff, v2  }
0x11a: {  	v7 =	vmovc v31;
	v31 =	vmov v15;
	v15 =	vmov v19;
	v55 =	vadd.s32 v24, v40;
	[tilespmem:v5+s24+$0x0] =	vst.idx.msk $0xffff, v0;
	v5 =	vld [tilespmem:s2+$0x10]  }
0x11b: {  	v19 =	vmovc v23;
	v23 =	vmovc v27;
	v27 =	vmov v11;
	v11 =	vmov v9;
	v60 =	vadd.s32 v20, v39;
	v9 =	vld [tilespmem:$0x1FFC0]  }
0x11c: {  	v2 =	vadd.f32 v56, v35;
	v4 =	vadd.s32 v6, v43;
	v56 =	vld [tilespmem:s2+$0xFFFFFFD0]  }
0x11d: {  	v62 =	vld [tilespmem:s2+$0xFFFFFF50];
	v0 =	vadd.f32 v63, v35;
	v63 =	vadd.s32 v8, v45  }
0x11e: {  	v52 =	vadd.s32 v30, v44;
	v54 =	vld [tilespmem:s2+$0x1F0]  }
0x11f: {  	v61 =	vld [tilespmem:s2+$0x90];
	[tilespmem:v55+s24+$0x0] =	vst.idx.msk $0xffff, v0;
	v0 =	vadd.f32 v58, v35;
	v36 =	vadd.s32 v59, v42  }
0x120: {  	[tilespmem:v60+s24+$0x0] =	vst.idx.msk $0xffff, v2;
	v5 =	vadd.f32 v5, v35;
	v3 =	vadd.s32 v9, v3  }
0x121: {  	v53 =	vld [tilespmem:s2+$0x50];
	[tilespmem:v4+s24+$0x0] =	vst.idx.msk $0xffff, v0;
	v0 =	vadd.f32 v56, v35;
	v4 =	vadd.s32 v16, v47  }
0x122: {  	v2 =	vadd.f32 v62, v35;
	v56 =	vld [tilespmem:s2+$0x110];
	[tilespmem:v63+s24+$0x0] =	vst.idx.msk $0xffff, v5  }
0x123: {  	v54 =	vadd.f32 v54, v33;
	v5 =	vld [tilespmem:s2+$0xFFFFFE10];
	[tilespmem:v52+s24+$0x0] =	vst.idx.msk $0xffff, v0  }
0x124: {  	v62 =	vld [tilespmem:s2+$0xD0];
	v63 =	vadd.f32 v61, v35;
	[tilespmem:v36+s24+$0x0] =	vst.idx.msk $0xffff, v2;
	v2 =	vadd.s32 v12, v46  }
0x125: {  	v52 =	vadd.s32 v24, v49;
	[tilespmem:v3+s24+$0x0] =	vst.idx.msk $0xffff, v54  }
0x126: {  	v54 =	vld [tilespmem:s2+$0x150];
	[tilespmem:v4+s24+$0x0] =	vst.idx.msk $0xffff, v63;
	v4 =	vadd.s32 v8, v37  }
0x127: {  	v0 =	vadd.f32 v53, v35;
	v53 =	vld [tilespmem:s2+$0x190];
	v3 =	vadd.s32 v20, v48  }
0x128: {  	v61 =	vadd.s32 v59, v50;
	v56 =	vadd.f32 v56, v35;
	v5 =	vadd.f32 v5, v35  }
0x129: {  	[tilespmem:v2+s24+$0x0] =	vst.idx.msk $0xffff, v0;
	v2 =	vadd.f32 v62, v35;
	v62 =	vadd.s32 v6, v51  }
0x12a: {  	[tilespmem:v52+s24+$0x0] =	vst.idx.msk $0xffff, v56  }
0x12b: {  	v54 =	vadd.f32 v54, v35;
	[tilespmem:v4+s24+$0x0] =	vst.idx.msk $0xffff, v5  }
0x12c: {  	v53 =	vadd.f32 v53, v35;
	v0 =	vld [tilespmem:s2+$0xFFFFFE60];
	[tilespmem:v3+s24+$0x0] =	vst.idx.msk $0xffff, v2  }
0x12d: {  	v55 =	vld [tilespmem:s2+$0xFFFFFEA0];
	[tilespmem:v61+s24+$0x0] =	vst.idx.msk $0xffff, v54  }
0x12e: {  	v56 =	vld [tilespmem:s2+$0xFFFFFF20];
	v2 =	vadd.s32 v13, v38;
	[tilespmem:v62+s24+$0x0] =	vst.idx.msk $0xffff, v53  }
0x12f: {  	v52 =	vadd.s32 v17, v41;
	v12 =	vld [tilespmem:$0x1FFA0]  }
0x130: {  	v3 =	vld [tilespmem:s2+$0xFFFFFEE0]  }
0x131: {  	v61 =	vadd.s32 v25, v40;
	v0 =	vadd.f32 v0, v34;
	v62 =	vld [tilespmem:s2+$0xFFFFFFA0]  }
0x132: {  	v63 =	vld [tilespmem:s2+$0xFFFFFF60];
	v35 =	vadd.s32 v21, v39;
	v4 =	vadd.f32 v55, v34  }
0x133: {  	[tilespmem:v2+s24+$0x0] =	vst.idx.msk $0xffff, v0;
	v2 =	vadd.s32 v28, v43  }
0x134: {  	v55 =	vld [tilespmem:s2+$0xFFFFFFE0];
	[tilespmem:v52+s24+$0x0] =	vst.idx.msk $0xffff, v4;
	v4 =	vadd.f32 v56, v34;
	v5 =	vadd.s32 v12, v42  }
0x135: {  	v0 =	vadd.f32 v3, v34;
	v3 =	vld [tilespmem:s2+$0x20]  }
0x136: {  	v52 =	vadd.s32 v32, v44;
	v56 =	vld [tilespmem:s2+$0x60];
	[tilespmem:v61+s24+$0x0] =	vst.idx.msk $0xffff, v4;
	v4 =	vadd.f32 v62, v34  }
0x137: {  	v32 =	vld [tilespmem:s2+$0xA0];
	[tilespmem:v35+s24+$0x0] =	vst.idx.msk $0xffff, v0;
	v0 =	vadd.f32 v63, v34;
	v63 =	vadd.s32 v29, v45  }
0x138: {  	v61 =	vadd.s32 v13, v46;
	v62 =	vld [tilespmem:s2+$0xE0];
	[tilespmem:v2+s24+$0x0] =	vst.idx.msk $0xffff, v4  }
0x139: {  	v4 =	vld [tilespmem:s2+$0x160];
	[tilespmem:v5+s24+$0x0] =	vst.idx.msk $0xffff, v0;
	v0 =	vadd.f32 v55, v34;
	v5 =	vadd.s32 v17, v47  }
0x13a: {  	v2 =	vadd.f32 v3, v34;
	v3 =	vadd.s32 v21, v48;
	v55 =	vld [tilespmem:s2+$0x120]  }
0x13b: {  	v57 =	vadd.s32 v12, v50;
	[tilespmem:v52+s24+$0x0] =	vst.idx.msk $0xffff, v0;
	v0 =	vadd.f32 v56, v34;
	v56 =	vld [tilespmem:s2+$0x1A0]  }
0x13c: {  	[tilespmem:v63+s24+$0x0] =	vst.idx.msk $0xffff, v2;
	v2 =	vld [tilespmem:s2+$0xFFFFFE20];
	v63 =	vadd.f32 v32, v34;
	v52 =	vadd.s32 v25, v49  }
0x13d: {  	v58 =	vadd.f32 v62, v34;
	[tilespmem:v61+s24+$0x0] =	vst.idx.msk $0xffff, v0;
	v0 =	vld [tilespmem:s2+$0xFFFFFE70];
	v61 =	vadd.s32 v28, v51  }
0x13e: {  	v4 =	vadd.f32 v4, v34;
	[tilespmem:v5+s24+$0x0] =	vst.idx.msk $0xffff, v63;
	v5 =	vadd.s32 v29, v37  }
0x13f: {  	[tilespmem:v3+s24+$0x0] =	vst.idx.msk $0xffff, v58;
	v3 =	vadd.s32 v14, v38;
	v55 =	vadd.f32 v55, v34  }
0x140: {  	[tilespmem:v57+s24+$0x0] =	vst.idx.msk $0xffff, v4;
	v56 =	vadd.f32 v56, v34  }
0x141: {  	v2 =	vadd.f32 v2, v34;
	[tilespmem:v52+s24+$0x0] =	vst.idx.msk $0xffff, v55  }
0x142: {  	v62 =	vld [tilespmem:s2+$0xFFFFFEB0];
	[tilespmem:v61+s24+$0x0] =	vst.idx.msk $0xffff, v56;
	v0 =	vadd.f32 v0, v33  }
0x143: {  	v63 =	vld [tilespmem:s2+$0xFFFFFEF0];
	[tilespmem:v5+s24+$0x0] =	vst.idx.msk $0xffff, v2  }
0x144: {  	v60 =	vmov v30;
	v30 =	vld [tilespmem:$0x1FF90];
	[tilespmem:v3+s24+$0x0] =	vst.idx.msk $0xffff, v0  }
0x145: {  	v8 =	vld [tilespmem:$0x1FE50]  }
0x146: {  	v38 =	vadd.s32 v18, v41;
	v41 =	vld [tilespmem:s2+$0xFFFFFF30]  }
0x147: {  	v4 =	vadd.s32 v22, v39;
	v57 =	vld [tilespmem:s2+$0xFFFFFF70]  }
0x148: {  	v58 =	vadd.s32 v26, v40;
	v61 =	vld [tilespmem:s2+$0xFFFFFFB0]  }
0x149: {  	v2 =	vadd.f32 v62, v33;
	v62 =	vld [tilespmem:s2+$0xFFFFFFF0];
	v5 =	vadd.s32 v30, v42  }
0x14a: {  	v0 =	vadd.f32 v63, v33;
	v63 =	vld [tilespmem:s2+$0x30];
	v3 =	vadd.s32 v8, v43  }
0x14b: {  	v44 =	vadd.s32 v9, v44;
	v52 =	vld [tilespmem:s2+$0x70];
	[tilespmem:v38+s24+$0x0] =	vst.idx.msk $0xffff, v2;
	v2 =	vadd.f32 v41, v33  }
0x14c: {  	v53 =	vld [tilespmem:s2+$0xB0];
	[tilespmem:v4+s24+$0x0] =	vst.idx.msk $0xffff, v0;
	v0 =	vadd.f32 v57, v33;
	v4 =	vadd.s32 v10, v45  }
0x14d: {  	v54 =	vadd.s32 v14, v46;
	v55 =	vld [tilespmem:s2+$0xF0];
	[tilespmem:v58+s24+$0x0] =	vst.idx.msk $0xffff, v2;
	v2 =	vadd.f32 v61, v33  }
0x14e: {  	v56 =	vld [tilespmem:s2+$0x130];
	[tilespmem:v5+s24+$0x0] =	vst.idx.msk $0xffff, v0;
	v0 =	vadd.f32 v62, v33;
	v5 =	vadd.s32 v18, v47  }
0x14f: {  	v57 =	vld [tilespmem:s2+$0x170];
	[tilespmem:v3+s24+$0x0] =	vst.idx.msk $0xffff, v2;
	v2 =	vadd.f32 v63, v33;
	v3 =	vadd.s32 v22, v48  }
0x150: {  	v58 =	vadd.s32 v26, v49;
	v61 =	vld [tilespmem:s2+$0x1B0];
	[tilespmem:v44+s24+$0x0] =	vst.idx.msk $0xffff, v0;
	v0 =	vadd.f32 v52, v33  }
0x151: {  	v62 =	vadd.s32 v30, v50;
	[tilespmem:v4+s24+$0x0] =	vst.idx.msk $0xffff, v2;
	v2 =	vld [tilespmem:s2+$0xFFFFFE30];
	v4 =	vadd.f32 v53, v33  }
0x152: {  	v63 =	vadd.s32 v8, v51;
	[tilespmem:v54+s24+$0x0] =	vst.idx.msk $0xffff, v0;
	v0 =	vadd.f32 v55, v33  }
0x153: {  	[tilespmem:v5+s24+$0x0] =	vst.idx.msk $0xffff, v4;
	v4 =	vadd.s32 v10, v37;
	v5 =	vadd.f32 v56, v33  }
0x154: {  	[tilespmem:v3+s24+$0x0] =	vst.idx.msk $0xffff, v0;
	v0 =	vadd.f32 v57, v33  }
0x155: {  	s8 =	sshll.u32 s30, $0x13;
	v3 =	vadd.f32 v61, v33;
	[tilespmem:v58+s24+$0x0] =	vst.idx.msk $0xffff, v5  }
0x156: {  	s2 =	sor.u32 s5, s8;
	[tilespmem:v62+s24+$0x0] =	vst.idx.msk $0xffff, v0;
	v0 =	vadd.f32 v2, v33  }
0x157: {  	s2 =	sshrl.u32 s2, $0x3;
	[tilespmem:v63+s24+$0x0] =	vst.idx.msk $0xffff, v3  }
0x158: {  	s7 =	sadd.s32 s3, s2;
	[tilespmem:v4+s24+$0x0] =	vst.idx.msk $0xffff, v0  }
0x159: {  	[hbm4b:s7+s4] =	stream.linear.scatter [tilespmem:s24], [sflag:$0x3], $0x80, $0x38;
	[tilespmem:$0xB700] =	vst v63  }
0x15a: {  	s16 =	simm.s32 $0x7388;
	s8 =	sadd.s32 $0x10, s7  }
0x15b: {  	[hbm4b:s8+s4] =	stream.linear.scatter [tilespmem:s16], [sflag:$0x3], $0x80, $0x38;
	[tilespmem:$0xB700] =	vst v63  }
0x15c: {  	s8 =	sadd.s32 $0x20, s7;
	s16 =	simm.s32 $0x7410  }
0x15d: {  	[hbm4b:s8+s4] =	stream.linear.scatter [tilespmem:s16], [sflag:$0x3], $0x80, $0x38;
	[tilespmem:$0xB700] =	vst v63  }
0x15e: {  	s8 =	sadd.s32 $0x30, s7;
	s16 =	simm.s32 $0x7498  }
0x15f: {  	[hbm4b:s8+s4] =	stream.linear.scatter [tilespmem:s16], [sflag:$0x3], $0x80, $0x38;
	[tilespmem:$0xB700] =	vst v63  }
0x160: {  	s8 =	sadd.s32 $0x40, s7;
	s16 =	simm.s32 $0x7520  }
0x161: {  	[hbm4b:s8+s4] =	stream.linear.scatter [tilespmem:s16], [sflag:$0x3], $0x80, $0x38;
	[tilespmem:$0xB700] =	vst v63  }
0x162: {  	s8 =	sadd.s32 $0x50, s7;
	s16 =	simm.s32 $0x75A8  }
0x163: {  	[hbm4b:s8+s4] =	stream.linear.scatter [tilespmem:s16], [sflag:$0x3], $0x80, $0x38;
	[tilespmem:$0xB700] =	vst v63  }
0x164: {  	s8 =	sadd.s32 $0x60, s7;
	s16 =	simm.s32 $0x7630  }
0x165: {  	[hbm4b:s8+s4] =	stream.linear.scatter [tilespmem:s16], [sflag:$0x3], $0x80, $0x38;
	[tilespmem:$0xB700] =	vst v63  }
0x166: {  	s7 =	sadd.s32 $0x70, s7;
	s16 =	simm.s32 $0x76B8  }
0x167: {  	[hbm4b:s7+s4] =	stream.linear.scatter [tilespmem:s16], [sflag:$0x3], $0x80, $0x38;
	[tilespmem:$0xB700] =	vst v63  }
0x168: {  	s7 =	sadd.s32 s2, s9;
	s16 =	simm.s32 $0x7740  }
0x169: {  	[hbm4b:s7+s4] =	stream.linear.scatter [tilespmem:s16], [sflag:$0x3], $0x80, $0x38;
	[tilespmem:$0xB700] =	vst v63  }
0x16a: {  	s8 =	sadd.s32 $0x10, s7;
	s16 =	simm.s32 $0x77C8  }
0x16b: {  	[hbm4b:s8+s4] =	stream.linear.scatter [tilespmem:s16], [sflag:$0x3], $0x80, $0x38;
	[tilespmem:$0xB700] =	vst v63  }
0x16c: {  	s8 =	sadd.s32 $0x20, s7;
	s16 =	simm.s32 $0x7850  }
0x16d: {  	[hbm4b:s8+s4] =	stream.linear.scatter [tilespmem:s16], [sflag:$0x3], $0x80, $0x38;
	[tilespmem:$0xB700] =	vst v63  }
0x16e: {  	s8 =	sadd.s32 $0x30, s7;
	s16 =	simm.s32 $0x78D8  }
0x16f: {  	[hbm4b:s8+s4] =	stream.linear.scatter [tilespmem:s16], [sflag:$0x3], $0x80, $0x38;
	[tilespmem:$0xB700] =	vst v63  }
0x170: {  	s8 =	sadd.s32 $0x40, s7;
	s16 =	simm.s32 $0x7960  }
0x171: {  	[hbm4b:s8+s4] =	stream.linear.scatter [tilespmem:s16], [sflag:$0x3], $0x80, $0x38;
	[tilespmem:$0xB700] =	vst v63  }
0x172: {  	s8 =	sadd.s32 $0x50, s7;
	s16 =	simm.s32 $0x79E8  }
0x173: {  	[hbm4b:s8+s4] =	stream.linear.scatter [tilespmem:s16], [sflag:$0x3], $0x80, $0x38;
	[tilespmem:$0xB700] =	vst v63  }
0x174: {  	s8 =	sadd.s32 $0x60, s7;
	s16 =	simm.s32 $0x7A70  }
0x175: {  	[hbm4b:s8+s4] =	stream.linear.scatter [tilespmem:s16], [sflag:$0x3], $0x80, $0x38;
	[tilespmem:$0xB700] =	vst v63  }
0x176: {  	s7 =	sadd.s32 $0x70, s7;
	s16 =	simm.s32 $0x7AF8  }
0x177: {  	[hbm4b:s7+s4] =	stream.linear.scatter [tilespmem:s16], [sflag:$0x3], $0x80, $0x38;
	[tilespmem:$0xB700] =	vst v63  }
0x178: {  	s7 =	sadd.s32 s2, s10;
	s16 =	simm.s32 $0x7B80  }
0x179: {  	[hbm4b:s7+s4] =	stream.linear.scatter [tilespmem:s16], [sflag:$0x3], $0x80, $0x38;
	[tilespmem:$0xB700] =	vst v63  }
0x17a: {  	s8 =	sadd.s32 $0x10, s7;
	s16 =	simm.s32 $0x7C08  }
0x17b: {  	[hbm4b:s8+s4] =	stream.linear.scatter [tilespmem:s16], [sflag:$0x3], $0x80, $0x38;
	[tilespmem:$0xB700] =	vst v63  }
0x17c: {  	s8 =	sadd.s32 $0x20, s7;
	s16 =	simm.s32 $0x7C90  }
0x17d: {  	[hbm4b:s8+s4] =	stream.linear.scatter [tilespmem:s16], [sflag:$0x3], $0x80, $0x38;
	[tilespmem:$0xB700] =	vst v63  }
0x17e: {  	s8 =	sadd.s32 $0x30, s7;
	s16 =	simm.s32 $0x7D18  }
0x17f: {  	[hbm4b:s8+s4] =	stream.linear.scatter [tilespmem:s16], [sflag:$0x3], $0x80, $0x38;
	[tilespmem:$0xB700] =	vst v63  }
0x180: {  	s8 =	sadd.s32 $0x40, s7;
	s16 =	simm.s32 $0x7DA0  }
0x181: {  	[hbm4b:s8+s4] =	stream.linear.scatter [tilespmem:s16], [sflag:$0x3], $0x80, $0x38;
	[tilespmem:$0xB700] =	vst v63  }
0x182: {  	s8 =	sadd.s32 $0x50, s7;
	s16 =	simm.s32 $0x7E28  }
0x183: {  	[hbm4b:s8+s4] =	stream.linear.scatter [tilespmem:s16], [sflag:$0x3], $0x80, $0x38;
	[tilespmem:$0xB700] =	vst v63  }
0x184: {  	s8 =	sadd.s32 $0x60, s7;
	s16 =	simm.s32 $0x7EB0  }
0x185: {  	[hbm4b:s8+s4] =	stream.linear.scatter [tilespmem:s16], [sflag:$0x3], $0x80, $0x38;
	[tilespmem:$0xB700] =	vst v63  }
0x186: {  	s7 =	sadd.s32 $0x70, s7;
	s16 =	simm.s32 $0x7F38  }
0x187: {  	[hbm4b:s7+s4] =	stream.linear.scatter [tilespmem:s16], [sflag:$0x3], $0x80, $0x38;
	[tilespmem:$0xB700] =	vst v63  }
0x188: {  	s7 =	sadd.s32 s2, s11;
	s16 =	simm.s32 $0x7FC0  }
0x189: {  	[hbm4b:s7+s4] =	stream.linear.scatter [tilespmem:s16], [sflag:$0x3], $0x80, $0x38;
	[tilespmem:$0xB700] =	vst v63  }
0x18a: {  	s8 =	sadd.s32 $0x10, s7;
	s16 =	simm.s32 $0x8048  }
0x18b: {  	[hbm4b:s8+s4] =	stream.linear.scatter [tilespmem:s16], [sflag:$0x3], $0x80, $0x38;
	[tilespmem:$0xB700] =	vst v63  }
0x18c: {  	s8 =	sadd.s32 $0x20, s7;
	s16 =	simm.s32 $0x80D0  }
0x18d: {  	[hbm4b:s8+s4] =	stream.linear.scatter [tilespmem:s16], [sflag:$0x3], $0x80, $0x38;
	[tilespmem:$0xB700] =	vst v63  }
0x18e: {  	s8 =	sadd.s32 $0x30, s7;
	s16 =	simm.s32 $0x8158  }
0x18f: {  	[hbm4b:s8+s4] =	stream.linear.scatter [tilespmem:s16], [sflag:$0x3], $0x80, $0x38;
	[tilespmem:$0xB700] =	vst v63  }
0x190: {  	s8 =	sadd.s32 $0x40, s7;
	s16 =	simm.s32 $0x81E0  }
0x191: {  	[hbm4b:s8+s4] =	stream.linear.scatter [tilespmem:s16], [sflag:$0x3], $0x80, $0x38;
	[tilespmem:$0xB700] =	vst v63  }
0x192: {  	s8 =	sadd.s32 $0x50, s7;
	s16 =	simm.s32 $0x8268  }
0x193: {  	[hbm4b:s8+s4] =	stream.linear.scatter [tilespmem:s16], [sflag:$0x3], $0x80, $0x38;
	[tilespmem:$0xB700] =	vst v63  }
0x194: {  	s8 =	sadd.s32 $0x60, s7;
	s16 =	simm.s32 $0x82F0  }
0x195: {  	[hbm4b:s8+s4] =	stream.linear.scatter [tilespmem:s16], [sflag:$0x3], $0x80, $0x38;
	[tilespmem:$0xB700] =	vst v63  }
0x196: {  	s7 =	sadd.s32 $0x70, s7;
	s16 =	simm.s32 $0x8378  }
0x197: {  	[hbm4b:s7+s4] =	stream.linear.scatter [tilespmem:s16], [sflag:$0x3], $0x80, $0x38;
	[tilespmem:$0xB700] =	vst v63  }
0x198: {  	s7 =	sadd.s32 s2, s12;
	s16 =	simm.s32 $0x8400  }
0x199: {  	[hbm4b:s7+s4] =	stream.linear.scatter [tilespmem:s16], [sflag:$0x3], $0x80, $0x38;
	[tilespmem:$0xB700] =	vst v63  }
0x19a: {  	s8 =	sadd.s32 $0x10, s7;
	s16 =	simm.s32 $0x8488  }
0x19b: {  	[hbm4b:s8+s4] =	stream.linear.scatter [tilespmem:s16], [sflag:$0x3], $0x80, $0x38;
	[tilespmem:$0xB700] =	vst v63  }
0x19c: {  	s8 =	sadd.s32 $0x20, s7;
	s16 =	simm.s32 $0x8510  }
0x19d: {  	[hbm4b:s8+s4] =	stream.linear.scatter [tilespmem:s16], [sflag:$0x3], $0x80, $0x38;
	[tilespmem:$0xB700] =	vst v63  }
0x19e: {  	s8 =	sadd.s32 $0x30, s7;
	s16 =	simm.s32 $0x8598  }
0x19f: {  	[hbm4b:s8+s4] =	stream.linear.scatter [tilespmem:s16], [sflag:$0x3], $0x80, $0x38;
	[tilespmem:$0xB700] =	vst v63  }
0x1a0: {  	s8 =	sadd.s32 $0x40, s7;
	s16 =	simm.s32 $0x8620  }
0x1a1: {  	[hbm4b:s8+s4] =	stream.linear.scatter [tilespmem:s16], [sflag:$0x3], $0x80, $0x38;
	[tilespmem:$0xB700] =	vst v63  }
0x1a2: {  	s8 =	sadd.s32 $0x50, s7;
	s16 =	simm.s32 $0x86A8  }
0x1a3: {  	[hbm4b:s8+s4] =	stream.linear.scatter [tilespmem:s16], [sflag:$0x3], $0x80, $0x38;
	[tilespmem:$0xB700] =	vst v63  }
0x1a4: {  	s8 =	sadd.s32 $0x60, s7;
	s16 =	simm.s32 $0x8730  }
0x1a5: {  	[hbm4b:s8+s4] =	stream.linear.scatter [tilespmem:s16], [sflag:$0x3], $0x80, $0x38;
	[tilespmem:$0xB700] =	vst v63  }
0x1a6: {  	s7 =	sadd.s32 $0x70, s7;
	s16 =	simm.s32 $0x87B8  }
0x1a7: {  	[hbm4b:s7+s4] =	stream.linear.scatter [tilespmem:s16], [sflag:$0x3], $0x80, $0x38;
	[tilespmem:$0xB700] =	vst v63  }
0x1a8: {  	s7 =	sadd.s32 s2, s13;
	s16 =	simm.s32 $0x8840  }
0x1a9: {  	[hbm4b:s7+s4] =	stream.linear.scatter [tilespmem:s16], [sflag:$0x3], $0x80, $0x38;
	[tilespmem:$0xB700] =	vst v63  }
0x1aa: {  	s8 =	sadd.s32 $0x10, s7;
	s16 =	simm.s32 $0x88C8  }
0x1ab: {  	[hbm4b:s8+s4] =	stream.linear.scatter [tilespmem:s16], [sflag:$0x3], $0x80, $0x38;
	[tilespmem:$0xB700] =	vst v63  }
0x1ac: {  	s8 =	sadd.s32 $0x20, s7;
	s16 =	simm.s32 $0x8950  }
0x1ad: {  	[hbm4b:s8+s4] =	stream.linear.scatter [tilespmem:s16], [sflag:$0x3], $0x80, $0x38;
	[tilespmem:$0xB700] =	vst v63  }
0x1ae: {  	s8 =	sadd.s32 $0x30, s7;
	s16 =	simm.s32 $0x89D8  }
0x1af: {  	[hbm4b:s8+s4] =	stream.linear.scatter [tilespmem:s16], [sflag:$0x3], $0x80, $0x38;
	[tilespmem:$0xB700] =	vst v63  }
0x1b0: {  	s8 =	sadd.s32 $0x40, s7;
	s16 =	simm.s32 $0x8A60  }
0x1b1: {  	[hbm4b:s8+s4] =	stream.linear.scatter [tilespmem:s16], [sflag:$0x3], $0x80, $0x38;
	[tilespmem:$0xB700] =	vst v63  }
0x1b2: {  	s8 =	sadd.s32 $0x50, s7;
	s16 =	simm.s32 $0x8AE8  }
0x1b3: {  	[hbm4b:s8+s4] =	stream.linear.scatter [tilespmem:s16], [sflag:$0x3], $0x80, $0x38;
	[tilespmem:$0xB700] =	vst v63  }
0x1b4: {  	s8 =	sadd.s32 $0x60, s7;
	s16 =	simm.s32 $0x8B70  }
0x1b5: {  	[hbm4b:s8+s4] =	stream.linear.scatter [tilespmem:s16], [sflag:$0x3], $0x80, $0x38;
	[tilespmem:$0xB700] =	vst v63  }
0x1b6: {  	s7 =	sadd.s32 $0x70, s7;
	s16 =	simm.s32 $0x8BF8  }
0x1b7: {  	[hbm4b:s7+s4] =	stream.linear.scatter [tilespmem:s16], [sflag:$0x3], $0x80, $0x38;
	[tilespmem:$0xB700] =	vst v63  }
0x1b8: {  	s7 =	sadd.s32 s2, s14;
	s16 =	simm.s32 $0x8C80  }
0x1b9: {  	[hbm4b:s7+s4] =	stream.linear.scatter [tilespmem:s16], [sflag:$0x3], $0x80, $0x38;
	[tilespmem:$0xB700] =	vst v63  }
0x1ba: {  	s8 =	sadd.s32 $0x10, s7;
	s16 =	simm.s32 $0x8D08  }
0x1bb: {  	[hbm4b:s8+s4] =	stream.linear.scatter [tilespmem:s16], [sflag:$0x3], $0x80, $0x38;
	[tilespmem:$0xB700] =	vst v63  }
0x1bc: {  	s8 =	sadd.s32 $0x20, s7;
	s16 =	simm.s32 $0x8D90  }
0x1bd: {  	[hbm4b:s8+s4] =	stream.linear.scatter [tilespmem:s16], [sflag:$0x3], $0x80, $0x38;
	[tilespmem:$0xB700] =	vst v63  }
0x1be: {  	s8 =	sadd.s32 $0x30, s7;
	s16 =	simm.s32 $0x8E18  }
0x1bf: {  	[hbm4b:s8+s4] =	stream.linear.scatter [tilespmem:s16], [sflag:$0x3], $0x80, $0x38;
	[tilespmem:$0xB700] =	vst v63  }
0x1c0: {  	s8 =	sadd.s32 $0x40, s7;
	s16 =	simm.s32 $0x8EA0  }
0x1c1: {  	[hbm4b:s8+s4] =	stream.linear.scatter [tilespmem:s16], [sflag:$0x3], $0x80, $0x38;
	[tilespmem:$0xB700] =	vst v63  }
0x1c2: {  	s8 =	sadd.s32 $0x50, s7;
	s16 =	simm.s32 $0x8F28  }
0x1c3: {  	[hbm4b:s8+s4] =	stream.linear.scatter [tilespmem:s16], [sflag:$0x3], $0x80, $0x38;
	[tilespmem:$0xB700] =	vst v63  }
0x1c4: {  	s8 =	sadd.s32 $0x60, s7;
	s16 =	simm.s32 $0x8FB0  }
0x1c5: {  	[hbm4b:s8+s4] =	stream.linear.scatter [tilespmem:s16], [sflag:$0x3], $0x80, $0x38;
	[tilespmem:$0xB700] =	vst v63  }
0x1c6: {  	s7 =	sadd.s32 $0x70, s7;
	s16 =	simm.s32 $0x9038  }
0x1c7: {  	[hbm4b:s7+s4] =	stream.linear.scatter [tilespmem:s16], [sflag:$0x3], $0x80, $0x38;
	[tilespmem:$0xB700] =	vst v63  }
0x1c8: {  	s2 =	sadd.s32 s2, s15;
	s16 =	simm.s32 $0x90C0  }
0x1c9: {  	[hbm4b:s2+s4] =	stream.linear.scatter [tilespmem:s16], [sflag:$0x3], $0x80, $0x38;
	[tilespmem:$0xB700] =	vst v63  }
0x1ca: {  	s8 =	sadd.s32 $0x10, s2;
	s16 =	simm.s32 $0x9148  }
0x1cb: {  	[hbm4b:s8+s4] =	stream.linear.scatter [tilespmem:s16], [sflag:$0x3], $0x80, $0x38;
	[tilespmem:$0xB700] =	vst v63  }
0x1cc: {  	s8 =	sadd.s32 $0x20, s2;
	s16 =	simm.s32 $0x91D0  }
0x1cd: {  	[hbm4b:s8+s4] =	stream.linear.scatter [tilespmem:s16], [sflag:$0x3], $0x80, $0x38;
	[tilespmem:$0xB700] =	vst v63  }
0x1ce: {  	s8 =	sadd.s32 $0x30, s2;
	s16 =	simm.s32 $0x9258  }
0x1cf: {  	[hbm4b:s8+s4] =	stream.linear.scatter [tilespmem:s16], [sflag:$0x3], $0x80, $0x38;
	[tilespmem:$0xB700] =	vst v63  }
0x1d0: {  	s8 =	sadd.s32 $0x40, s2;
	s16 =	simm.s32 $0x92E0  }
0x1d1: {  	[hbm4b:s8+s4] =	stream.linear.scatter [tilespmem:s16], [sflag:$0x3], $0x80, $0x38;
	[tilespmem:$0xB700] =	vst v63  }
0x1d2: {  	p1 =	sne.s32 s30, $0x63;
	s8 =	sadd.s32 $0x50, s2;
	s16 =	simm.s32 $0x9368  }
0x1d3: {  	[hbm4b:s8+s4] =	stream.linear.scatter [tilespmem:s16], [sflag:$0x3], $0x80, $0x38;
	[tilespmem:$0xB700] =	vst v63  }
.Ltmp1:
0x1d4: {  	_ = 	snop;
	(pc) =	sbr.rel @p1 .LBB2_6-.Ltmp1, $4  }
0x1d5: {  	s8 =	sadd.s32 $0x60, s2;
	s16 =	simm.s32 $0x93F0  }
0x1d6: {  	[hbm4b:s8+s4] =	stream.linear.scatter [tilespmem:s16], [sflag:$0x3], $0x80, $0x38;
	[tilespmem:$0xB700] =	vst v63  }
0x1d7: {  	s2 =	sadd.s32 $0x70, s2;
	s16 =	simm.s32 $0x9478  }
0x1d8: {  	v6 =	vmovc v28;
	v32 =	vmovc v60;
	v28 =	vmov v59;
	v29 =	vmov v9;
	v9 =	vmov v12;
	[hbm4b:s2+s4] =	stream.linear.scatter [tilespmem:s16], [sflag:$0x3], $0x80, $0x38;
	[tilespmem:$0xB700] =	vst v63  }
.Ltmp2:
0x1d9: {  	(pc) =	sbr.rel .LBB2_7-.Ltmp2, $4  }
0x1da: {  	_ = 	snop  }
0x1db: {  	_ =	swait.ge [sflag:s20], $0x2000  }
0x1dc: {  	[sflag:s20] =	ssyncset.done $0x0  }
0x1dd: {  	[sflag:s20] =	ssyncadd.s32 $0xFFFFE000  }
.LBB2_6:
0x1de: {  	s0 =	sadd.s32 $0x2, s0  }
0x1df: {  	s2 =	sshll.u32 s0, $0x7;
	s0 =	sshll.u32 s0, $0xC  }
0x1e0: {  	s2 =	sand.u32 $0x300, s2;
	s0 =	sand.u32 $0x1F8000, s0  }
0x1e1: {  	s0 =	sor.u32 s0, s2  }
0x1e2: {  	s0 =	sor.u32 s5, s0  }
0x1e3: {  	s0 =	sshrl.u32 s0, $0x3  }
0x1e4: {  	s0 =	sadd.s32 s1, s0  }
0x1e5: {  	[tilespmem:s18], [sflag:$0x5] =	stream.linear.gather [hbm4b:s0+s4], $0x80, $0x38;
	[tilespmem:$0xB700] =	vst v63  }
0x1e6: {  	_ =	swait.ge [sflag:s17], $0x80  }
0x1e7: {  	[sflag:s17] =	ssyncset.done $0x0  }
.Ltmp3:
0x1e8: {  	s16 =	simm.s32 $0x3300;
	[sflag:s17] =	ssyncadd.s32 $0xFFFFFF80;
	(pc) =	sbr.rel @p0 .LBB2_8-.Ltmp3, $4  }
0x1e9: {  	[tilespmem:s16], [sflag:$0x1] =	stream.indirect.gather [hbm4b:s6+s19], $0x40, s18, s19, $0xb8;
	[tilespmem:$0xB700] =	vst v63  }
0x1ea: {  	_ =	swait.ge [sflag:s20], $0x2000  }
0x1eb: {  	[sflag:s20] =	ssyncset.done $0x0  }
0x1ec: {  	[sflag:s20] =	ssyncadd.s32 $0xFFFFE000  }
.LBB2_7:
0x1ed: {  	_ =	swait.ge [sflag:s22], $0x400  }
0x1ee: {  	[sflag:s22] =	ssyncset.done $0x0  }
0x1ef: {  	[sflag:s22] =	ssyncadd.s32 $0xFFFFFC00  }
0x1f0: {  	_ =	swait.ge [sflag:s22], $0x400  }
0x1f1: {  	[sflag:s22] =	ssyncset.done $0x0  }
0x1f2: {  	[sflag:s22] =	ssyncadd.s32 $0xFFFFFC00  }
0x1f3: {  	_ =	swait.ge [sflag:s22], $0x400  }
0x1f4: {  	[sflag:s22] =	ssyncset.done $0x0  }
0x1f5: {  	[sflag:s22] =	ssyncadd.s32 $0xFFFFFC00  }
0x1f6: {  	_ =	swait.ge [sflag:s22], $0x400  }
0x1f7: {  	[sflag:s22] =	ssyncset.done $0x0  }
0x1f8: {  	[sflag:s22] =	ssyncadd.s32 $0xFFFFFC00  }
0x1f9: {  	_ =	swait.ge [sflag:s22], $0x400  }
0x1fa: {  	[sflag:s22] =	ssyncset.done $0x0  }
0x1fb: {  	[sflag:s22] =	ssyncadd.s32 $0xFFFFFC00  }
0x1fc: {  	_ =	swait.ge [sflag:s22], $0x400  }
0x1fd: {  	[sflag:s22] =	ssyncset.done $0x0  }
0x1fe: {  	[sflag:s22] =	ssyncadd.s32 $0xFFFFFC00  }
0x1ff: {  	_ =	swait.ge [sflag:s22], $0x400  }
0x200: {  	[sflag:s22] =	ssyncset.done $0x0  }
0x201: {  	[sflag:s22] =	ssyncadd.s32 $0xFFFFFC00  }
0x202: {  	_ =	swait.ge [sflag:s22], $0x400  }
0x203: {  	[sflag:s22] =	ssyncset.done $0x0  }
0x204: {  	[sflag:s22] =	ssyncadd.s32 $0xFFFFFC00  }
.LBB2_8:
0x205: {  	s0 =	simm.s32 $0x0;
	s16 =	simm.s32 $0x1  }
0x206: {  	s2 =	simm.s32 $0x2;
	s7 =	simm.s32 $0x3;
	s8 =	simm.s32 $0x5;
	v0 =	vmov s0;
	v2 =	vmov s16  }
0x207: {  	v3 =	vmov s2;
	v4 =	vmov s7;
	s7 =	simm.s32 $0x4;
	s16 =	simm.s32 $0x6;
	v33 =	vmov s8  }
0x208: {  	s8 =	simm.s32 $0x8;
	s2 =	simm.s32 $0xD;
	v0 =	vshrl.u32 v0, $0x3;
	v5 =	vmov s7;
	v34 =	vmov s16  }
0x209: {  	v36 =	vmov s8;
	v41 =	vmov s2;
	v2 =	vshrl.u32 v2, $0x3  }
0x20a: {  	s7 =	simm.s32 $0x7;
	s16 =	simm.s32 $0x9;
	s8 =	simm.s32 $0xB;
	v3 =	vshrl.u32 v3, $0x3;
	v4 =	vshrl.u32 v4, $0x3;
	v43 =	vshrl.u32 v33, $0x3  }
0x20b: {  	v35 =	vmov s7;
	v37 =	vmov s16;
	v39 =	vmov s8  }
0x20c: {  	v0 =	vshll.u32 v0, v1;
	v5 =	vshrl.u32 v5, $0x3;
	v44 =	vshrl.u32 v34, $0x3;
	s8 =	sshll.u32 s31, $0x6  }
0x20d: {  	v8 =	vld [tilespmem:$0x1FE60];
	s7 =	simm.s32 $0xA;
	v46 =	vshrl.u32 v36, $0x3;
	v2 =	vshll.u32 v2, v1;
	v3 =	vshll.u32 v3, v1;
	s0 =	sand.u32 $0x3FFFFFC0, s8  }
0x20e: {  	s16 =	simm.s32 $0xC;
	v4 =	vshll.u32 v4, v1;
	v43 =	vshll.u32 v43, v1;
	v38 =	vmov s7;
	v36 =	vld [tilespmem:s0+$0x0]  }
0x20f: {  	v40 =	vmov s16;
	v45 =	vshrl.u32 v35, $0x3;
	v47 =	vshrl.u32 v37, $0x3;
	v35 =	vld [tilespmem:s0+$0x10]  }
0x210: {  	v39 =	vshrl.u32 v39, $0x3;
	v37 =	vbroadcast v0, $0x0;
	v0 =	vshrl.u32 v41, $0x3;
	s16 =	simm.s32 $0xF;
	v34 =	vld [tilespmem:s0+$0x20]  }
0x211: {  	s7 =	simm.s32 $0xE;
	v5 =	vshll.u32 v5, v1;
	v48 =	vshll.u32 v44, v1;
	v58 =	vmov s16;
	v33 =	vld [tilespmem:s0+$0x30];
	s0 =	simm.s32 $0x56F0  }
0x212: {  	v50 =	vbroadcast v2, $0x0;
	v42 =	vmov s7;
	v59 =	vshrl.u32 v58, $0x3;
	v60 =	vld [tilespmem:s0+$0xFFFFFFD0]  }
0x213: {  	v51 =	vbroadcast v3, $0x0;
	v63 =	vshrl.u32 v42, $0x3;
	v54 =	vld [tilespmem:s0+$0xFFFFFC50];
	v42 =	vshll.u32 v59, v1  }
0x214: {  	v46 =	vshll.u32 v46, v1;
	v49 =	vbroadcast v4, $0x0;
	v61 =	vld [tilespmem:s0+$0xFFFFFC10];
	v52 =	vbroadcast v42, $0x0  }
0x215: {  	v44 =	vbroadcast v43, $0x0;
	v40 =	vshrl.u32 v40, $0x3;
	v3 =	vadd.s32 v31, v50;
	v57 =	vld [tilespmem:s0+$0xFFFFFCD0]  }
0x216: {  	v45 =	vshll.u32 v45, v1;
	v2 =	vshll.u32 v40, v1;
	v56 =	vld [tilespmem:s0+$0xFFFFFC90];
	v40 =	vadd.s32 v8, v52  }
0x217: {  	v53 =	vshll.u32 v47, v1;
	v39 =	vshll.u32 v39, v1;
	v55 =	vadd.s32 v7, v37  }
0x218: {  	v47 =	vbroadcast v5, $0x0;
	v58 =	vadd.s32 v15, v51;
	v59 =	vld [tilespmem:s0+$0xFFFFFD10];
	v43 =	vadd.f32 v54, v36  }
0x219: {  	v5 =	vadd.f32 v60, v36;
	v42 =	vadd.f32 v61, v36;
	v60 =	vadd.s32 v19, v49;
	v61 =	vld [tilespmem:s0+$0xFFFFFD50]  }
0x21a: {  	v38 =	vshrl.u32 v38, $0x3;
	v62 =	vld [tilespmem:s0+$0xFFFFFD90];
	v54 =	vadd.s32 v23, v47;
	[tilespmem:v3+s25+$0x0] =	vst.idx.msk $0xffff, v43;
	v3 =	vadd.f32 v57, v36  }
0x21b: {  	v41 =	vbroadcast v48, $0x0;
	v57 =	vld [tilespmem:s0+$0xFFFFFE10];
	[tilespmem:v40+s25+$0x0] =	vst.idx.msk $0xffff, v5;
	v5 =	vadd.f32 v56, v36;
	v40 =	vadd.s32 v27, v44  }
0x21c: {  	v38 =	vshll.u32 v38, v1;
	v48 =	vbroadcast v45, $0x0;
	v45 =	vbroadcast v46, $0x0;
	[tilespmem:v55+s25+$0x0] =	vst.idx.msk $0xffff, v42;
	v55 =	vld [tilespmem:s0+$0xFFFFFFE0]  }
0x21d: {  	v43 =	vadd.s32 v11, v41;
	v56 =	vld [tilespmem:s0+$0xFFFFFDD0];
	[tilespmem:v58+s25+$0x0] =	vst.idx.msk $0xffff, v5;
	v5 =	vadd.f32 v59, v36  }
0x21e: {  	v46 =	vbroadcast v53, $0x0;
	v53 =	vadd.s32 v7, v45;
	[tilespmem:v60+s25+$0x0] =	vst.idx.msk $0xffff, v3;
	v3 =	vadd.f32 v61, v36  }
0x21f: {  	v60 =	vld [tilespmem:s0+$0xFFFFFE50];
	v58 =	vadd.s32 v32, v52;
	v59 =	vadd.s32 v8, v48;
	[tilespmem:v54+s25+$0x0] =	vst.idx.msk $0xffff, v5  }
0x220: {  	v42 =	vbroadcast v38, $0x0;
	v5 =	vadd.f32 v62, v36;
	v54 =	vld [tilespmem:s0+$0xFFFFFE90];
	[tilespmem:v40+s25+$0x0] =	vst.idx.msk $0xffff, v3;
	v3 =	vadd.s32 v31, v46  }
0x221: {  	v40 =	vbroadcast v2, $0x0;
	v2 =	vadd.f32 v57, v36;
	v55 =	vadd.f32 v55, v35  }
0x222: {  	[tilespmem:v43+s25+$0x0] =	vst.idx.msk $0xffff, v5;
	v5 =	vadd.f32 v56, v36;
	v56 =	vadd.s32 v15, v42  }
0x223: {  	v0 =	vshll.u32 v0, v1;
	v39 =	vbroadcast v39, $0x0;
	v61 =	vld [tilespmem:s0+$0xFFFFFED0];
	[tilespmem:v53+s25+$0x0] =	vst.idx.msk $0xffff, v2  }
0x224: {  	v4 =	vshll.u32 v63, v1;
	v38 =	vbroadcast v0, $0x0;
	v62 =	vld [tilespmem:s0+$0xFFFFFF10];
	v0 =	vadd.f32 v60, v36;
	[tilespmem:v58+s25+$0x0] =	vst.idx.msk $0xffff, v55  }
0x225: {  	v63 =	vld [tilespmem:s0+$0xFFFFFF50];
	v57 =	vadd.s32 v19, v39;
	[tilespmem:v59+s25+$0x0] =	vst.idx.msk $0xffff, v5;
	v2 =	vadd.f32 v54, v36  }
0x226: {  	v43 =	vbroadcast v4, $0x0;
	v4 =	vld [tilespmem:s0+$0xFFFFFC60];
	v5 =	vadd.s32 v23, v40;
	[tilespmem:v3+s25+$0x0] =	vst.idx.msk $0xffff, v0  }
0x227: {  	v53 =	vadd.s32 v27, v38;
	v10 =	vld [tilespmem:$0x1FE40];
	[tilespmem:v56+s25+$0x0] =	vst.idx.msk $0xffff, v2  }
0x228: {  	v0 =	vadd.f32 v61, v36;
	v12 =	vld [tilespmem:$0x1FEB0]  }
0x229: {  	v54 =	vld [tilespmem:s0+$0xFFFFFF90];
	v2 =	vadd.f32 v62, v36  }
0x22a: {  	v55 =	vld [tilespmem:s0+$0xFFFFFFF0];
	[tilespmem:v57+s25+$0x0] =	vst.idx.msk $0xffff, v0;
	v0 =	vadd.f32 v63, v36  }
0x22b: {  	v56 =	vadd.s32 v11, v43;
	v16 =	vld [tilespmem:$0x1FEE0];
	[tilespmem:v5+s25+$0x0] =	vst.idx.msk $0xffff, v2  }
0x22c: {  	v20 =	vld [tilespmem:$0x1FF10];
	[tilespmem:v53+s25+$0x0] =	vst.idx.msk $0xffff, v0;
	v3 =	vadd.s32 v10, v52  }
0x22d: {  	v24 =	vld [tilespmem:$0x1FF40];
	v59 =	vadd.s32 v12, v50  }
0x22e: {  	v58 =	vld [tilespmem:s0+$0xFFFFFCA0];
	v0 =	vadd.f32 v54, v36  }
0x22f: {  	v60 =	vld [tilespmem:s0+$0xFFFFFCE0];
	v2 =	vadd.f32 v55, v34  }
0x230: {  	v61 =	vld [tilespmem:s0+$0xFFFFFD20];
	v4 =	vadd.f32 v4, v35;
	[tilespmem:v56+s25+$0x0] =	vst.idx.msk $0xffff, v0;
	v57 =	vadd.s32 v16, v51  }
0x231: {  	v5 =	vadd.s32 v20, v49;
	[tilespmem:v3+s25+$0x0] =	vst.idx.msk $0xffff, v2  }
0x232: {  	v53 =	vadd.s32 v24, v47;
	[tilespmem:v59+s25+$0x0] =	vst.idx.msk $0xffff, v4  }
0x233: {  	v2 =	vadd.f32 v58, v35;
	v13 =	vld [tilespmem:$0x1FF50]  }
0x234: {  	v62 =	vld [tilespmem:s0+$0xFFFFFDA0];
	v4 =	vadd.f32 v60, v35  }
0x235: {  	v55 =	vld [tilespmem:s0+$0xFFFFFD60];
	[tilespmem:v57+s25+$0x0] =	vst.idx.msk $0xffff, v2;
	v2 =	vadd.f32 v61, v35  }
0x236: {  	v0 =	vld [tilespmem:s0+$0x0];
	[tilespmem:v5+s25+$0x0] =	vst.idx.msk $0xffff, v4  }
0x237: {  	v3 =	vadd.s32 v28, v44;
	v60 =	vld [tilespmem:s0+$0xFFFFFDE0];
	[tilespmem:v53+s25+$0x0] =	vst.idx.msk $0xffff, v2  }
0x238: {  	v8 =	vld [tilespmem:$0x1FE70];
	v63 =	vadd.s32 v13, v41  }
0x239: {  	v54 =	vld [tilespmem:s0+$0xFFFFFEA0];
	v52 =	vadd.s32 v29, v52  }
0x23a: {  	v4 =	vadd.f32 v55, v35;
	v5 =	vadd.s32 v32, v48;
	v55 =	vld [tilespmem:s0+$0xFFFFFE60]  }
0x23b: {  	v56 =	vadd.s32 v16, v42;
	v61 =	vld [tilespmem:s0+$0xFFFFFE20];
	v2 =	vadd.f32 v62, v35  }
0x23c: {  	[tilespmem:v3+s25+$0x0] =	vst.idx.msk $0xffff, v4;
	v3 =	vadd.s32 v12, v46;
	v4 =	vld [tilespmem:s0+$0xFFFFFEE0];
	v0 =	vadd.f32 v0, v33  }
0x23d: {  	v58 =	vld [tilespmem:s0+$0xFFFFFF20];
	v53 =	vadd.s32 v8, v45;
	[tilespmem:v63+s25+$0x0] =	vst.idx.msk $0xffff, v2;
	v2 =	vadd.f32 v60, v35  }
0x23e: {  	v59 =	vadd.s32 v20, v39;
	v62 =	vadd.f32 v54, v35;
	[tilespmem:v52+s25+$0x0] =	vst.idx.msk $0xffff, v0  }
0x23f: {  	v0 =	vadd.f32 v55, v35;
	[tilespmem:v5+s25+$0x0] =	vst.idx.msk $0xffff, v2;
	v2 =	vadd.s32 v24, v40  }
0x240: {  	[tilespmem:v56+s25+$0x0] =	vst.idx.msk $0xffff, v62;
	v57 =	vadd.f32 v61, v35;
	v52 =	vld [tilespmem:s0+$0xFFFFFC20]  }
0x241: {  	[tilespmem:v3+s25+$0x0] =	vst.idx.msk $0xffff, v0;
	v0 =	vadd.f32 v4, v35;
	v60 =	vld [tilespmem:s0+$0xFFFFFF60]  }
0x242: {  	v5 =	vld [tilespmem:s0+$0xFFFFFFA0];
	[tilespmem:v53+s25+$0x0] =	vst.idx.msk $0xffff, v57;
	v53 =	vadd.f32 v58, v35  }
0x243: {  	v3 =	vadd.s32 v13, v43;
	v13 =	vld [tilespmem:$0x1FEA0];
	[tilespmem:v59+s25+$0x0] =	vst.idx.msk $0xffff, v0  }
0x244: {  	v54 =	vadd.s32 v28, v38;
	v17 =	vld [tilespmem:$0x1FED0];
	[tilespmem:v2+s25+$0x0] =	vst.idx.msk $0xffff, v53  }
0x245: {  	v21 =	vld [tilespmem:$0x1FF00]  }
0x246: {  	v55 =	vld [tilespmem:s0+$0xFFFFFC70]  }
0x247: {  	v4 =	vadd.s32 v8, v37;
	v57 =	vld [tilespmem:s0+$0xFFFFFCB0];
	v0 =	vadd.f32 v60, v35  }
0x248: {  	v58 =	vld [tilespmem:s0+$0xFFFFFCF0];
	v56 =	vadd.s32 v13, v50  }
0x249: {  	v2 =	vadd.f32 v5, v35;
	[tilespmem:v54+s25+$0x0] =	vst.idx.msk $0xffff, v0;
	v59 =	vadd.s32 v17, v51  }
0x24a: {  	v5 =	vadd.f32 v52, v35;
	v25 =	vld [tilespmem:$0x1FF30];
	v63 =	vadd.s32 v21, v49  }
0x24b: {  	v0 =	vadd.f32 v55, v34;
	[tilespmem:v3+s25+$0x0] =	vst.idx.msk $0xffff, v2  }
0x24c: {  	v61 =	vld [tilespmem:s0+$0xFFFFFD70];
	[tilespmem:v4+s25+$0x0] =	vst.idx.msk $0xffff, v5;
	v2 =	vadd.f32 v57, v34  }
0x24d: {  	v60 =	vld [tilespmem:s0+$0xFFFFFD30];
	[tilespmem:v56+s25+$0x0] =	vst.idx.msk $0xffff, v0;
	v0 =	vadd.f32 v58, v34  }
0x24e: {  	v55 =	vld [tilespmem:s0+$0xFFFFFDB0];
	[tilespmem:v59+s25+$0x0] =	vst.idx.msk $0xffff, v2  }
0x24f: {  	v4 =	vld [tilespmem:s0+$0xFFFFFDF0];
	v54 =	vadd.s32 v25, v47;
	[tilespmem:v63+s25+$0x0] =	vst.idx.msk $0xffff, v0  }
0x250: {  	v3 =	vadd.s32 v9, v44;
	v63 =	vld [tilespmem:$0x1FE80]  }
0x251: {  	v62 =	vld [tilespmem:s0+$0xFFFFFEB0];
	v5 =	vadd.s32 v6, v41  }
0x252: {  	v57 =	vadd.s32 v10, v48;
	v58 =	vld [tilespmem:s0+$0xFFFFFE70];
	v2 =	vadd.f32 v60, v34  }
0x253: {  	v56 =	vld [tilespmem:s0+$0xFFFFFE30];
	v0 =	vadd.f32 v61, v34  }
0x254: {  	v60 =	vadd.s32 v13, v46;
	v59 =	vld [tilespmem:s0+$0xFFFFFC30];
	[tilespmem:v54+s25+$0x0] =	vst.idx.msk $0xffff, v2;
	v2 =	vadd.f32 v55, v34  }
0x255: {  	v53 =	vld [tilespmem:s0+$0xFFFFFC80];
	[tilespmem:v3+s25+$0x0] =	vst.idx.msk $0xffff, v0;
	v0 =	vadd.f32 v4, v34;
	v52 =	vadd.s32 v63, v45  }
0x256: {  	v61 =	vld [tilespmem:s0+$0xFFFFFEF0];
	[tilespmem:v5+s25+$0x0] =	vst.idx.msk $0xffff, v2  }
0x257: {  	v3 =	vld [tilespmem:s0+$0xFFFFFF30];
	v5 =	vadd.s32 v17, v42;
	[tilespmem:v57+s25+$0x0] =	vst.idx.msk $0xffff, v0;
	v0 =	vadd.f32 v58, v34  }
0x258: {  	v4 =	vld [tilespmem:s0+$0xFFFFFF70];
	v2 =	vadd.f32 v56, v34  }
0x259: {  	v56 =	vld [tilespmem:s0+$0xFFFFFFB0];
	v57 =	vadd.s32 v21, v39;
	[tilespmem:v60+s25+$0x0] =	vst.idx.msk $0xffff, v0  }
0x25a: {  	v58 =	vadd.s32 v25, v40;
	v60 =	vld [tilespmem:s0+$0xFFFFFCC0];
	[tilespmem:v52+s25+$0x0] =	vst.idx.msk $0xffff, v2;
	v2 =	vadd.f32 v62, v34  }
0x25b: {  	v0 =	vadd.f32 v61, v34;
	v61 =	vld [tilespmem:s0+$0xFFFFFD00];
	v52 =	vadd.s32 v9, v38  }
0x25c: {  	v54 =	vadd.s32 v6, v43;
	v14 =	vld [tilespmem:$0x1FEC0];
	[tilespmem:v5+s25+$0x0] =	vst.idx.msk $0xffff, v2  }
0x25d: {  	v3 =	vadd.f32 v3, v34;
	v18 =	vld [tilespmem:$0x1FEF0]  }
0x25e: {  	v55 =	vadd.s32 v63, v37;
	v4 =	vadd.f32 v4, v34;
	[tilespmem:v57+s25+$0x0] =	vst.idx.msk $0xffff, v0;
	v57 =	vld [tilespmem:s0+$0xFFFFFD80]  }
0x25f: {  	s7 =	simm.s32 $0x10;
	v56 =	vadd.f32 v56, v34;
	v22 =	vld [tilespmem:$0x1FF20];
	[tilespmem:v58+s25+$0x0] =	vst.idx.msk $0xffff, v3  }
0x260: {  	v2 =	vmov s7;
	v26 =	vld [tilespmem:$0x1FF60];
	[tilespmem:v52+s25+$0x0] =	vst.idx.msk $0xffff, v4  }
0x261: {  	v44 =	vadd.s32 v30, v44;
	v0 =	vshrl.u32 v2, $0x3;
	v2 =	vadd.f32 v59, v34;
	v59 =	vld [tilespmem:s0+$0xFFFFFE00];
	[tilespmem:v54+s25+$0x0] =	vst.idx.msk $0xffff, v56  }
0x262: {  	v48 =	vadd.s32 v29, v48;
	v53 =	vadd.f32 v53, v33;
	v50 =	vadd.s32 v14, v50;
	v6 =	vld [tilespmem:$0x1FE50]  }
0x263: {  	s8 =	simm.s32 $0x11;
	s16 =	simm.s32 $0x12;
	v38 =	vadd.s32 v30, v38;
	[tilespmem:v55+s25+$0x0] =	vst.idx.msk $0xffff, v2;
	v55 =	vld [tilespmem:s0+$0xFFFFFE80];
	v5 =	vadd.s32 v18, v51  }
0x264: {  	v3 =	vmov s8;
	v58 =	vld [tilespmem:s0+$0xFFFFFDC0];
	v0 =	vshll.u32 v0, v1;
	v4 =	vmov s16  }
0x265: {  	v52 =	vadd.f32 v60, v33;
	v56 =	vadd.f32 v61, v33;
	v46 =	vadd.s32 v14, v46;
	v51 =	vld [tilespmem:s0+$0xFFFFFD40]  }
0x266: {  	s7 =	simm.s32 $0x13;
	v60 =	vld [tilespmem:s0+$0xFFFFFE40];
	v42 =	vadd.s32 v18, v42;
	v49 =	vadd.s32 v22, v49;
	v39 =	vadd.s32 v22, v39  }
0x267: {  	s8 =	simm.s32 $0x14;
	v54 =	vmov s7;
	v47 =	vadd.s32 v26, v47;
	[tilespmem:v50+s25+$0x0] =	vst.idx.msk $0xffff, v53;
	v50 =	vadd.f32 v57, v33;
	v57 =	vld [tilespmem:s0+$0xFFFFFEC0]  }
0x268: {  	s16 =	simm.s32 $0x15;
	v2 =	vmov s8;
	v41 =	vadd.s32 v6, v41;
	v62 =	vadd.f32 v55, v33;
	v10 =	vld [tilespmem:$0x1FE90];
	[tilespmem:v5+s25+$0x0] =	vst.idx.msk $0xffff, v52  }
0x269: {  	s7 =	simm.s32 $0x16;
	v40 =	vadd.s32 v26, v40;
	v53 =	vmov s16;
	v52 =	vadd.f32 v58, v33;
	v58 =	vld [tilespmem:s0+$0xFFFFFF00];
	[tilespmem:v44+s25+$0x0] =	vst.idx.msk $0xffff, v50  }
0x26a: {  	s8 =	simm.s32 $0x17;
	v43 =	vadd.s32 v6, v43;
	v51 =	vadd.f32 v51, v33;
	v5 =	vmov s7;
	v50 =	vld [tilespmem:s0+$0xFFFFFFC0];
	[tilespmem:v46+s25+$0x0] =	vst.idx.msk $0xffff, v62  }
0x26b: {  	s16 =	simm.s32 $0x18;
	s7 =	simm.s32 $0x19;
	v44 =	vshrl.u32 v3, $0x3;
	[tilespmem:v49+s25+$0x0] =	vst.idx.msk $0xffff, v56;
	v56 =	vmov s8;
	v49 =	vadd.f32 v59, v33;
	v59 =	vld [tilespmem:s0+$0xFFFFFF40]  }
0x26c: {  	v61 =	vmov s7;
	s8 =	simm.s32 $0x1A;
	[tilespmem:v47+s25+$0x0] =	vst.idx.msk $0xffff, v51;
	v47 =	vmov s16;
	v51 =	vadd.f32 v60, v33  }
0x26d: {  	v60 =	vld [tilespmem:s0+$0xFFFFFF80];
	s16 =	simm.s32 $0x1B;
	v46 =	vshrl.u32 v56, $0x3;
	[tilespmem:v41+s25+$0x0] =	vst.idx.msk $0xffff, v52;
	v41 =	vmov s8;
	v55 =	vadd.f32 v57, v33  }
0x26e: {  	v52 =	vld [tilespmem:s0+$0xFFFFFC40];
	[tilespmem:v48+s25+$0x0] =	vst.idx.msk $0xffff, v49;
	v57 =	vmov s16;
	v45 =	vadd.s32 v10, v45;
	v48 =	vadd.f32 v58, v33  }
0x26f: {  	s7 =	simm.s32 $0x1C;
	s16 =	simm.s32 $0x1E;
	v47 =	vshrl.u32 v47, $0x3;
	v37 =	vadd.s32 v10, v37;
	[tilespmem:v42+s25+$0x0] =	vst.idx.msk $0xffff, v55;
	v3 =	vadd.f32 v50, v33  }
0x270: {  	s8 =	simm.s32 $0x1D;
	v62 =	vmov s16;
	v58 =	vmov s7;
	v49 =	vadd.f32 v59, v33;
	[tilespmem:v39+s25+$0x0] =	vst.idx.msk $0xffff, v48  }
0x271: {  	v50 =	vshrl.u32 v4, $0x3;
	v42 =	vshrl.u32 v41, $0x3;
	v59 =	vmov s8;
	[tilespmem:v43+s25+$0x0] =	vst.idx.msk $0xffff, v3  }
0x272: {  	v41 =	vshrl.u32 v58, $0x3;
	v60 =	vadd.f32 v60, v33;
	v48 =	vshrl.u32 v53, $0x3;
	[tilespmem:v40+s25+$0x0] =	vst.idx.msk $0xffff, v49  }
0x273: {  	v43 =	vshrl.u32 v57, $0x3;
	v39 =	vshrl.u32 v59, $0x3;
	v4 =	vadd.f32 v52, v33;
	[tilespmem:v45+s25+$0x0] =	vst.idx.msk $0xffff, v51  }
0x274: {  	v11 =	vmovc v31;
	v49 =	vshrl.u32 v5, $0x3;
	v40 =	vshrl.u32 v62, $0x3;
	v45 =	vshrl.u32 v54, $0x3;
	[tilespmem:v38+s25+$0x0] =	vst.idx.msk $0xffff, v60  }
0x275: {  	s2 =	simm.s32 $0x20;
	v31 =	vmovc v29;
	v9 =	vmovc v63;
	s7 =	simm.s32 $0x1F;
	v51 =	vshrl.u32 v2, $0x3;
	v38 =	vshrl.u32 v61, $0x3;
	[tilespmem:v37+s25+$0x0] =	vst.idx.msk $0xffff, v4;
	v37 =	vbroadcast v0, $0x0  }
.LBB2_9:
0x276: {  	v0 =	vshll.u32 v44, v1;
	v2 =	vshll.u32 v50, v1;
	v30 =	vld [tilespmem:$0x1FE60]  }
0x277: {  	v3 =	vmov s7;
	v4 =	vshll.u32 v45, v1;
	v5 =	vshll.u32 v51, v1;
	s0 =	sadd.s32 $0x400, s0;
	v29 =	vld [tilespmem:$0x1FF80]  }
0x278: {  	v44 =	vshll.u32 v48, v1;
	v45 =	vshll.u32 v49, v1;
	v3 =	vshrl.u32 v3, $0x3;
	v48 =	vld [tilespmem:s0+$0xFFFFFFD0]  }
0x279: {  	v55 =	vshll.u32 v43, v1;
	v43 =	vld [tilespmem:s0+$0xFFFFFC50];
	v50 =	vbroadcast v0, $0x0;
	v3 =	vshll.u32 v3, v1  }
0x27a: {  	v46 =	vshll.u32 v46, v1;
	v53 =	vshll.u32 v47, v1;
	v57 =	vld [tilespmem:s0+$0xFFFFFC90];
	v52 =	vbroadcast v3, $0x0  }
0x27b: {  	v38 =	vshll.u32 v38, v1;
	v54 =	vshll.u32 v42, v1;
	v3 =	vld [tilespmem:s0+$0xFFFFFC10];
	v58 =	vadd.s32 v11, v50  }
0x27c: {  	v0 =	vshll.u32 v41, v1;
	v56 =	vadd.s32 v7, v37;
	v59 =	vld [tilespmem:s0+$0xFFFFFCD0];
	v41 =	vadd.s32 v30, v52  }
0x27d: {  	v51 =	vbroadcast v2, $0x0;
	v2 =	vshll.u32 v39, v1;
	v49 =	vbroadcast v4, $0x0;
	v60 =	vld [tilespmem:s0+$0xFFFFFD10]  }
0x27e: {  	v4 =	vshll.u32 v40, v1;
	v47 =	vbroadcast v5, $0x0;
	v62 =	vld [tilespmem:s0+$0xFFFFFD50];
	v43 =	vadd.f32 v43, v36  }
0x27f: {  	v42 =	vbroadcast v44, $0x0;
	v6 =	vld [tilespmem:s0+$0xFFFFFD90];
	v40 =	vadd.s32 v15, v51;
	v5 =	vadd.f32 v48, v36  }
0x280: {  	v61 =	vadd.s32 v19, v49;
	v48 =	vbroadcast v46, $0x0;
	v46 =	vld [tilespmem:s0+$0xFFFFFE10];
	v3 =	vadd.f32 v3, v36;
	[tilespmem:v58+s25+$0x0] =	vst.idx.msk $0xffff, v43  }
0x281: {  	v39 =	vbroadcast v45, $0x0;
	v63 =	vadd.s32 v23, v47;
	v43 =	vadd.f32 v59, v36;
	v59 =	vld [tilespmem:s0+$0xFFFFFE50];
	[tilespmem:v41+s25+$0x0] =	vst.idx.msk $0xffff, v5  }
0x282: {  	[tilespmem:v56+s25+$0x0] =	vst.idx.msk $0xffff, v3;
	v3 =	vadd.f32 v57, v36;
	v5 =	vadd.s32 v27, v42;
	v41 =	vld [tilespmem:s0+$0xFFFFFFE0]  }
0x283: {  	v44 =	vbroadcast v53, $0x0;
	v53 =	vadd.s32 v32, v52;
	v56 =	vadd.s32 v29, v39;
	v57 =	vld [tilespmem:s0+$0xFFFFFDD0]  }
0x284: {  	v58 =	vadd.s32 v30, v48;
	v30 =	vld [tilespmem:$0x1FE40];
	[tilespmem:v40+s25+$0x0] =	vst.idx.msk $0xffff, v3;
	v3 =	vadd.f32 v60, v36  }
0x285: {  	v45 =	vbroadcast v38, $0x0;
	[tilespmem:v61+s25+$0x0] =	vst.idx.msk $0xffff, v43;
	v43 =	vbroadcast v54, $0x0;
	v54 =	vld [tilespmem:s0+$0xFFFFFED0];
	v40 =	vadd.f32 v62, v36  }
0x286: {  	v38 =	vbroadcast v2, $0x0;
	v60 =	vld [tilespmem:s0+$0xFFFFFE90];
	[tilespmem:v63+s25+$0x0] =	vst.idx.msk $0xffff, v3;
	v3 =	vadd.f32 v6, v36;
	v6 =	vadd.s32 v7, v44  }
0x287: {  	v62 =	vld [tilespmem:s0+$0xFFFFFF50];
	[tilespmem:v5+s25+$0x0] =	vst.idx.msk $0xffff, v40;
	v5 =	vadd.s32 v11, v45;
	v40 =	vbroadcast v55, $0x0;
	v55 =	vadd.f32 v41, v35  }
0x288: {  	[tilespmem:v56+s25+$0x0] =	vst.idx.msk $0xffff, v3;
	v3 =	vadd.f32 v57, v36;
	v56 =	vadd.s32 v15, v43;
	v57 =	vld [tilespmem:s0+$0xFFFFFF10];
	v41 =	vbroadcast v0, $0x0  }
0x289: {  	v0 =	vadd.f32 v46, v36;
	v46 =	vbroadcast v4, $0x0;
	v4 =	vld [tilespmem:s0+$0xFFFFFC60];
	v61 =	vadd.s32 v19, v40;
	[tilespmem:v53+s25+$0x0] =	vst.idx.msk $0xffff, v55  }
0x28a: {  	v2 =	vadd.f32 v59, v36;
	[tilespmem:v58+s25+$0x0] =	vst.idx.msk $0xffff, v3;
	v3 =	vadd.s32 v23, v41;
	v53 =	vld [tilespmem:s0+$0xFFFFFFF0]  }
0x28b: {  	v55 =	vld [tilespmem:s0+$0xFFFFFF90];
	[tilespmem:v6+s25+$0x0] =	vst.idx.msk $0xffff, v0;
	v0 =	vadd.f32 v60, v36;
	v6 =	vadd.s32 v27, v38  }
0x28c: {  	v58 =	vld [tilespmem:s0+$0xFFFFFCE0];
	[tilespmem:v5+s25+$0x0] =	vst.idx.msk $0xffff, v2;
	v2 =	vadd.f32 v54, v36;
	v5 =	vadd.s32 v30, v52  }
0x28d: {  	v54 =	vld [tilespmem:s0+$0xFFFFFCA0];
	[tilespmem:v56+s25+$0x0] =	vst.idx.msk $0xffff, v0;
	v0 =	vadd.f32 v57, v36;
	v56 =	vadd.s32 v29, v46  }
0x28e: {  	v57 =	vadd.s32 v12, v50;
	[tilespmem:v61+s25+$0x0] =	vst.idx.msk $0xffff, v2;
	v2 =	vadd.f32 v62, v36;
	v61 =	vld [tilespmem:$0x1FF50]  }
0x28f: {  	v59 =	vadd.s32 v16, v51;
	v60 =	vld [tilespmem:s0+$0xFFFFFD20];
	[tilespmem:v3+s25+$0x0] =	vst.idx.msk $0xffff, v0;
	v0 =	vadd.f32 v53, v34  }
0x290: {  	v3 =	vadd.s32 v20, v49;
	v53 =	vld [tilespmem:s0+$0xFFFFFD60];
	[tilespmem:v6+s25+$0x0] =	vst.idx.msk $0xffff, v2;
	v2 =	vadd.f32 v55, v36  }
0x291: {  	v4 =	vadd.f32 v4, v35;
	v6 =	vadd.s32 v24, v47;
	v55 =	vld [tilespmem:s0+$0xFFFFFDA0];
	[tilespmem:v5+s25+$0x0] =	vst.idx.msk $0xffff, v0  }
0x292: {  	v0 =	vadd.f32 v54, v35;
	v5 =	vadd.s32 v28, v42;
	[tilespmem:v56+s25+$0x0] =	vst.idx.msk $0xffff, v2;
	v2 =	vld [tilespmem:s0+$0x0]  }
0x293: {  	[tilespmem:v57+s25+$0x0] =	vst.idx.msk $0xffff, v4;
	v4 =	vadd.f32 v58, v35;
	v56 =	vld [tilespmem:s0+$0xFFFFFDE0];
	v54 =	vadd.s32 v61, v39  }
0x294: {  	v52 =	vadd.s32 v31, v52;
	v57 =	vld [tilespmem:s0+$0xFFFFFE20];
	[tilespmem:v59+s25+$0x0] =	vst.idx.msk $0xffff, v0;
	v0 =	vadd.f32 v60, v35  }
0x295: {  	[tilespmem:v3+s25+$0x0] =	vst.idx.msk $0xffff, v4;
	v4 =	vadd.s32 v32, v48;
	v3 =	vadd.f32 v53, v35;
	v53 =	vld [tilespmem:s0+$0xFFFFFE60]  }
0x296: {  	v62 =	vld [tilespmem:s0+$0xFFFFFEA0];
	[tilespmem:v6+s25+$0x0] =	vst.idx.msk $0xffff, v0;
	v0 =	vadd.f32 v55, v35;
	v6 =	vadd.s32 v8, v44  }
0x297: {  	[tilespmem:v5+s25+$0x0] =	vst.idx.msk $0xffff, v3;
	v3 =	vadd.s32 v12, v45;
	v5 =	vld [tilespmem:s0+$0xFFFFFEE0];
	v2 =	vadd.f32 v2, v33  }
0x298: {  	v60 =	vld [tilespmem:s0+$0xFFFFFF20];
	[tilespmem:v54+s25+$0x0] =	vst.idx.msk $0xffff, v0;
	v0 =	vadd.f32 v56, v35;
	v54 =	vadd.s32 v16, v43  }
0x299: {  	v58 =	vadd.s32 v20, v40;
	v59 =	vld [tilespmem:s0+$0xFFFFFF60];
	v57 =	vadd.f32 v57, v35;
	[tilespmem:v52+s25+$0x0] =	vst.idx.msk $0xffff, v2  }
0x29a: {  	[tilespmem:v4+s25+$0x0] =	vst.idx.msk $0xffff, v0;
	v0 =	vadd.f32 v53, v35;
	v2 =	vadd.s32 v24, v41;
	v4 =	vld [tilespmem:s0+$0xFFFFFFA0]  }
0x29b: {  	v52 =	vld [tilespmem:s0+$0xFFFFFC20];
	v53 =	vadd.s32 v28, v38;
	[tilespmem:v6+s25+$0x0] =	vst.idx.msk $0xffff, v57;
	v6 =	vadd.f32 v62, v35  }
0x29c: {  	v55 =	vld [tilespmem:s0+$0xFFFFFC70];
	[tilespmem:v3+s25+$0x0] =	vst.idx.msk $0xffff, v0;
	v0 =	vadd.f32 v5, v35;
	v3 =	vadd.s32 v61, v46  }
0x29d: {  	v29 =	vld [tilespmem:$0x1FFA0];
	v5 =	vadd.s32 v8, v37;
	[tilespmem:v54+s25+$0x0] =	vst.idx.msk $0xffff, v6;
	v6 =	vadd.f32 v60, v35  }
0x29e: {  	v62 =	vld [tilespmem:s0+$0xFFFFFCB0];
	v60 =	vadd.s32 v13, v50;
	[tilespmem:v58+s25+$0x0] =	vst.idx.msk $0xffff, v0;
	v0 =	vadd.f32 v59, v35  }
0x29f: {  	v61 =	vld [tilespmem:s0+$0xFFFFFCF0];
	[tilespmem:v2+s25+$0x0] =	vst.idx.msk $0xffff, v6;
	v2 =	vadd.f32 v4, v35  }
0x2a0: {  	v58 =	vadd.s32 v17, v51;
	v59 =	vld [tilespmem:s0+$0xFFFFFD30];
	v4 =	vadd.f32 v52, v35;
	[tilespmem:v53+s25+$0x0] =	vst.idx.msk $0xffff, v0  }
0x2a1: {  	v6 =	vadd.s32 v21, v49;
	v52 =	vld [tilespmem:s0+$0xFFFFFD70];
	v0 =	vadd.f32 v55, v34;
	[tilespmem:v3+s25+$0x0] =	vst.idx.msk $0xffff, v2  }
0x2a2: {  	v53 =	vadd.s32 v25, v47;
	[tilespmem:v5+s25+$0x0] =	vst.idx.msk $0xffff, v4;
	v4 =	vld [tilespmem:s0+$0xFFFFFDF0]  }
0x2a3: {  	v2 =	vadd.f32 v62, v34;
	v3 =	vadd.s32 v29, v42;
	[tilespmem:v60+s25+$0x0] =	vst.idx.msk $0xffff, v0;
	v60 =	vld [tilespmem:$0x1FF70]  }
0x2a4: {  	v63 =	vld [tilespmem:$0x1FE50];
	v0 =	vadd.f32 v61, v34  }
0x2a5: {  	v56 =	vadd.s32 v30, v48;
	v62 =	vld [tilespmem:s0+$0xFFFFFE70];
	[tilespmem:v58+s25+$0x0] =	vst.idx.msk $0xffff, v2;
	v2 =	vadd.f32 v59, v34  }
0x2a6: {  	v55 =	vld [tilespmem:s0+$0xFFFFFDB0];
	[tilespmem:v6+s25+$0x0] =	vst.idx.msk $0xffff, v0;
	v0 =	vadd.f32 v52, v34  }
0x2a7: {  	v54 =	vld [tilespmem:s0+$0xFFFFFE30];
	[tilespmem:v53+s25+$0x0] =	vst.idx.msk $0xffff, v2;
	v53 =	vadd.s32 v13, v45  }
0x2a8: {  	v61 =	vld [tilespmem:s0+$0xFFFFFEF0];
	[tilespmem:v3+s25+$0x0] =	vst.idx.msk $0xffff, v0;
	v0 =	vadd.f32 v4, v34;
	v5 =	vadd.s32 v60, v39  }
0x2a9: {  	v48 =	vadd.s32 v31, v48;
	v49 =	vadd.s32 v22, v49;
	v52 =	vld [tilespmem:s0+$0xFFFFFEB0]  }
0x2aa: {  	v6 =	vadd.s32 v9, v44;
	[tilespmem:v56+s25+$0x0] =	vst.idx.msk $0xffff, v0;
	v0 =	vadd.f32 v62, v34;
	v62 =	vld [tilespmem:s0+$0xFFFFFC30]  }
0x2ab: {  	v47 =	vadd.s32 v26, v47;
	v57 =	vld [tilespmem:s0+$0xFFFFFFB0];
	v44 =	vadd.s32 v10, v44;
	v2 =	vadd.f32 v55, v34  }
0x2ac: {  	v55 =	vadd.s32 v9, v37;
	v3 =	vadd.s32 v17, v43;
	v4 =	vld [tilespmem:s0+$0xFFFFFF30];
	[tilespmem:v53+s25+$0x0] =	vst.idx.msk $0xffff, v0  }
0x2ad: {  	v0 =	vadd.f32 v61, v34;
	v61 =	vld [tilespmem:s0+$0xFFFFFCC0];
	[tilespmem:v5+s25+$0x0] =	vst.idx.msk $0xffff, v2;
	v2 =	vadd.f32 v54, v34  }
0x2ae: {  	v45 =	vadd.s32 v14, v45;
	v56 =	vadd.s32 v25, v41;
	v5 =	vadd.s32 v21, v40;
	v54 =	vld [tilespmem:s0+$0xFFFFFF70]  }
0x2af: {  	v62 =	vadd.f32 v62, v34;
	[tilespmem:v6+s25+$0x0] =	vst.idx.msk $0xffff, v2;
	v2 =	vadd.f32 v52, v34;
	v52 =	vld [tilespmem:s0+$0xFFFFFC80]  }
0x2b0: {  	v37 =	vadd.s32 v10, v37;
	v41 =	vadd.s32 v26, v41;
	v6 =	vadd.s32 v29, v38;
	v29 =	vld [tilespmem:$0x1FF90]  }
0x2b1: {  	v53 =	vadd.s32 v60, v46;
	v46 =	vadd.s32 v63, v46;
	[tilespmem:v55+s25+$0x0] =	vst.idx.msk $0xffff, v62  }
0x2b2: {  	[tilespmem:v3+s25+$0x0] =	vst.idx.msk $0xffff, v2;
	v2 =	vadd.f32 v4, v34;
	v3 =	vadd.s32 v14, v50;
	v4 =	vld [tilespmem:s0+$0xFFFFFD00]  }
0x2b3: {  	v50 =	vadd.s32 v18, v51;
	v51 =	vld [tilespmem:s0+$0xFFFFFD40];
	[tilespmem:v5+s25+$0x0] =	vst.idx.msk $0xffff, v0;
	v0 =	vadd.f32 v54, v34  }
0x2b4: {  	v60 =	vld [tilespmem:s0+$0xFFFFFD80];
	v61 =	vadd.f32 v61, v33;
	v5 =	vmov s2;
	[tilespmem:v56+s25+$0x0] =	vst.idx.msk $0xffff, v2;
	v2 =	vadd.f32 v57, v34  }
0x2b5: {  	v5 =	vshrl.u32 v5, $0x3;
	[tilespmem:v6+s25+$0x0] =	vst.idx.msk $0xffff, v0;
	v6 =	vadd.f32 v52, v33;
	v52 =	vld [tilespmem:s0+$0xFFFFFDC0];
	v42 =	vadd.s32 v29, v42  }
0x2b6: {  	s16 =	sadd.s32 $0x1, s2;
	v54 =	vld [tilespmem:s0+$0xFFFFFE00];
	v38 =	vadd.s32 v29, v38;
	v5 =	vshll.u32 v5, v1;
	[tilespmem:v53+s25+$0x0] =	vst.idx.msk $0xffff, v2  }
0x2b7: {  	s8 =	sadd.s32 $0x2, s2;
	v0 =	vmov s16;
	s16 =	sadd.s32 $0x3, s2;
	[tilespmem:v3+s25+$0x0] =	vst.idx.msk $0xffff, v6;
	v3 =	vadd.f32 v4, v33;
	v4 =	vadd.s32 v63, v39;
	v6 =	vld [tilespmem:s0+$0xFFFFFE40]  }
0x2b8: {  	v2 =	vmov s8;
	v55 =	vmov s16;
	s8 =	sadd.s32 $0x4, s2;
	s16 =	sadd.s32 $0x5, s2;
	[tilespmem:v50+s25+$0x0] =	vst.idx.msk $0xffff, v61;
	v62 =	vadd.f32 v51, v33;
	v51 =	vld [tilespmem:s0+$0xFFFFFE80]  }
0x2b9: {  	v39 =	vmov s8;
	v53 =	vmov s16;
	s8 =	sadd.s32 $0x6, s2;
	[tilespmem:v49+s25+$0x0] =	vst.idx.msk $0xffff, v3;
	v3 =	vadd.f32 v60, v33;
	v60 =	vld [tilespmem:s0+$0xFFFFFEC0]  }
0x2ba: {  	v50 =	vshrl.u32 v2, $0x3;
	v56 =	vmov s8;
	[tilespmem:v47+s25+$0x0] =	vst.idx.msk $0xffff, v62;
	v47 =	vld [tilespmem:s0+$0xFFFFFFC0];
	v61 =	vadd.f32 v52, v33  }
0x2bb: {  	s16 =	sadd.s32 $0x7, s2;
	s8 =	sadd.s32 $0x8, s2;
	v62 =	vld [tilespmem:s0+$0xFFFFFF00];
	v49 =	vshrl.u32 v56, $0x3;
	[tilespmem:v42+s25+$0x0] =	vst.idx.msk $0xffff, v3;
	v3 =	vadd.f32 v54, v33;
	v42 =	vadd.s32 v18, v43  }
0x2bc: {  	v52 =	vmov s16;
	s16 =	sadd.s32 $0x9, s2;
	v43 =	vld [tilespmem:s0+$0xFFFFFF40];
	v54 =	vmov s8;
	[tilespmem:v4+s25+$0x0] =	vst.idx.msk $0xffff, v61;
	v4 =	vadd.f32 v6, v33  }
0x2bd: {  	v57 =	vmov s16;
	s8 =	sadd.s32 $0xA, s2;
	s16 =	sadd.s32 $0xB, s2;
	v6 =	vadd.s32 v22, v40;
	v40 =	vld [tilespmem:s0+$0xFFFFFF80];
	[tilespmem:v48+s25+$0x0] =	vst.idx.msk $0xffff, v3;
	v3 =	vadd.f32 v51, v33  }
0x2be: {  	v58 =	vmov s8;
	v59 =	vmov s16;
	s16 =	sadd.s32 $0xD, s2;
	v48 =	vld [tilespmem:s0+$0xFFFFFC40];
	[tilespmem:v44+s25+$0x0] =	vst.idx.msk $0xffff, v4;
	v4 =	vadd.f32 v60, v33  }
0x2bf: {  	s8 =	sadd.s32 $0xC, s2;
	v61 =	vmov s16;
	v44 =	vshrl.u32 v0, $0x3;
	v0 =	vadd.f32 v47, v33;
	[tilespmem:v45+s25+$0x0] =	vst.idx.msk $0xffff, v3  }
0x2c0: {  	p0 =	slt.u32 s2, $0x70;
	v51 =	vshrl.u32 v39, $0x3;
	v60 =	vmov s8;
	v3 =	vadd.f32 v62, v33;
	[tilespmem:v42+s25+$0x0] =	vst.idx.msk $0xffff, v4  }
.Ltmp4:
0x2c1: {  	s8 =	sadd.s32 $0xE, s2;
	v47 =	vshrl.u32 v54, $0x3;
	v39 =	vshrl.u32 v61, $0x3;
	v4 =	vadd.f32 v43, v33;
	[tilespmem:v46+s25+$0x0] =	vst.idx.msk $0xffff, v0;
	(pc) =	sbr.rel @p0 .LBB2_9-.Ltmp4, $4  }
0x2c2: {  	v62 =	vmov s8;
	v45 =	vshrl.u32 v55, $0x3;
	[tilespmem:v6+s25+$0x0] =	vst.idx.msk $0xffff, v3;
	v3 =	vadd.f32 v40, v33  }
0x2c3: {  	v46 =	vshrl.u32 v52, $0x3;
	v42 =	vshrl.u32 v58, $0x3;
	[tilespmem:v41+s25+$0x0] =	vst.idx.msk $0xffff, v4;
	v2 =	vadd.f32 v48, v33  }
0x2c4: {  	v43 =	vshrl.u32 v59, $0x3;
	v40 =	vshrl.u32 v62, $0x3;
	v48 =	vshrl.u32 v53, $0x3;
	[tilespmem:v38+s25+$0x0] =	vst.idx.msk $0xffff, v3  }
0x2c5: {  	s7 =	sadd.s32 $0xF, s2;
	s2 =	sadd.s32 $0x10, s2;
	v41 =	vshrl.u32 v60, $0x3;
	v38 =	vshrl.u32 v57, $0x3;
	[tilespmem:v37+s25+$0x0] =	vst.idx.msk $0xffff, v2;
	v37 =	vbroadcast v5, $0x0  }
0x2c6: {  	v0 =	vshll.u32 v44, v1;
	v2 =	vshll.u32 v50, v1;
	s0 =	sadd.s32 $0x400, s0;
	v29 =	vld [tilespmem:$0x1FE60]  }
0x2c7: {  	v3 =	vmov s7;
	v4 =	vshll.u32 v45, v1;
	v5 =	vshll.u32 v51, v1;
	v60 =	vld [tilespmem:s0+$0xFFFFFFD0]  }
0x2c8: {  	v6 =	vshll.u32 v48, v1;
	v44 =	vshll.u32 v49, v1;
	v3 =	vshrl.u32 v3, $0x3;
	v61 =	vld [tilespmem:s0+$0xFFFFFC10]  }
0x2c9: {  	v49 =	vshll.u32 v38, v1;
	v62 =	vld [tilespmem:s0+$0xFFFFFC50];
	v38 =	vbroadcast v0, $0x0;
	v3 =	vshll.u32 v3, v1  }
0x2ca: {  	v0 =	vshll.u32 v41, v1;
	v53 =	vadd.s32 v7, v37;
	v3 =	vbroadcast v3, $0x0  }
0x2cb: {  	v41 =	vbroadcast v2, $0x0;
	v2 =	vshll.u32 v39, v1;
	v55 =	vadd.s32 v11, v38  }
0x2cc: {  	v39 =	vbroadcast v4, $0x0;
	v4 =	vshll.u32 v40, v1;
	v52 =	vadd.s32 v29, v3  }
0x2cd: {  	v54 =	vld [tilespmem:s0+$0xFFFFFC90];
	v40 =	vbroadcast v5, $0x0;
	v5 =	vadd.f32 v60, v36;
	v60 =	vadd.f32 v61, v36  }
0x2ce: {  	v50 =	vshll.u32 v42, v1;
	v56 =	vld [tilespmem:s0+$0xFFFFFCD0];
	v42 =	vbroadcast v6, $0x0;
	v6 =	vadd.f32 v62, v36  }
0x2cf: {  	v58 =	vld [tilespmem:s0+$0xFFFFFD10];
	v57 =	vadd.s32 v15, v41;
	[tilespmem:v53+s25+$0x0] =	vst.idx.msk $0xffff, v60  }
0x2d0: {  	v59 =	vld [tilespmem:s0+$0xFFFFFD50];
	v48 =	vadd.s32 v19, v39;
	[tilespmem:v55+s25+$0x0] =	vst.idx.msk $0xffff, v6  }
0x2d1: {  	v45 =	vshll.u32 v46, v1;
	[tilespmem:v52+s25+$0x0] =	vst.idx.msk $0xffff, v5;
	v5 =	vadd.s32 v23, v40;
	v52 =	vld [tilespmem:s0+$0xFFFFFD90]  }
0x2d2: {  	v46 =	vshll.u32 v47, v1;
	v51 =	vshll.u32 v43, v1;
	v47 =	vadd.f32 v54, v36;
	v62 =	vld [tilespmem:$0x1FF80]  }
0x2d3: {  	v43 =	vbroadcast v44, $0x0;
	v53 =	vadd.s32 v27, v42;
	v6 =	vadd.f32 v56, v36;
	v54 =	vld [tilespmem:s0+$0xFFFFFFE0]  }
0x2d4: {  	v44 =	vbroadcast v45, $0x0;
	v45 =	vbroadcast v46, $0x0;
	[tilespmem:v57+s25+$0x0] =	vst.idx.msk $0xffff, v47;
	v47 =	vadd.f32 v58, v36;
	v57 =	vld [tilespmem:s0+$0xFFFFFE10]  }
0x2d5: {  	v58 =	vadd.s32 v32, v3;
	[tilespmem:v48+s25+$0x0] =	vst.idx.msk $0xffff, v6;
	v6 =	vadd.f32 v59, v36  }
0x2d6: {  	v46 =	vbroadcast v49, $0x0;
	v60 =	vld [tilespmem:s0+$0xFFFFFE50];
	[tilespmem:v5+s25+$0x0] =	vst.idx.msk $0xffff, v47;
	v5 =	vadd.f32 v52, v36;
	v52 =	vadd.s32 v7, v45  }
0x2d7: {  	v56 =	vld [tilespmem:s0+$0xFFFFFDD0];
	v55 =	vadd.s32 v62, v43  }
0x2d8: {  	[tilespmem:v53+s25+$0x0] =	vst.idx.msk $0xffff, v6;
	v6 =	vadd.s32 v11, v46;
	v47 =	vbroadcast v50, $0x0;
	v50 =	vadd.f32 v54, v35  }
0x2d9: {  	v49 =	vbroadcast v0, $0x0;
	v59 =	vadd.s32 v29, v44;
	v0 =	vadd.f32 v57, v36  }
0x2da: {  	[tilespmem:v58+s25+$0x0] =	vst.idx.msk $0xffff, v50  }
0x2db: {  	v61 =	vld [tilespmem:s0+$0xFFFFFE90];
	v50 =	vbroadcast v2, $0x0;
	v2 =	vadd.f32 v60, v36;
	[tilespmem:v52+s25+$0x0] =	vst.idx.msk $0xffff, v0  }
0x2dc: {  	v48 =	vbroadcast v51, $0x0;
	v53 =	vld [tilespmem:s0+$0xFFFFFED0];
	[tilespmem:v55+s25+$0x0] =	vst.idx.msk $0xffff, v5;
	v5 =	vadd.f32 v56, v36  }
0x2dd: {  	v57 =	vld [tilespmem:s0+$0xFFFFFF50];
	v54 =	vadd.s32 v15, v47;
	[tilespmem:v6+s25+$0x0] =	vst.idx.msk $0xffff, v2  }
0x2de: {  	v55 =	vld [tilespmem:s0+$0xFFFFFF10];
	v56 =	vadd.s32 v19, v48;
	[tilespmem:v59+s25+$0x0] =	vst.idx.msk $0xffff, v5  }
0x2df: {  	v30 =	vld [tilespmem:$0x1FE40]  }
0x2e0: {  	v51 =	vbroadcast v4, $0x0;
	v0 =	vadd.f32 v61, v36;
	v52 =	vadd.s32 v27, v50;
	v59 =	vld [tilespmem:s0+$0xFFFFFF90]  }
0x2e1: {  	v4 =	vadd.f32 v53, v36;
	v2 =	vld [tilespmem:s0+$0xFFFFFC60];
	v5 =	vadd.s32 v23, v49  }
0x2e2: {  	v58 =	vld [tilespmem:s0+$0xFFFFFFF0];
	[tilespmem:v54+s25+$0x0] =	vst.idx.msk $0xffff, v0;
	v54 =	vadd.s32 v62, v51  }
0x2e3: {  	v60 =	vadd.f32 v57, v36;
	[tilespmem:v56+s25+$0x0] =	vst.idx.msk $0xffff, v4;
	v4 =	vadd.s32 v12, v38  }
0x2e4: {  	v61 =	vadd.f32 v55, v36;
	v6 =	vadd.s32 v30, v3  }
0x2e5: {  	[tilespmem:v52+s25+$0x0] =	vst.idx.msk $0xffff, v60;
	v60 =	vadd.f32 v59, v36  }
0x2e6: {  	v53 =	vld [tilespmem:s0+$0xFFFFFD20];
	v2 =	vadd.f32 v2, v35;
	[tilespmem:v5+s25+$0x0] =	vst.idx.msk $0xffff, v61  }
0x2e7: {  	v0 =	vld [tilespmem:s0+$0xFFFFFCA0];
	v61 =	vadd.f32 v58, v34;
	[tilespmem:v54+s25+$0x0] =	vst.idx.msk $0xffff, v60  }
0x2e8: {  	v55 =	vld [tilespmem:s0+$0xFFFFFCE0];
	[tilespmem:v4+s25+$0x0] =	vst.idx.msk $0xffff, v2  }
0x2e9: {  	v56 =	vld [tilespmem:s0+$0xFFFFFD60];
	v5 =	vadd.s32 v16, v41;
	[tilespmem:v6+s25+$0x0] =	vst.idx.msk $0xffff, v61  }
0x2ea: {  	v52 =	vadd.s32 v20, v39;
	v58 =	vld [tilespmem:$0x1FF50]  }
0x2eb: {  	v6 =	vadd.s32 v24, v40;
	v61 =	vld [tilespmem:s0+$0xFFFFFDA0]  }
0x2ec: {  	v0 =	vadd.f32 v0, v35;
	v54 =	vld [tilespmem:s0+$0x0]  }
0x2ed: {  	v60 =	vadd.s32 v28, v42;
	v2 =	vadd.f32 v55, v35  }
0x2ee: {  	v3 =	vadd.s32 v31, v3;
	[tilespmem:v5+s25+$0x0] =	vst.idx.msk $0xffff, v0;
	v0 =	vadd.f32 v53, v35;
	v5 =	vld [tilespmem:s0+$0xFFFFFE20]  }
0x2ef: {  	v55 =	vld [tilespmem:s0+$0xFFFFFDE0];
	[tilespmem:v52+s25+$0x0] =	vst.idx.msk $0xffff, v2;
	v2 =	vadd.f32 v56, v35;
	v4 =	vadd.s32 v58, v43  }
0x2f0: {  	[tilespmem:v6+s25+$0x0] =	vst.idx.msk $0xffff, v0;
	v0 =	vadd.f32 v61, v35;
	v6 =	vadd.s32 v8, v45;
	v61 =	vld [tilespmem:s0+$0xFFFFFEA0]  }
0x2f1: {  	v52 =	vadd.s32 v32, v44;
	v53 =	vld [tilespmem:s0+$0xFFFFFE60];
	v54 =	vadd.f32 v54, v33  }
0x2f2: {  	[tilespmem:v60+s25+$0x0] =	vst.idx.msk $0xffff, v2  }
0x2f3: {  	v2 =	vadd.s32 v12, v46;
	v60 =	vld [tilespmem:s0+$0xFFFFFEE0];
	v5 =	vadd.f32 v5, v35;
	[tilespmem:v3+s25+$0x0] =	vst.idx.msk $0xffff, v54  }
0x2f4: {  	v54 =	vld [tilespmem:s0+$0xFFFFFF60];
	[tilespmem:v4+s25+$0x0] =	vst.idx.msk $0xffff, v0;
	v0 =	vadd.f32 v55, v35;
	v4 =	vadd.s32 v16, v47  }
0x2f5: {  	v3 =	vadd.s32 v20, v48;
	[tilespmem:v6+s25+$0x0] =	vst.idx.msk $0xffff, v5;
	v6 =	vadd.f32 v61, v35;
	v55 =	vld [tilespmem:s0+$0xFFFFFF20]  }
0x2f6: {  	v61 =	vadd.s32 v28, v50;
	[tilespmem:v52+s25+$0x0] =	vst.idx.msk $0xffff, v0;
	v0 =	vadd.f32 v53, v35;
	v53 =	vld [tilespmem:s0+$0xFFFFFFA0]  }
0x2f7: {  	v5 =	vld [tilespmem:s0+$0xFFFFFC20];
	v52 =	vadd.s32 v24, v49  }
0x2f8: {  	[tilespmem:v2+s25+$0x0] =	vst.idx.msk $0xffff, v0;
	v0 =	vld [tilespmem:s0+$0xFFFFFC70];
	v2 =	vadd.f32 v60, v35;
	v60 =	vadd.s32 v58, v51  }
0x2f9: {  	v54 =	vadd.f32 v54, v35;
	[tilespmem:v4+s25+$0x0] =	vst.idx.msk $0xffff, v6;
	v4 =	vadd.s32 v8, v37  }
0x2fa: {  	v55 =	vadd.f32 v55, v35;
	[tilespmem:v3+s25+$0x0] =	vst.idx.msk $0xffff, v2;
	v2 =	vadd.s32 v13, v38  }
0x2fb: {  	[tilespmem:v61+s25+$0x0] =	vst.idx.msk $0xffff, v54;
	v53 =	vadd.f32 v53, v35  }
0x2fc: {  	v5 =	vadd.f32 v5, v35;
	[tilespmem:v52+s25+$0x0] =	vst.idx.msk $0xffff, v55  }
0x2fd: {  	v6 =	vld [tilespmem:s0+$0xFFFFFCB0];
	v0 =	vadd.f32 v0, v34;
	[tilespmem:v60+s25+$0x0] =	vst.idx.msk $0xffff, v53  }
0x2fe: {  	v3 =	vld [tilespmem:s0+$0xFFFFFCF0];
	[tilespmem:v4+s25+$0x0] =	vst.idx.msk $0xffff, v5  }
0x2ff: {  	v29 =	vld [tilespmem:$0x1FFA0];
	[tilespmem:v2+s25+$0x0] =	vst.idx.msk $0xffff, v0  }
0x300: {  	v56 =	vld [tilespmem:$0x1FF70]  }
0x301: {  	v52 =	vadd.s32 v17, v41;
	v55 =	vld [tilespmem:s0+$0xFFFFFD30]  }
0x302: {  	v61 =	vld [tilespmem:s0+$0xFFFFFD70];
	v35 =	vadd.s32 v21, v39  }
0x303: {  	v36 =	vadd.s32 v25, v40;
	v60 =	vld [tilespmem:s0+$0xFFFFFDB0]  }
0x304: {  	v4 =	vadd.f32 v6, v34;
	v6 =	vld [tilespmem:s0+$0xFFFFFDF0];
	v5 =	vadd.s32 v29, v42  }
0x305: {  	v0 =	vadd.f32 v3, v34;
	v3 =	vld [tilespmem:s0+$0xFFFFFE30];
	v2 =	vadd.s32 v56, v43  }
0x306: {  	[tilespmem:v52+s25+$0x0] =	vst.idx.msk $0xffff, v4;
	v4 =	vadd.f32 v55, v34;
	v52 =	vadd.s32 v30, v44;
	v55 =	vld [tilespmem:s0+$0xFFFFFE70]  }
0x307: {  	v57 =	vld [tilespmem:s0+$0xFFFFFEB0];
	[tilespmem:v35+s25+$0x0] =	vst.idx.msk $0xffff, v0;
	v0 =	vadd.f32 v61, v34;
	v61 =	vadd.s32 v9, v45  }
0x308: {  	v59 =	vadd.s32 v13, v46;
	[tilespmem:v36+s25+$0x0] =	vst.idx.msk $0xffff, v4;
	v4 =	vadd.f32 v60, v34;
	v60 =	vld [tilespmem:s0+$0xFFFFFEF0]  }
0x309: {  	[tilespmem:v5+s25+$0x0] =	vst.idx.msk $0xffff, v0;
	v0 =	vadd.f32 v6, v34;
	v5 =	vadd.s32 v17, v47;
	v6 =	vld [tilespmem:s0+$0xFFFFFF30]  }
0x30a: {  	[tilespmem:v2+s25+$0x0] =	vst.idx.msk $0xffff, v4;
	v2 =	vadd.f32 v3, v34;
	v3 =	vadd.s32 v21, v48;
	v4 =	vld [tilespmem:s0+$0xFFFFFF70]  }
0x30b: {  	[tilespmem:v52+s25+$0x0] =	vst.idx.msk $0xffff, v0;
	v0 =	vadd.f32 v55, v34;
	v52 =	vadd.s32 v25, v49;
	v55 =	vld [tilespmem:s0+$0xFFFFFFB0]  }
0x30c: {  	v54 =	vadd.s32 v29, v50;
	[tilespmem:v61+s25+$0x0] =	vst.idx.msk $0xffff, v2;
	v2 =	vld [tilespmem:s0+$0xFFFFFC30];
	v61 =	vadd.f32 v57, v34  }
0x30d: {  	v57 =	vadd.f32 v60, v34;
	[tilespmem:v59+s25+$0x0] =	vst.idx.msk $0xffff, v0;
	v59 =	vadd.s32 v56, v51  }
0x30e: {  	[tilespmem:v5+s25+$0x0] =	vst.idx.msk $0xffff, v61;
	v5 =	vadd.s32 v9, v37;
	v6 =	vadd.f32 v6, v34  }
0x30f: {  	[tilespmem:v3+s25+$0x0] =	vst.idx.msk $0xffff, v57;
	v4 =	vadd.f32 v4, v34  }
0x310: {  	[tilespmem:v52+s25+$0x0] =	vst.idx.msk $0xffff, v6;
	v52 =	vadd.f32 v55, v34  }
0x311: {  	[tilespmem:v54+s25+$0x0] =	vst.idx.msk $0xffff, v4;
	v2 =	vadd.f32 v2, v34  }
0x312: {  	v60 =	vld [tilespmem:s0+$0xFFFFFCC0];
	[tilespmem:v59+s25+$0x0] =	vst.idx.msk $0xffff, v52  }
0x313: {  	v0 =	vld [tilespmem:s0+$0xFFFFFC80];
	[tilespmem:v5+s25+$0x0] =	vst.idx.msk $0xffff, v2  }
0x314: {  	v30 =	vld [tilespmem:$0x1FF90]  }
0x315: {  	v61 =	vld [tilespmem:s0+$0xFFFFFD00];
	v3 =	vadd.s32 v14, v38  }
0x316: {  	v38 =	vld [tilespmem:s0+$0xFFFFFD40];
	v6 =	vadd.s32 v18, v41  }
0x317: {  	v55 =	vld [tilespmem:s0+$0xFFFFFD80];
	v4 =	vadd.s32 v22, v39  }
0x318: {  	v57 =	vadd.s32 v26, v40;
	v0 =	vadd.f32 v0, v33;
	v59 =	vld [tilespmem:s0+$0xFFFFFDC0]  }
0x319: {  	v2 =	vadd.f32 v60, v33;
	v60 =	vld [tilespmem:s0+$0xFFFFFE00];
	v5 =	vadd.s32 v30, v42  }
0x31a: {  	[tilespmem:v3+s25+$0x0] =	vst.idx.msk $0xffff, v0;
	v0 =	vadd.f32 v61, v33;
	v3 =	vadd.s32 v63, v43;
	v61 =	vld [tilespmem:s0+$0xFFFFFE40]  }
0x31b: {  	[tilespmem:v6+s25+$0x0] =	vst.idx.msk $0xffff, v2;
	v2 =	vadd.f32 v38, v33;
	v6 =	vadd.s32 v31, v44;
	v44 =	vld [tilespmem:s0+$0xFFFFFE80]  }
0x31c: {  	v52 =	vld [tilespmem:s0+$0xFFFFFEC0];
	[tilespmem:v4+s25+$0x0] =	vst.idx.msk $0xffff, v0;
	v0 =	vadd.f32 v55, v33;
	v4 =	vadd.s32 v10, v45  }
0x31d: {  	v53 =	vadd.s32 v14, v46;
	v54 =	vld [tilespmem:s0+$0xFFFFFF00];
	[tilespmem:v57+s25+$0x0] =	vst.idx.msk $0xffff, v2;
	v2 =	vadd.f32 v59, v33  }
0x31e: {  	v55 =	vld [tilespmem:s0+$0xFFFFFF40];
	[tilespmem:v5+s25+$0x0] =	vst.idx.msk $0xffff, v0;
	v0 =	vadd.f32 v60, v33;
	v5 =	vadd.s32 v18, v47  }
0x31f: {  	v57 =	vld [tilespmem:s0+$0xFFFFFF80];
	[tilespmem:v3+s25+$0x0] =	vst.idx.msk $0xffff, v2;
	v2 =	vadd.f32 v61, v33;
	v3 =	vadd.s32 v22, v48  }
0x320: {  	v59 =	vld [tilespmem:s0+$0xFFFFFFC0];
	[tilespmem:v6+s25+$0x0] =	vst.idx.msk $0xffff, v0;
	v0 =	vadd.f32 v44, v33;
	v6 =	vadd.s32 v26, v49  }
0x321: {  	[tilespmem:v4+s25+$0x0] =	vst.idx.msk $0xffff, v2;
	v2 =	vld [tilespmem:s0+$0xFFFFFC40];
	v4 =	vadd.f32 v52, v33;
	v60 =	vadd.s32 v30, v50  }
0x322: {  	v61 =	vadd.s32 v63, v51;
	[tilespmem:v53+s25+$0x0] =	vst.idx.msk $0xffff, v0;
	v0 =	vadd.f32 v54, v33  }
0x323: {  	[tilespmem:v5+s25+$0x0] =	vst.idx.msk $0xffff, v4;
	v4 =	vadd.s32 v10, v37;
	v5 =	vadd.f32 v55, v33  }
0x324: {  	[tilespmem:v3+s25+$0x0] =	vst.idx.msk $0xffff, v0;
	v0 =	vadd.f32 v57, v33  }
0x325: {  	s16 =	sshll.u32 s31, $0x12;
	v3 =	vadd.f32 v59, v33;
	[tilespmem:v6+s25+$0x0] =	vst.idx.msk $0xffff, v5  }
0x326: {  	s0 =	sor.u32 s5, s16;
	[tilespmem:v60+s25+$0x0] =	vst.idx.msk $0xffff, v0;
	v0 =	vadd.f32 v2, v33  }
0x327: {  	s0 =	sshrl.u32 s0, $0x3;
	[tilespmem:v61+s25+$0x0] =	vst.idx.msk $0xffff, v3  }
0x328: {  	s2 =	sadd.s32 s3, s0;
	[tilespmem:v4+s25+$0x0] =	vst.idx.msk $0xffff, v0  }
0x329: {  	[hbm4b:s2+s4] =	stream.linear.scatter [tilespmem:s25], [sflag:$0x4], $0x80, $0x38;
	[tilespmem:$0xB700] =	vst v63  }
0x32a: {  	s8 =	simm.s32 $0x9588;
	s31 =	sadd.s32 $0x10, s2  }
0x32b: {  	[hbm4b:s31+s4] =	stream.linear.scatter [tilespmem:s8], [sflag:$0x4], $0x80, $0x38;
	[tilespmem:$0xB700] =	vst v63  }
0x32c: {  	s16 =	sadd.s32 $0x20, s2;
	s31 =	simm.s32 $0x9610  }
0x32d: {  	[hbm4b:s16+s4] =	stream.linear.scatter [tilespmem:s31], [sflag:$0x4], $0x80, $0x38;
	[tilespmem:$0xB700] =	vst v63  }
0x32e: {  	s16 =	sadd.s32 $0x30, s2;
	s31 =	simm.s32 $0x9698  }
0x32f: {  	[hbm4b:s16+s4] =	stream.linear.scatter [tilespmem:s31], [sflag:$0x4], $0x80, $0x38;
	[tilespmem:$0xB700] =	vst v63  }
0x330: {  	s16 =	sadd.s32 $0x40, s2;
	s31 =	simm.s32 $0x9720  }
0x331: {  	[hbm4b:s16+s4] =	stream.linear.scatter [tilespmem:s31], [sflag:$0x4], $0x80, $0x38;
	[tilespmem:$0xB700] =	vst v63  }
0x332: {  	s16 =	sadd.s32 $0x50, s2;
	s31 =	simm.s32 $0x97A8  }
0x333: {  	[hbm4b:s16+s4] =	stream.linear.scatter [tilespmem:s31], [sflag:$0x4], $0x80, $0x38;
	[tilespmem:$0xB700] =	vst v63  }
0x334: {  	s8 =	sadd.s32 $0x60, s2;
	s16 =	simm.s32 $0x9830  }
0x335: {  	[hbm4b:s8+s4] =	stream.linear.scatter [tilespmem:s16], [sflag:$0x4], $0x80, $0x38;
	[tilespmem:$0xB700] =	vst v63  }
0x336: {  	s2 =	sadd.s32 $0x70, s2;
	s31 =	simm.s32 $0x98B8  }
0x337: {  	[hbm4b:s2+s4] =	stream.linear.scatter [tilespmem:s31], [sflag:$0x4], $0x80, $0x38;
	[tilespmem:$0xB700] =	vst v63  }
0x338: {  	s8 =	simm.s32 $0x9940;
	s2 =	sadd.s32 s0, s9  }
0x339: {  	[hbm4b:s2+s4] =	stream.linear.scatter [tilespmem:s8], [sflag:$0x4], $0x80, $0x38;
	[tilespmem:$0xB700] =	vst v63  }
0x33a: {  	s31 =	simm.s32 $0x99C8;
	s16 =	sadd.s32 $0x10, s2  }
0x33b: {  	[hbm4b:s16+s4] =	stream.linear.scatter [tilespmem:s31], [sflag:$0x4], $0x80, $0x38;
	[tilespmem:$0xB700] =	vst v63  }
0x33c: {  	s16 =	sadd.s32 $0x20, s2;
	s31 =	simm.s32 $0x9A50  }
0x33d: {  	[hbm4b:s16+s4] =	stream.linear.scatter [tilespmem:s31], [sflag:$0x4], $0x80, $0x38;
	[tilespmem:$0xB700] =	vst v63  }
0x33e: {  	s16 =	sadd.s32 $0x30, s2;
	s31 =	simm.s32 $0x9AD8  }
0x33f: {  	[hbm4b:s16+s4] =	stream.linear.scatter [tilespmem:s31], [sflag:$0x4], $0x80, $0x38;
	[tilespmem:$0xB700] =	vst v63  }
0x340: {  	s16 =	sadd.s32 $0x40, s2;
	s31 =	simm.s32 $0x9B60  }
0x341: {  	[hbm4b:s16+s4] =	stream.linear.scatter [tilespmem:s31], [sflag:$0x4], $0x80, $0x38;
	[tilespmem:$0xB700] =	vst v63  }
0x342: {  	s16 =	sadd.s32 $0x50, s2;
	s31 =	simm.s32 $0x9BE8  }
0x343: {  	[hbm4b:s16+s4] =	stream.linear.scatter [tilespmem:s31], [sflag:$0x4], $0x80, $0x38;
	[tilespmem:$0xB700] =	vst v63  }
0x344: {  	s8 =	sadd.s32 $0x60, s2;
	s16 =	simm.s32 $0x9C70  }
0x345: {  	[hbm4b:s8+s4] =	stream.linear.scatter [tilespmem:s16], [sflag:$0x4], $0x80, $0x38;
	[tilespmem:$0xB700] =	vst v63  }
0x346: {  	s2 =	sadd.s32 $0x70, s2;
	s31 =	simm.s32 $0x9CF8  }
0x347: {  	[hbm4b:s2+s4] =	stream.linear.scatter [tilespmem:s31], [sflag:$0x4], $0x80, $0x38;
	[tilespmem:$0xB700] =	vst v63  }
0x348: {  	s8 =	simm.s32 $0x9D80;
	s2 =	sadd.s32 s0, s10  }
0x349: {  	[hbm4b:s2+s4] =	stream.linear.scatter [tilespmem:s8], [sflag:$0x4], $0x80, $0x38;
	[tilespmem:$0xB700] =	vst v63  }
0x34a: {  	s31 =	simm.s32 $0x9E08;
	s16 =	sadd.s32 $0x10, s2  }
0x34b: {  	[hbm4b:s16+s4] =	stream.linear.scatter [tilespmem:s31], [sflag:$0x4], $0x80, $0x38;
	[tilespmem:$0xB700] =	vst v63  }
0x34c: {  	s16 =	sadd.s32 $0x20, s2;
	s31 =	simm.s32 $0x9E90  }
0x34d: {  	[hbm4b:s16+s4] =	stream.linear.scatter [tilespmem:s31], [sflag:$0x4], $0x80, $0x38;
	[tilespmem:$0xB700] =	vst v63  }
0x34e: {  	s16 =	sadd.s32 $0x30, s2;
	s31 =	simm.s32 $0x9F18  }
0x34f: {  	[hbm4b:s16+s4] =	stream.linear.scatter [tilespmem:s31], [sflag:$0x4], $0x80, $0x38;
	[tilespmem:$0xB700] =	vst v63  }
0x350: {  	s16 =	sadd.s32 $0x40, s2;
	s31 =	simm.s32 $0x9FA0  }
0x351: {  	[hbm4b:s16+s4] =	stream.linear.scatter [tilespmem:s31], [sflag:$0x4], $0x80, $0x38;
	[tilespmem:$0xB700] =	vst v63  }
0x352: {  	s16 =	sadd.s32 $0x50, s2;
	s31 =	simm.s32 $0xA028  }
0x353: {  	[hbm4b:s16+s4] =	stream.linear.scatter [tilespmem:s31], [sflag:$0x4], $0x80, $0x38;
	[tilespmem:$0xB700] =	vst v63  }
0x354: {  	s8 =	sadd.s32 $0x60, s2;
	s16 =	simm.s32 $0xA0B0  }
0x355: {  	[hbm4b:s8+s4] =	stream.linear.scatter [tilespmem:s16], [sflag:$0x4], $0x80, $0x38;
	[tilespmem:$0xB700] =	vst v63  }
0x356: {  	s2 =	sadd.s32 $0x70, s2;
	s31 =	simm.s32 $0xA138  }
0x357: {  	[hbm4b:s2+s4] =	stream.linear.scatter [tilespmem:s31], [sflag:$0x4], $0x80, $0x38;
	[tilespmem:$0xB700] =	vst v63  }
0x358: {  	s8 =	simm.s32 $0xA1C0;
	s2 =	sadd.s32 s0, s11  }
0x359: {  	[hbm4b:s2+s4] =	stream.linear.scatter [tilespmem:s8], [sflag:$0x4], $0x80, $0x38;
	[tilespmem:$0xB700] =	vst v63  }
0x35a: {  	s31 =	simm.s32 $0xA248;
	s16 =	sadd.s32 $0x10, s2  }
0x35b: {  	[hbm4b:s16+s4] =	stream.linear.scatter [tilespmem:s31], [sflag:$0x4], $0x80, $0x38;
	[tilespmem:$0xB700] =	vst v63  }
0x35c: {  	s16 =	sadd.s32 $0x20, s2;
	s31 =	simm.s32 $0xA2D0  }
0x35d: {  	[hbm4b:s16+s4] =	stream.linear.scatter [tilespmem:s31], [sflag:$0x4], $0x80, $0x38;
	[tilespmem:$0xB700] =	vst v63  }
0x35e: {  	s16 =	sadd.s32 $0x30, s2;
	s31 =	simm.s32 $0xA358  }
0x35f: {  	[hbm4b:s16+s4] =	stream.linear.scatter [tilespmem:s31], [sflag:$0x4], $0x80, $0x38;
	[tilespmem:$0xB700] =	vst v63  }
0x360: {  	s16 =	sadd.s32 $0x40, s2;
	s31 =	simm.s32 $0xA3E0  }
0x361: {  	[hbm4b:s16+s4] =	stream.linear.scatter [tilespmem:s31], [sflag:$0x4], $0x80, $0x38;
	[tilespmem:$0xB700] =	vst v63  }
0x362: {  	s16 =	sadd.s32 $0x50, s2;
	s31 =	simm.s32 $0xA468  }
0x363: {  	[hbm4b:s16+s4] =	stream.linear.scatter [tilespmem:s31], [sflag:$0x4], $0x80, $0x38;
	[tilespmem:$0xB700] =	vst v63  }
0x364: {  	s8 =	sadd.s32 $0x60, s2;
	s16 =	simm.s32 $0xA4F0  }
0x365: {  	[hbm4b:s8+s4] =	stream.linear.scatter [tilespmem:s16], [sflag:$0x4], $0x80, $0x38;
	[tilespmem:$0xB700] =	vst v63  }
0x366: {  	s2 =	sadd.s32 $0x70, s2;
	s31 =	simm.s32 $0xA578  }
0x367: {  	[hbm4b:s2+s4] =	stream.linear.scatter [tilespmem:s31], [sflag:$0x4], $0x80, $0x38;
	[tilespmem:$0xB700] =	vst v63  }
0x368: {  	s8 =	simm.s32 $0xA600;
	s2 =	sadd.s32 s0, s12  }
0x369: {  	[hbm4b:s2+s4] =	stream.linear.scatter [tilespmem:s8], [sflag:$0x4], $0x80, $0x38;
	[tilespmem:$0xB700] =	vst v63  }
0x36a: {  	s31 =	simm.s32 $0xA688;
	s16 =	sadd.s32 $0x10, s2  }
0x36b: {  	[hbm4b:s16+s4] =	stream.linear.scatter [tilespmem:s31], [sflag:$0x4], $0x80, $0x38;
	[tilespmem:$0xB700] =	vst v63  }
0x36c: {  	s16 =	sadd.s32 $0x20, s2;
	s31 =	simm.s32 $0xA710  }
0x36d: {  	[hbm4b:s16+s4] =	stream.linear.scatter [tilespmem:s31], [sflag:$0x4], $0x80, $0x38;
	[tilespmem:$0xB700] =	vst v63  }
0x36e: {  	s16 =	sadd.s32 $0x30, s2;
	s31 =	simm.s32 $0xA798  }
0x36f: {  	[hbm4b:s16+s4] =	stream.linear.scatter [tilespmem:s31], [sflag:$0x4], $0x80, $0x38;
	[tilespmem:$0xB700] =	vst v63  }
0x370: {  	s16 =	sadd.s32 $0x40, s2;
	s31 =	simm.s32 $0xA820  }
0x371: {  	[hbm4b:s16+s4] =	stream.linear.scatter [tilespmem:s31], [sflag:$0x4], $0x80, $0x38;
	[tilespmem:$0xB700] =	vst v63  }
0x372: {  	s16 =	sadd.s32 $0x50, s2;
	s31 =	simm.s32 $0xA8A8  }
0x373: {  	[hbm4b:s16+s4] =	stream.linear.scatter [tilespmem:s31], [sflag:$0x4], $0x80, $0x38;
	[tilespmem:$0xB700] =	vst v63  }
0x374: {  	s8 =	sadd.s32 $0x60, s2;
	s16 =	simm.s32 $0xA930  }
0x375: {  	[hbm4b:s8+s4] =	stream.linear.scatter [tilespmem:s16], [sflag:$0x4], $0x80, $0x38;
	[tilespmem:$0xB700] =	vst v63  }
0x376: {  	s2 =	sadd.s32 $0x70, s2;
	s31 =	simm.s32 $0xA9B8  }
0x377: {  	[hbm4b:s2+s4] =	stream.linear.scatter [tilespmem:s31], [sflag:$0x4], $0x80, $0x38;
	[tilespmem:$0xB700] =	vst v63  }
0x378: {  	s8 =	simm.s32 $0xAA40;
	s2 =	sadd.s32 s0, s13  }
0x379: {  	[hbm4b:s2+s4] =	stream.linear.scatter [tilespmem:s8], [sflag:$0x4], $0x80, $0x38;
	[tilespmem:$0xB700] =	vst v63  }
0x37a: {  	s31 =	simm.s32 $0xAAC8;
	s16 =	sadd.s32 $0x10, s2  }
0x37b: {  	[hbm4b:s16+s4] =	stream.linear.scatter [tilespmem:s31], [sflag:$0x4], $0x80, $0x38;
	[tilespmem:$0xB700] =	vst v63  }
0x37c: {  	s16 =	sadd.s32 $0x20, s2;
	s31 =	simm.s32 $0xAB50  }
0x37d: {  	[hbm4b:s16+s4] =	stream.linear.scatter [tilespmem:s31], [sflag:$0x4], $0x80, $0x38;
	[tilespmem:$0xB700] =	vst v63  }
0x37e: {  	s16 =	sadd.s32 $0x30, s2;
	s31 =	simm.s32 $0xABD8  }
0x37f: {  	[hbm4b:s16+s4] =	stream.linear.scatter [tilespmem:s31], [sflag:$0x4], $0x80, $0x38;
	[tilespmem:$0xB700] =	vst v63  }
0x380: {  	s16 =	sadd.s32 $0x40, s2;
	s31 =	simm.s32 $0xAC60  }
0x381: {  	[hbm4b:s16+s4] =	stream.linear.scatter [tilespmem:s31], [sflag:$0x4], $0x80, $0x38;
	[tilespmem:$0xB700] =	vst v63  }
0x382: {  	s16 =	sadd.s32 $0x50, s2;
	s31 =	simm.s32 $0xACE8  }
0x383: {  	[hbm4b:s16+s4] =	stream.linear.scatter [tilespmem:s31], [sflag:$0x4], $0x80, $0x38;
	[tilespmem:$0xB700] =	vst v63  }
0x384: {  	s8 =	sadd.s32 $0x60, s2;
	s16 =	simm.s32 $0xAD70  }
0x385: {  	[hbm4b:s8+s4] =	stream.linear.scatter [tilespmem:s16], [sflag:$0x4], $0x80, $0x38;
	[tilespmem:$0xB700] =	vst v63  }
0x386: {  	s2 =	sadd.s32 $0x70, s2;
	s31 =	simm.s32 $0xADF8  }
0x387: {  	[hbm4b:s2+s4] =	stream.linear.scatter [tilespmem:s31], [sflag:$0x4], $0x80, $0x38;
	[tilespmem:$0xB700] =	vst v63  }
0x388: {  	s8 =	simm.s32 $0xAE80;
	s2 =	sadd.s32 s0, s14  }
0x389: {  	[hbm4b:s2+s4] =	stream.linear.scatter [tilespmem:s8], [sflag:$0x4], $0x80, $0x38;
	[tilespmem:$0xB700] =	vst v63  }
0x38a: {  	s31 =	simm.s32 $0xAF08;
	s16 =	sadd.s32 $0x10, s2  }
0x38b: {  	[hbm4b:s16+s4] =	stream.linear.scatter [tilespmem:s31], [sflag:$0x4], $0x80, $0x38;
	[tilespmem:$0xB700] =	vst v63  }
0x38c: {  	s16 =	sadd.s32 $0x20, s2;
	s31 =	simm.s32 $0xAF90  }
0x38d: {  	[hbm4b:s16+s4] =	stream.linear.scatter [tilespmem:s31], [sflag:$0x4], $0x80, $0x38;
	[tilespmem:$0xB700] =	vst v63  }
0x38e: {  	s16 =	sadd.s32 $0x30, s2;
	s31 =	simm.s32 $0xB018  }
0x38f: {  	[hbm4b:s16+s4] =	stream.linear.scatter [tilespmem:s31], [sflag:$0x4], $0x80, $0x38;
	[tilespmem:$0xB700] =	vst v63  }
0x390: {  	s16 =	sadd.s32 $0x40, s2;
	s31 =	simm.s32 $0xB0A0  }
0x391: {  	[hbm4b:s16+s4] =	stream.linear.scatter [tilespmem:s31], [sflag:$0x4], $0x80, $0x38;
	[tilespmem:$0xB700] =	vst v63  }
0x392: {  	s16 =	sadd.s32 $0x50, s2;
	s31 =	simm.s32 $0xB128  }
0x393: {  	[hbm4b:s16+s4] =	stream.linear.scatter [tilespmem:s31], [sflag:$0x4], $0x80, $0x38;
	[tilespmem:$0xB700] =	vst v63  }
0x394: {  	s8 =	sadd.s32 $0x60, s2;
	s16 =	simm.s32 $0xB1B0  }
0x395: {  	[hbm4b:s8+s4] =	stream.linear.scatter [tilespmem:s16], [sflag:$0x4], $0x80, $0x38;
	[tilespmem:$0xB700] =	vst v63  }
0x396: {  	s2 =	sadd.s32 $0x70, s2;
	s31 =	simm.s32 $0xB238  }
0x397: {  	[hbm4b:s2+s4] =	stream.linear.scatter [tilespmem:s31], [sflag:$0x4], $0x80, $0x38;
	[tilespmem:$0xB700] =	vst v63  }
0x398: {  	s0 =	sadd.s32 s0, s15;
	s8 =	simm.s32 $0xB2C0  }
0x399: {  	[hbm4b:s0+s4] =	stream.linear.scatter [tilespmem:s8], [sflag:$0x4], $0x80, $0x38;
	[tilespmem:$0xB700] =	vst v63  }
0x39a: {  	s16 =	sadd.s32 $0x10, s0;
	s31 =	simm.s32 $0xB348  }
0x39b: {  	[hbm4b:s16+s4] =	stream.linear.scatter [tilespmem:s31], [sflag:$0x4], $0x80, $0x38;
	[tilespmem:$0xB700] =	vst v63  }
0x39c: {  	s7 =	sadd.s32 $0x20, s0;
	s8 =	simm.s32 $0xB3D0  }
0x39d: {  	[hbm4b:s7+s4] =	stream.linear.scatter [tilespmem:s8], [sflag:$0x4], $0x80, $0x38;
	[tilespmem:$0xB700] =	vst v63  }
0x39e: {  	s16 =	sadd.s32 $0x30, s0;
	s31 =	simm.s32 $0xB458  }
0x39f: {  	[hbm4b:s16+s4] =	stream.linear.scatter [tilespmem:s31], [sflag:$0x4], $0x80, $0x38;
	[tilespmem:$0xB700] =	vst v63  }
0x3a0: {  	s30 =	sadd.s32 $0x1, s30;
	s7 =	sadd.s32 $0x40, s0;
	s8 =	simm.s32 $0xB4E0  }
0x3a1: {  	[hbm4b:s7+s4] =	stream.linear.scatter [tilespmem:s8], [sflag:$0x4], $0x80, $0x38;
	[tilespmem:$0xB700] =	vst v63  }
0x3a2: {  	p0 =	sne.s32 s30, $0x64;
	s16 =	sadd.s32 $0x50, s0  }
0x3a3: {  	[hbm4b:s16+s4] =	stream.linear.scatter [tilespmem:s26], [sflag:$0x4], $0x80, $0x38;
	[tilespmem:$0xB700] =	vst v63  }
.Ltmp5:
0x3a4: {  	_ = 	snop;
	(pc) =	sbr.rel @p0 .LBB2_2-.Ltmp5, $4  }
0x3a5: {  	s31 =	sadd.s32 $0x60, s0  }
0x3a6: {  	v6 =	vmov v58;
	v2 =	vmov v7;
	[hbm4b:s31+s4] =	stream.linear.scatter [tilespmem:s28], [sflag:$0x4], $0x80, $0x38;
	[tilespmem:$0xB700] =	vst v63  }
0x3a7: {  	v7 =	vmovc v8;
	v8 =	vmovc v10;
	v33 =	vmov v12;
	v10 =	vmov v13;
	v12 =	vmov v15;
	s0 =	sadd.s32 $0x70, s0  }
0x3a8: {  	v5 =	vmovc v9;
	v9 =	vmovc v62;
	v3 =	vmov v11;
	v11 =	vmov v28;
	v28 =	vmov v56;
	v0 =	vld [tilespmem:$0x1FE60];
	[hbm4b:s0+s4] =	stream.linear.scatter [tilespmem:s29], [sflag:$0x4], $0x80, $0x38  }
0x3a9: {  	s0 =	simm.s32 $0x3  }
0x3aa: {  	_ =	swait.ge [sflag:s0], $0x400  }
0x3ab: {  	[sflag:s0] =	ssyncset.done $0x0  }
0x3ac: {  	[sflag:s0] =	ssyncadd.s32 $0xFFFFFC00  }
0x3ad: {  	_ =	swait.ge [sflag:s0], $0x400  }
0x3ae: {  	[sflag:s0] =	ssyncset.done $0x0  }
0x3af: {  	[sflag:s0] =	ssyncadd.s32 $0xFFFFFC00  }
0x3b0: {  	_ =	swait.ge [sflag:s0], $0x400  }
0x3b1: {  	[sflag:s0] =	ssyncset.done $0x0  }
0x3b2: {  	[sflag:s0] =	ssyncadd.s32 $0xFFFFFC00  }
0x3b3: {  	_ =	swait.ge [sflag:s0], $0x400  }
0x3b4: {  	[sflag:s0] =	ssyncset.done $0x0  }
0x3b5: {  	[sflag:s0] =	ssyncadd.s32 $0xFFFFFC00  }
0x3b6: {  	_ =	swait.ge [sflag:s0], $0x400  }
0x3b7: {  	[sflag:s0] =	ssyncset.done $0x0  }
0x3b8: {  	[sflag:s0] =	ssyncadd.s32 $0xFFFFFC00  }
0x3b9: {  	_ =	swait.ge [sflag:s0], $0x400  }
0x3ba: {  	[sflag:s0] =	ssyncset.done $0x0  }
0x3bb: {  	[sflag:s0] =	ssyncadd.s32 $0xFFFFFC00  }
0x3bc: {  	_ =	swait.ge [sflag:s0], $0x400  }
0x3bd: {  	[sflag:s0] =	ssyncset.done $0x0  }
0x3be: {  	[sflag:s0] =	ssyncadd.s32 $0xFFFFFC00  }
0x3bf: {  	_ =	swait.ge [sflag:s0], $0x400  }
0x3c0: {  	[sflag:s0] =	ssyncset.done $0x0  }
0x3c1: {  	[sflag:s0] =	ssyncadd.s32 $0xFFFFFC00  }
0x3c2: {  	_ =	swait.ge [sflag:s22], $0x400  }
0x3c3: {  	[sflag:s22] =	ssyncset.done $0x0  }
0x3c4: {  	[sflag:s22] =	ssyncadd.s32 $0xFFFFFC00  }
0x3c5: {  	_ =	swait.ge [sflag:s22], $0x400  }
0x3c6: {  	[sflag:s22] =	ssyncset.done $0x0  }
0x3c7: {  	[sflag:s22] =	ssyncadd.s32 $0xFFFFFC00  }
0x3c8: {  	_ =	swait.ge [sflag:s22], $0x400  }
0x3c9: {  	[sflag:s22] =	ssyncset.done $0x0  }
0x3ca: {  	[sflag:s22] =	ssyncadd.s32 $0xFFFFFC00  }
0x3cb: {  	_ =	swait.ge [sflag:s22], $0x400  }
0x3cc: {  	[sflag:s22] =	ssyncset.done $0x0  }
0x3cd: {  	[sflag:s22] =	ssyncadd.s32 $0xFFFFFC00  }
0x3ce: {  	_ =	swait.ge [sflag:s22], $0x400  }
0x3cf: {  	[sflag:s22] =	ssyncset.done $0x0  }
0x3d0: {  	[sflag:s22] =	ssyncadd.s32 $0xFFFFFC00  }
0x3d1: {  	_ =	swait.ge [sflag:s22], $0x400  }
0x3d2: {  	[sflag:s22] =	ssyncset.done $0x0  }
0x3d3: {  	[sflag:s22] =	ssyncadd.s32 $0xFFFFFC00  }
0x3d4: {  	_ =	swait.ge [sflag:s22], $0x400  }
0x3d5: {  	[sflag:s22] =	ssyncset.done $0x0  }
0x3d6: {  	[sflag:s22] =	ssyncadd.s32 $0xFFFFFC00  }
0x3d7: {  	_ =	swait.ge [sflag:s22], $0x400  }
0x3d8: {  	s2 =	rddreg [dreg:$0x7]  }
0x3d9: {  	s31 =	rddreg [dreg:$0x6];
	s2 =	sadd.s32 $0x1, s2  }
0x3da: {  	p0 =	sne.s32 s2, s31  }
.Ltmp6:
0x3db: {  	_ = 	snop;
	(pc) =	sbr.rel @p0 .LBB2_1-.Ltmp6, $3  }
0x3dc: {  	_ =	sdelay $0x1  }
0x3dd: {  	[sflag:s22] =	ssyncset.done $0x0  }
0x3de: {  	v4 =	vmov v3;
	[sflag:s22] =	ssyncadd.s32 $0xFFFFFC00  }
0x3df: {  	_ =	sfence.sel $0x180000  }
0x3e0: {  	[bflag:$0x0] =	sbarrier.arrive $0xFFFF  }
0x3e1: {  	_ =	strace $0x90000047  }
0x3e2: {  	s0 =	stileid.u32;
	[bflag:$0x2] =	sbarrier.arrive $0xFFFF  }
0x3e3: {  	p0 =	sne.s32 s0, $0x0;
	s0 =	rddreg [dreg:$0x3]  }
0x3e4: {  	s0 =	sadd.s32 @!p0 $0x100000, s0  }
0x3e5: {  	[sflag:s0] =	ssyncadd.tile.s32 @!p0 $0x1;
	_ =	shalt  }
.Lfunc_end2:
_tile_overlayer_lowered:
.L_overlay_start_2:
0x3e6: {  	(tag) =	ssettag $0x2  }
0x3e7: {  	s0 =	rddreg [dreg:$0x0];
	s2 =	stileid.u32  }
0x3e8: {  	s1 =	rddreg [dreg:$0x1];
	p0 =	sne.s32 s2, $0x0  }
0x3e9: {  	s3 =	rddreg [dreg:$0x2];
	[bflag:$0x3] =	sbarrier.arrive $0xFFFF;
	s2 =	simm.s32 @!p0 $0x1C05  }
0x3ea: {  	[timem:s3], [sflag:s2] =	dma.local @!p0 [hbm:s0], s1  }
0x3eb: {  	s0 =	simm.s32 @!p0 $0x5  }
0x3ec: {  	_ =	swait.ge @!p0 [sflag:s0], s1  }
0x3ed: {  	s1 =	ssub.s32 @!p0 $0x0, s1;
	[sflag:s0] =	ssyncset.done @!p0 $0x0  }
0x3ee: {  	[sflag:s0] =	ssyncadd.s32 @!p0 s1  }
0x3ef: {  	[bflag:$0x3] =	sbarrier.arrive $0xFFFF  }
0x3f0: {  	_ =	shalt  }

</sc_bundles>
